<compile_context>
chip_gen: v7x
topology: tpu7x:2x2x1
jax: 0.10.2.dev20260603
libtpu: 0.0.44.dev20260713+nightly
codegen_flags: <defaults>
</compile_context>

<pallas_src>
import jax
import jax.numpy as jnp
from jax import lax
from jax.experimental import pallas as pl
from jax.experimental.pallas import tpu as pltpu
from jax.experimental.pallas import tpu_sc as plsc

N = 10000
NPAD = 10240
E = 160000
CHUNK = 128
NCH = E // CHUNK
NCHP = 1280
NC = 2
NS = 16
ROWS_PER_TILE = NPAD // NS
GPAD = 1024

_MESH = plsc.VectorSubcoreMesh(core_axis_name="c", subcore_axis_name="s")


RING_I = 4
RING_R = 2


def _make_sc_agg(feat_split, with_gather):
    cnt = NCHP // NS if feat_split else NCHP // (NC * NS)
    out_type = [jax.ShapeDtypeStruct((NC * NPAD, 128), jnp.float32)]
    scratch = [
        pltpu.VMEM((1, CHUNK), jnp.int32),
        pltpu.VMEM((1, CHUNK), jnp.int32),
        pltpu.VMEM((CHUNK, 128), jnp.float32),
        pltpu.VMEM_SHARED((NPAD, 128), jnp.float32),
    ]
    if with_gather:
        out_type.append(jax.ShapeDtypeStruct((GPAD, 128), jnp.float32))
        scratch += [
            pltpu.VMEM((1, GPAD // (NC * NS)), jnp.int32),
            pltpu.VMEM((GPAD // (NC * NS), 128), jnp.float32),
        ]

    def body(src_h, dst_h, table, zrs, *refs):
        if with_gather:
            (idxh, g2table, out, gout,
             gidx, didx, rows, acc, gi, grows) = refs
        else:
            out, gidx, didx, rows, acc = refs
        c = lax.axis_index("c")
        s = lax.axis_index("s")

        pltpu.sync_copy(zrs, acc.at[pl.ds(s * ROWS_PER_TILE, ROWS_PER_TILE)])
        plsc.subcore_barrier()

        if feat_split:
            base = s * cnt
            goff = c * (NCHP * CHUNK)
        else:
            base = (s * NC + c) * cnt
            goff = 0

        def step(j, _):
            eb = (base + j) * CHUNK
            pltpu.sync_copy(src_h.at[pl.ds(goff + eb, CHUNK)], gidx.at[0])
            pltpu.sync_copy(dst_h.at[pl.ds(eb, CHUNK)], didx.at[0])
            pltpu.sync_copy(table.at[gidx.at[0]], rows)
            pltpu.sync_copy(rows, acc.at[didx.at[0]], add=True)
            return 0

        lax.fori_loop(0, cnt, step, 0)

        if with_gather:
            gper = GPAD // (NC * NS)
            w = s * NC + c
            pltpu.sync_copy(idxh.at[pl.ds(w * gper, gper)], gi.at[0])
            pltpu.sync_copy(g2table.at[gi.at[0]], grows)
            pltpu.sync_copy(grows, gout.at[pl.ds(w * gper, gper)])

        plsc.subcore_barrier()
        r0 = s * ROWS_PER_TILE
        pltpu.sync_copy(acc.at[pl.ds(r0, ROWS_PER_TILE)],
                        out.at[pl.ds(c * NPAD + r0, ROWS_PER_TILE)])

    return pl.kernel(body, out_type=tuple(out_type) if with_gather else out_type[0],
                     mesh=_MESH, scratch_types=scratch)


def _make_sc_deg():
    cnt = NCHP // (NC * NS)
    scratch = [
        pltpu.VMEM((RING_I, 2, CHUNK), jnp.int32),
        pltpu.VMEM((CHUNK, 128), jnp.float32),
        pltpu.VMEM_SHARED((NPAD, 128), jnp.float32),
        pltpu.SemaphoreType.DMA((RING_I,)),
        pltpu.SemaphoreType.DMA((RING_R,)),
    ]

    def body(sd, ones, zrs, out, sdbuf, onesbuf, acc, semi, sems):
        c = lax.axis_index("c")
        s = lax.axis_index("s")
        pltpu.sync_copy(zrs, acc.at[pl.ds(s * ROWS_PER_TILE, ROWS_PER_TILE)])
        pltpu.sync_copy(ones, onesbuf)
        plsc.subcore_barrier()

        base = (s * NC + c) * cnt
        chunk_at = lambda j: sd.at[base + j]

        def idx_load(j):
            b = jnp.remainder(j, RING_I)
            pltpu.async_copy(chunk_at(j), sdbuf.at[b], semi.at[b])

        def idx_wait(j):
            b = jnp.remainder(j, RING_I)
            pltpu.make_async_copy(chunk_at(j), sdbuf.at[b], semi.at[b]).wait()

        def scat_start(j):
            bi = jnp.remainder(j, RING_I)
            br = jnp.remainder(j, RING_R)
            pltpu.async_copy(onesbuf, acc.at[sdbuf.at[bi, 1]], sems.at[br],
                             add=True)

        def scat_wait(j):
            bi = jnp.remainder(j, RING_I)
            br = jnp.remainder(j, RING_R)
            pltpu.make_async_copy(onesbuf, acc.at[sdbuf.at[bi, 1]],
                                  sems.at[br]).wait()

        idx_load(0)
        idx_load(1)

        def step(j, _):
            @pl.when(j >= 2)
            def _():
                scat_wait(j - 2)

            idx_wait(j)
            scat_start(j)

            @pl.when(j + 2 < cnt)
            def _():
                idx_load(j + 2)

            return 0

        lax.fori_loop(0, cnt, step, 0)
        scat_wait(cnt - 2)
        scat_wait(cnt - 1)
        plsc.subcore_barrier()
        r0 = s * ROWS_PER_TILE
        pltpu.sync_copy(acc.at[pl.ds(r0, ROWS_PER_TILE)],
                        out.at[pl.ds(c * NPAD + r0, ROWS_PER_TILE)])

    return pl.kernel(body, out_type=jax.ShapeDtypeStruct((NC * NPAD, 128), jnp.float32),
                     mesh=_MESH, scratch_types=scratch)



BM = 1000
NB = N // BM


def _dinv_col(dinvblk):
    return dinvblk[:, :1]


def _elu(x):
    return jnp.where(x > 0, x, jnp.exp(jnp.minimum(x, 0.0)) - 1.0)


def _ln(o, g, b, eps=1e-5):
    mu = jnp.mean(o, axis=-1, keepdims=True)
    var = jnp.mean((o - mu) * (o - mu), axis=-1, keepdims=True)
    return (o - mu) * lax.rsqrt(var + eps) * g + b


def _split2(p):
    h = p.shape[-1] // 2
    return jnp.stack([p[:, :h], p[:, h:]])


def _tc1_body(x_ref, w_ref, d_ref, o_ref, dv_ref):
    deg = d_ref[0, :, 0] + d_ref[1, :, 0] + 1.0
    dinv = lax.rsqrt(deg)[:, None]
    hw = jnp.dot(x_ref[...], w_ref[...], preferred_element_type=jnp.float32)
    o_ref[0] = hw * dinv
    dv_ref[...] = jnp.broadcast_to(dinv, dv_ref.shape)


def _tc2_body(a, p, d, w2, b1, g1, bn1, o_ref):
    dinv = _dinv_col(d[...])
    aa, pp = a[...], p[...]
    u = jnp.concatenate([aa[0] + pp[0], aa[1] + pp[1]], axis=-1) * dinv
    h = _ln(_elu(u + b1[...]), g1[...], bn1[...])
    o_ref[...] = jnp.dot(h, w2[...], preferred_element_type=jnp.float32) * dinv


def _tc3_body(a, p, d, b2, g2, bn2, h2_ref, p2p_ref):
    dinv = _dinv_col(d[...])
    aa = a[...]
    u = (aa[0] + aa[1] + p[...]) * dinv
    h = _ln(_elu(u + b2[...]), g2[...], bn2[...])
    h2_ref[...] = h
    p2p_ref[...] = h * dinv


def _tc4_body(a, p, d, w3, b3, g3, bn3, p3_ref):
    dinv = _dinv_col(d[...])
    aa = a[...]
    q = (aa[0] + aa[1] + p[...]) * dinv
    o = jnp.dot(q, w3[...], preferred_element_type=jnp.float32) + b3[...]
    h = _ln(_elu(o), g3[...], bn3[...])
    p3_ref[...] = _split2(h * dinv)


def _tc6_body(a, p, d, w4, b4, g4, bn4, h4_ref):
    dinv = _dinv_col(d[...])
    aa, pp = a[...], p[...]
    u = jnp.concatenate([aa[0] + pp[0], aa[1] + pp[1]], axis=-1) * dinv
    o = jnp.dot(u, w4[...], preferred_element_type=jnp.float32) + b4[...]
    h4_ref[...] = _ln(_elu(o), g4[...], bn4[...])


def _tc5_body(h_ref, w_ref, b_ref, o_ref):
    o_ref[...] = jnp.dot(h_ref[...], w_ref[...],
                         preferred_element_type=jnp.float32) + b_ref[...]


def _rows_spec(w):
    return pl.BlockSpec((2, BM, w), lambda i: (0, i, 0))


def _row_spec(w):
    return pl.BlockSpec((BM, w), lambda i: (i, 0))


def _full_spec(shape):
    return pl.BlockSpec(shape, lambda i: tuple(0 for _ in shape))


_DINV_SPEC = pl.BlockSpec((BM, 8), lambda i: (i, 0))


def kernel(x, edge_index, t, idx, W1, b1, g1, bn1, W2, b2, g2, bn2,
           W3, b3, g3, bn3, W4, b4, g4, bn4, fcW, fcb):
    f32 = jnp.float32
    src = edge_index[0]
    dst = edge_index[1]
    pad_e = NCHP * CHUNK - E
    srcp = jnp.concatenate([src, jnp.zeros((pad_e,), src.dtype)]).reshape(NCHP, CHUNK)
    dstp = jnp.concatenate([dst, jnp.full((pad_e,), N, dst.dtype)]).reshape(NCHP, CHUNK)
    sd_e = jnp.stack([srcp, dstp], axis=1)
    srcp1 = srcp.reshape(NCHP * CHUNK)
    dstp1 = dstp.reshape(NCHP * CHUNK)
    src2p = jnp.concatenate([srcp1, srcp1 + N])
    idxpad = jnp.concatenate([idx, jnp.zeros((GPAD - idx.shape[0],), idx.dtype)])
    z128 = jnp.zeros((ROWS_PER_TILE, 128), f32)
    ones128 = jnp.ones((CHUNK, 128), f32)

    deg2 = _make_sc_deg()(sd_e, ones128, z128).reshape(2, NPAD, 128)

    agg_feat = _make_sc_agg(True, False)
    agg_edge = _make_sc_agg(False, False)
    agg_edge_g = _make_sc_agg(False, True)

    b1r, g1r, bn1r = b1.reshape(1, -1), g1.reshape(1, -1), bn1.reshape(1, -1)
    b2r, g2r, bn2r = b2.reshape(1, -1), g2.reshape(1, -1), bn2.reshape(1, -1)
    b3r, g3r, bn3r = b3.reshape(1, -1), g3.reshape(1, -1), bn3.reshape(1, -1)
    b4r, g4r, bn4r = b4.reshape(1, -1), g4.reshape(1, -1), bn4.reshape(1, -1)

    p1, dinv8 = pl.pallas_call(
        _tc1_body,
        grid=(NB, 2),
        in_specs=[
            pl.BlockSpec((BM, 256), lambda i, j: (i, 0)),
            pl.BlockSpec((256, 128), lambda i, j: (0, j)),
            pl.BlockSpec((2, BM, 128), lambda i, j: (0, i, 0)),
        ],
        out_specs=[
            pl.BlockSpec((1, BM, 128), lambda i, j: (j, i, 0)),
            pl.BlockSpec((BM, 8), lambda i, j: (i, 0)),
        ],
        out_shape=[
            jax.ShapeDtypeStruct((2, N, 128), f32),
            jax.ShapeDtypeStruct((N, 8), f32),
        ],
    )(x, W1, deg2)

    a1 = agg_feat(src2p, dstp1, p1.reshape(2 * N, 128), z128).reshape(2, NPAD, 128)

    p2 = pl.pallas_call(
        _tc2_body,
        grid=(NB,),
        in_specs=[
            _rows_spec(128), pl.BlockSpec((2, BM, 128), lambda i: (0, i, 0)),
            _DINV_SPEC,
            _full_spec((256, 128)),
            _full_spec((1, 256)), _full_spec((1, 256)), _full_spec((1, 256)),
        ],
        out_specs=_row_spec(128),
        out_shape=jax.ShapeDtypeStruct((N, 128), f32),
    )(a1, p1.reshape(2, N, 128), dinv8, W2, b1r, g1r, bn1r)

    a2 = agg_edge(srcp1, dstp1, p2, z128).reshape(2, NPAD, 128)

    h2, p2p = pl.pallas_call(
        _tc3_body,
        grid=(NB,),
        in_specs=[
            _rows_spec(128), _row_spec(128), _DINV_SPEC,
            _full_spec((1, 128)), _full_spec((1, 128)), _full_spec((1, 128)),
        ],
        out_specs=[_row_spec(128), _row_spec(128)],
        out_shape=[
            jax.ShapeDtypeStruct((N, 128), f32),
            jax.ShapeDtypeStruct((N, 128), f32),
        ],
    )(a2, p2, dinv8, b2r, g2r, bn2r)

    a2p, h2g = agg_edge_g(srcp1, dstp1, p2p, z128, idxpad, h2)
    a2p = a2p.reshape(2, NPAD, 128)

    p3 = pl.pallas_call(
        _tc4_body,
        grid=(NB,),
        in_specs=[
            _rows_spec(128), _row_spec(128), _DINV_SPEC,
            _full_spec((128, 256)),
            _full_spec((1, 256)), _full_spec((1, 256)), _full_spec((1, 256)),
        ],
        out_specs=pl.BlockSpec((2, BM, 128), lambda i: (0, i, 0)),
        out_shape=jax.ShapeDtypeStruct((2, N, 128), f32),
    )(a2p, p2p, dinv8, W3, b3r, g3r, bn3r)

    cp = pl.pallas_call(
        _tc5_body,
        grid=(1,),
        in_specs=[
            pl.BlockSpec((GPAD, 128), lambda i: (0, 0)),
            _full_spec((128, 20)),
            _full_spec((1, 20)),
        ],
        out_specs=pl.BlockSpec((GPAD, 20), lambda i: (0, 0)),
        out_shape=jax.ShapeDtypeStruct((GPAD, 20), f32),
    )(h2g, fcW, fcb.reshape(1, -1))[: idx.shape[0]]

    a3 = agg_feat(src2p, dstp1, p3.reshape(2 * N, 128), z128).reshape(2, NPAD, 128)

    h4 = pl.pallas_call(
        _tc6_body,
        grid=(NB,),
        in_specs=[
            _rows_spec(128), pl.BlockSpec((2, BM, 128), lambda i: (0, i, 0)),
            _DINV_SPEC,
            _full_spec((256, 256)),
            _full_spec((1, 256)), _full_spec((1, 256)), _full_spec((1, 256)),
        ],
        out_specs=pl.BlockSpec((BM, 256), lambda i: (i, 0)),
        out_shape=jax.ShapeDtypeStruct((N, 256), f32),
    )(a3, p3.reshape(2, N, 128), dinv8, W4, b4r, g4r, bn4r)

    return (h2, h4, cp)

# --- scband reference (transcript-rebuilt; emitter-appended) ---
"""Pipeline reference for scband-single-model-31009663877403 (READ-ONLY COPY).

The authoritative reference and input builder live on the scoring server;
editing this copy changes nothing except your own understanding.
"""

import jax, jax.numpy as jnp
import numpy as np

N = 10000
E = 160000
IN = 256
MID = 256
OUT = 128
C = 20
N_IDX = 1000


def layer_norm(h, g, b, eps=1e-5):
    mu = jnp.mean(h, axis=-1, keepdims=True)
    var = jnp.var(h, axis=-1, keepdims=True)
    return (h - mu) / jnp.sqrt(var + eps) * g + b


def setup_inputs(seed: int = 0):
    key = jax.random.key(seed)
    ks = jax.random.split(key, 24)
    inp = {}
    inp['x'] = jax.random.normal(ks[0], (N, IN), jnp.float32)
    inp['edge_index'] = jax.random.randint(ks[1], (2, E), 0, N, jnp.int32)
    inp['t'] = 0
    inp['idx'] = jax.random.randint(ks[2], (N_IDX,), 0, N, jnp.int32)
    dims = [(IN, MID), (MID, OUT), (OUT, MID), (MID, IN)]
    for i, (di, do) in enumerate(dims, start=1):
        inp['W%d' % i] = jax.random.normal(ks[2 + 2 * i], (di, do), jnp.float32) * (1.0 / np.sqrt(di))
        inp['b%d' % i] = jnp.zeros((do,), jnp.float32)
        inp['g%d' % i] = jnp.ones((do,), jnp.float32)
        inp['bn%d' % i] = jnp.zeros((do,), jnp.float32)
    inp['fcW'] = jax.random.normal(ks[20], (OUT, C), jnp.float32) * (1.0 / np.sqrt(OUT))
    inp['fcb'] = jnp.zeros((C,), jnp.float32)
    return inp


def reference(x, edge_index, t, idx, W1, b1, g1, bn1, W2, b2, g2, bn2, W3, b3, g3, bn3, W4, b4, g4, bn4, fcW, fcb):
    # Eval-mode forward of SingleModel with GCN convs (add_self_loops=True).
    n = x.shape[0]
    loops = jnp.arange(n, dtype=edge_index.dtype)
    src = jnp.concatenate([edge_index[0], loops])
    dst = jnp.concatenate([edge_index[1], loops])
    deg = jnp.zeros((n,), jnp.float32).at[dst].add(1.0)
    dinv = jnp.where(deg > 0, 1.0 / jnp.sqrt(deg), 0.0)
    norm = dinv[src] * dinv[dst]

    def gcn(h, W, b):
        h = h @ W
        msg = h[src] * norm[:, None]
        return jnp.zeros((n, h.shape[1]), h.dtype).at[dst].add(msg) + b

    act = jax.nn.elu
    h1 = layer_norm(act(gcn(x, W1, b1)), g1, bn1)
    h2 = layer_norm(act(gcn(h1, W2, b2)), g2, bn2)
    h3 = layer_norm(act(gcn(h2, W3, b3)), g3, bn3)
    h4 = layer_norm(act(gcn(h3, W4, b4)), g4, bn4)
    class_prediction = h2[idx] @ fcW + fcb
    return (h2, h4, class_prediction)

if __name__ == "__main__":
    import jax
    _d = setup_inputs()
    print(jax.jit(kernel)(*tuple(_d.values())))

</pallas_src>

<mosaic_0001>
#map = affine_map<(d0, d1) -> (0)>
#map1 = affine_map<(d0, d1) -> (0, 0)>
module attributes {stable_mosaic.version = 14 : i64} {
  func.func @body(%arg0: i32, %arg1: i32, %arg2: memref<327680xi32, #tpu.memory_space<hbm>>, %arg3: memref<163840xi32, #tpu.memory_space<hbm>>, %arg4: memref<20000x128xf32, #tpu.memory_space<hbm>>, %arg5: memref<640x128xf32, #tpu.memory_space<hbm>>, %arg6: memref<20480x128xf32, #tpu.memory_space<hbm>>, %arg7: memref<1x128xi32, #tpu.memory_space<vmem>>, %arg8: memref<1x128xi32, #tpu.memory_space<vmem>>, %arg9: memref<128x128xf32, #tpu.memory_space<vmem>>, %arg10: memref<10240x128xf32, #tpu.memory_space<vmem_shared>>) attributes {dimension_semantics = [#tpu.dimension_semantics<core_parallel>, #tpu.dimension_semantics<subcore_parallel>], iteration_bounds = array<i64: 2, 16>, scalar_prefetch = 0 : i64, scratch_operands = 4 : i64, tpu.core_type = #tpu.core_type<sc_vector_subcore>, window_params = [{transform_indices = #map}, {transform_indices = #map}, {transform_indices = #map1}, {transform_indices = #map1}, {transform_indices = #map1}]} {
    %mul3A = arith.constant 640 : i32
    %mul3A_0 = arith.muli %arg1, %mul3A : i32
    "tpu.region"() ({
      %run_scoped3A = tpu.sem_alloc : memref<!tpu.dma_semaphore, #tpu.memory_space<semaphore_mem>>
      %dma_start3A = arith.constant 0 : i32
      %dma_start3A_16 = tpu.memref_slice %arg10[%mul3A_0, %dma_start3A] : memref<10240x128xf32, #tpu.memory_space<vmem_shared>> -> memref<640x128xf32, #tpu.memory_space<vmem_shared>>
      tpu.enqueue_dma source(%arg5 : memref<640x128xf32, #tpu.memory_space<hbm>>) target(%dma_start3A_16 : memref<640x128xf32, #tpu.memory_space<vmem_shared>>) target_semaphore(%run_scoped3A : memref<!tpu.dma_semaphore, #tpu.memory_space<semaphore_mem>>)
      %dma_wait3A = arith.constant 0 : i32
      %dma_wait3A_17 = tpu.memref_slice %arg10[%mul3A_0, %dma_wait3A] : memref<10240x128xf32, #tpu.memory_space<vmem_shared>> -> memref<640x128xf32, #tpu.memory_space<vmem_shared>>
      tpu.wait_dma2 semaphore(%run_scoped3A : memref<!tpu.dma_semaphore, #tpu.memory_space<semaphore_mem>>) src(%arg5 : memref<640x128xf32, #tpu.memory_space<hbm>>) dst(%dma_wait3A_17 : memref<640x128xf32, #tpu.memory_space<vmem_shared>>)
      tpu.yield
    }) : () -> ()
    %barrier3A = arith.constant 0 : index
    tpu.barrier barrier_id(%barrier3A)
    %mul3A_1 = arith.constant 80 : i32
    %mul3A_2 = arith.muli %arg1, %mul3A_1 : i32
    %mul3A_3 = arith.constant 163840 : i32
    %mul3A_4 = arith.muli %arg0, %mul3A_3 : i32
    %scan3A = arith.constant 0 : i32
    %scan3A_5 = arith.constant 0 : i32
    %scan3A_6 = arith.constant 80 : i32
    %scan3A_7 = arith.addi %scan3A_5, %scan3A_6 : i32
    %scan3A_8 = arith.constant 1 : i32
    %scan3A_9 = scf.for %scan3A_16 = %scan3A_5 to %scan3A_7 step %scan3A_8 iter_args(%scan3A_17 = %scan3A) -> (i32)  : i32 {
      %add3A_18 = arith.addi %mul3A_2, %scan3A_16 : i32
      %mul3A_19 = arith.constant 128 : i32
      %mul3A_20 = arith.muli %add3A_18, %mul3A_19 : i32
      %add3A_21 = arith.addi %mul3A_4, %mul3A_20 : i32
      %run_scoped3A = arith.constant 0 : i32
      "tpu.region"() ({
        %run_scoped3A_26 = tpu.sem_alloc : memref<!tpu.dma_semaphore, #tpu.memory_space<semaphore_mem>>
        %dma_start3A = arith.constant 0 : i32
        %dma_start3A_27 = tpu.memref_slice %arg7[%run_scoped3A, %dma_start3A] : memref<1x128xi32, #tpu.memory_space<vmem>> -> memref<1x128xi32, #tpu.memory_space<vmem>>
        %dma_start3A_28 = tpu.memref_squeeze %dma_start3A_27 : memref<1x128xi32, #tpu.memory_space<vmem>> -> memref<128xi32, #tpu.memory_space<vmem>>
        %dma_start3A_29 = tpu.memref_slice %arg2[%add3A_21] : memref<327680xi32, #tpu.memory_space<hbm>> -> memref<128xi32, #tpu.memory_space<hbm>>
        %dma_start3A_30 = arith.constant 0 : i32
        %dma_start3A_31 = tpu.memref_slice %arg7[%run_scoped3A, %dma_start3A_30] : memref<1x128xi32, #tpu.memory_space<vmem>> -> memref<1x128xi32, #tpu.memory_space<vmem>>
        %dma_start3A_32 = tpu.memref_squeeze %dma_start3A_31 : memref<1x128xi32, #tpu.memory_space<vmem>> -> memref<128xi32, #tpu.memory_space<vmem>>
        %dma_start3A_33 = tpu.memref_slice %arg2[%add3A_21] : memref<327680xi32, #tpu.memory_space<hbm>> -> memref<128xi32, #tpu.memory_space<hbm>>
        tpu.enqueue_dma source(%dma_start3A_33 : memref<128xi32, #tpu.memory_space<hbm>>) target(%dma_start3A_32 : memref<128xi32, #tpu.memory_space<vmem>>) target_semaphore(%run_scoped3A_26 : memref<!tpu.dma_semaphore, #tpu.memory_space<semaphore_mem>>)
        %dma_wait3A = arith.constant 0 : i32
        %dma_wait3A_34 = tpu.memref_slice %arg7[%run_scoped3A, %dma_wait3A] : memref<1x128xi32, #tpu.memory_space<vmem>> -> memref<1x128xi32, #tpu.memory_space<vmem>>
        %dma_wait3A_35 = tpu.memref_squeeze %dma_wait3A_34 : memref<1x128xi32, #tpu.memory_space<vmem>> -> memref<128xi32, #tpu.memory_space<vmem>>
        %dma_wait3A_36 = tpu.memref_slice %arg2[%add3A_21] : memref<327680xi32, #tpu.memory_space<hbm>> -> memref<128xi32, #tpu.memory_space<hbm>>
        %dma_wait3A_37 = arith.constant 0 : i32
        %dma_wait3A_38 = tpu.memref_slice %arg7[%run_scoped3A, %dma_wait3A_37] : memref<1x128xi32, #tpu.memory_space<vmem>> -> memref<1x128xi32, #tpu.memory_space<vmem>>
        %dma_wait3A_39 = tpu.memref_squeeze %dma_wait3A_38 : memref<1x128xi32, #tpu.memory_space<vmem>> -> memref<128xi32, #tpu.memory_space<vmem>>
        %dma_wait3A_40 = tpu.memref_slice %arg2[%add3A_21] : memref<327680xi32, #tpu.memory_space<hbm>> -> memref<128xi32, #tpu.memory_space<hbm>>
        tpu.wait_dma2 semaphore(%run_scoped3A_26 : memref<!tpu.dma_semaphore, #tpu.memory_space<semaphore_mem>>) src(%dma_wait3A_40 : memref<128xi32, #tpu.memory_space<hbm>>) dst(%dma_wait3A_39 : memref<128xi32, #tpu.memory_space<vmem>>)
        tpu.yield
      }) : () -> ()
      %run_scoped3A_22 = arith.constant 0 : i32
      "tpu.region"() ({
        %run_scoped3A_26 = tpu.sem_alloc : memref<!tpu.dma_semaphore, #tpu.memory_space<semaphore_mem>>
        %dma_start3A = arith.constant 0 : i32
        %dma_start3A_27 = tpu.memref_slice %arg8[%run_scoped3A_22, %dma_start3A] : memref<1x128xi32, #tpu.memory_space<vmem>> -> memref<1x128xi32, #tpu.memory_space<vmem>>
        %dma_start3A_28 = tpu.memref_squeeze %dma_start3A_27 : memref<1x128xi32, #tpu.memory_space<vmem>> -> memref<128xi32, #tpu.memory_space<vmem>>
        %dma_start3A_29 = tpu.memref_slice %arg3[%mul3A_20] : memref<163840xi32, #tpu.memory_space<hbm>> -> memref<128xi32, #tpu.memory_space<hbm>>
        %dma_start3A_30 = arith.constant 0 : i32
        %dma_start3A_31 = tpu.memref_slice %arg8[%run_scoped3A_22, %dma_start3A_30] : memref<1x128xi32, #tpu.memory_space<vmem>> -> memref<1x128xi32, #tpu.memory_space<vmem>>
        %dma_start3A_32 = tpu.memref_squeeze %dma_start3A_31 : memref<1x128xi32, #tpu.memory_space<vmem>> -> memref<128xi32, #tpu.memory_space<vmem>>
        %dma_start3A_33 = tpu.memref_slice %arg3[%mul3A_20] : memref<163840xi32, #tpu.memory_space<hbm>> -> memref<128xi32, #tpu.memory_space<hbm>>
        tpu.enqueue_dma source(%dma_start3A_33 : memref<128xi32, #tpu.memory_space<hbm>>) target(%dma_start3A_32 : memref<128xi32, #tpu.memory_space<vmem>>) target_semaphore(%run_scoped3A_26 : memref<!tpu.dma_semaphore, #tpu.memory_space<semaphore_mem>>)
        %dma_wait3A = arith.constant 0 : i32
        %dma_wait3A_34 = tpu.memref_slice %arg8[%run_scoped3A_22, %dma_wait3A] : memref<1x128xi32, #tpu.memory_space<vmem>> -> memref<1x128xi32, #tpu.memory_space<vmem>>
        %dma_wait3A_35 = tpu.memref_squeeze %dma_wait3A_34 : memref<1x128xi32, #tpu.memory_space<vmem>> -> memref<128xi32, #tpu.memory_space<vmem>>
        %dma_wait3A_36 = tpu.memref_slice %arg3[%mul3A_20] : memref<163840xi32, #tpu.memory_space<hbm>> -> memref<128xi32, #tpu.memory_space<hbm>>
        %dma_wait3A_37 = arith.constant 0 : i32
        %dma_wait3A_38 = tpu.memref_slice %arg8[%run_scoped3A_22, %dma_wait3A_37] : memref<1x128xi32, #tpu.memory_space<vmem>> -> memref<1x128xi32, #tpu.memory_space<vmem>>
        %dma_wait3A_39 = tpu.memref_squeeze %dma_wait3A_38 : memref<1x128xi32, #tpu.memory_space<vmem>> -> memref<128xi32, #tpu.memory_space<vmem>>
        %dma_wait3A_40 = tpu.memref_slice %arg3[%mul3A_20] : memref<163840xi32, #tpu.memory_space<hbm>> -> memref<128xi32, #tpu.memory_space<hbm>>
        tpu.wait_dma2 semaphore(%run_scoped3A_26 : memref<!tpu.dma_semaphore, #tpu.memory_space<semaphore_mem>>) src(%dma_wait3A_40 : memref<128xi32, #tpu.memory_space<hbm>>) dst(%dma_wait3A_39 : memref<128xi32, #tpu.memory_space<vmem>>)
        tpu.yield
      }) : () -> ()
      %run_scoped3A_23 = arith.constant 0 : i32
      "tpu.region"() ({
        %run_scoped3A_26 = tpu.sem_alloc : memref<!tpu.dma_semaphore, #tpu.memory_space<semaphore_mem>>
        %dma_start3A = arith.constant 0 : i32
        %dma_start3A_27 = tpu.memref_slice %arg7[%run_scoped3A_23, %dma_start3A] : memref<1x128xi32, #tpu.memory_space<vmem>> -> memref<1x128xi32, #tpu.memory_space<vmem>>
        %dma_start3A_28 = tpu.memref_squeeze %dma_start3A_27 : memref<1x128xi32, #tpu.memory_space<vmem>> -> memref<128xi32, #tpu.memory_space<vmem>>
        %dma_start3A_29 = arith.constant 0 : i32
        %dma_start3A_30 = arith.constant 0 : i32
        %dma_start3A_31 = tpu.memref_slice %arg4[%dma_start3A_29, %dma_start3A_30] : memref<20000x128xf32, #tpu.memory_space<hbm>> -> memref<20000x128xf32, #tpu.memory_space<hbm>>
        tpu.enqueue_indirect_dma source(%dma_start3A_31 : memref<20000x128xf32, #tpu.memory_space<hbm>>) target(%arg9 : memref<128x128xf32, #tpu.memory_space<vmem>>) offsets(%dma_start3A_28 : memref<128xi32, #tpu.memory_space<vmem>>) semaphore(%run_scoped3A_26 : memref<!tpu.dma_semaphore, #tpu.memory_space<semaphore_mem>>)
        %dma_wait3A = arith.constant 0 : i32
        %dma_wait3A_32 = tpu.memref_slice %arg7[%run_scoped3A_23, %dma_wait3A] : memref<1x128xi32, #tpu.memory_space<vmem>> -> memref<1x128xi32, #tpu.memory_space<vmem>>
        %dma_wait3A_33 = tpu.memref_squeeze %dma_wait3A_32 : memref<1x128xi32, #tpu.memory_space<vmem>> -> memref<128xi32, #tpu.memory_space<vmem>>
        %dma_wait3A_34 = arith.constant 0 : i32
        %dma_wait3A_35 = arith.constant 0 : i32
        %dma_wait3A_36 = tpu.memref_slice %arg4[%dma_wait3A_34, %dma_wait3A_35] : memref<20000x128xf32, #tpu.memory_space<hbm>> -> memref<20000x128xf32, #tpu.memory_space<hbm>>
        tpu.wait_indirect_dma semaphore(%run_scoped3A_26 : memref<!tpu.dma_semaphore, #tpu.memory_space<semaphore_mem>>) src(%dma_wait3A_36 : memref<20000x128xf32, #tpu.memory_space<hbm>>) dst(%arg9 : memref<128x128xf32, #tpu.memory_space<vmem>>)
        tpu.yield
      }) : () -> ()
      %run_scoped3A_24 = arith.constant 0 : i32
      "tpu.region"() ({
        %run_scoped3A_26 = tpu.sem_alloc : memref<!tpu.dma_semaphore, #tpu.memory_space<semaphore_mem>>
        %dma_start3A = arith.constant 0 : i32
        %dma_start3A_27 = tpu.memref_slice %arg8[%run_scoped3A_24, %dma_start3A] : memref<1x128xi32, #tpu.memory_space<vmem>> -> memref<1x128xi32, #tpu.memory_space<vmem>>
        %dma_start3A_28 = tpu.memref_squeeze %dma_start3A_27 : memref<1x128xi32, #tpu.memory_space<vmem>> -> memref<128xi32, #tpu.memory_space<vmem>>
        %dma_start3A_29 = arith.constant 0 : i32
        %dma_start3A_30 = arith.constant 0 : i32
        %dma_start3A_31 = tpu.memref_slice %arg10[%dma_start3A_29, %dma_start3A_30] : memref<10240x128xf32, #tpu.memory_space<vmem_shared>> -> memref<10240x128xf32, #tpu.memory_space<vmem_shared>>
        tpu.enqueue_indirect_dma source(%arg9 : memref<128x128xf32, #tpu.memory_space<vmem>>) target(%dma_start3A_31 : memref<10240x128xf32, #tpu.memory_space<vmem_shared>>) offsets(%dma_start3A_28 : memref<128xi32, #tpu.memory_space<vmem>>) semaphore(%run_scoped3A_26 : memref<!tpu.dma_semaphore, #tpu.memory_space<semaphore_mem>>) {add = true}
        %dma_wait3A = arith.constant 0 : i32
        %dma_wait3A_32 = tpu.memref_slice %arg8[%run_scoped3A_24, %dma_wait3A] : memref<1x128xi32, #tpu.memory_space<vmem>> -> memref<1x128xi32, #tpu.memory_space<vmem>>
        %dma_wait3A_33 = tpu.memref_squeeze %dma_wait3A_32 : memref<1x128xi32, #tpu.memory_space<vmem>> -> memref<128xi32, #tpu.memory_space<vmem>>
        %dma_wait3A_34 = arith.constant 0 : i32
        %dma_wait3A_35 = arith.constant 0 : i32
        %dma_wait3A_36 = tpu.memref_slice %arg10[%dma_wait3A_34, %dma_wait3A_35] : memref<10240x128xf32, #tpu.memory_space<vmem_shared>> -> memref<10240x128xf32, #tpu.memory_space<vmem_shared>>
        tpu.wait_indirect_dma semaphore(%run_scoped3A_26 : memref<!tpu.dma_semaphore, #tpu.memory_space<semaphore_mem>>) src(%arg9 : memref<128x128xf32, #tpu.memory_space<vmem>>) dst(%dma_wait3A_36 : memref<10240x128xf32, #tpu.memory_space<vmem_shared>>)
        tpu.yield
      }) : () -> ()
      %scan3A_25 = arith.constant 0 : i32
      scf.yield %scan3A_25 : i32
    }
    %scan3A_10 = arith.constant 80 : i32
    %barrier3A_11 = arith.constant 0 : index
    tpu.barrier barrier_id(%barrier3A_11)
    %mul3A_12 = arith.constant 640 : i32
    %mul3A_13 = arith.muli %arg1, %mul3A_12 : i32
    %mul3A_14 = arith.constant 10240 : i32
    %mul3A_15 = arith.muli %arg0, %mul3A_14 : i32
    %add3A = arith.addi %mul3A_15, %mul3A_13 : i32
    "tpu.region"() ({
      %run_scoped3A = tpu.sem_alloc : memref<!tpu.dma_semaphore, #tpu.memory_space<semaphore_mem>>
      %dma_start3A = arith.constant 0 : i32
      %dma_start3A_16 = tpu.memref_slice %arg6[%add3A, %dma_start3A] : memref<20480x128xf32, #tpu.memory_space<hbm>> -> memref<640x128xf32, #tpu.memory_space<hbm>>
      %dma_start3A_17 = arith.constant 0 : i32
      %dma_start3A_18 = tpu.memref_slice %arg10[%mul3A_13, %dma_start3A_17] : memref<10240x128xf32, #tpu.memory_space<vmem_shared>> -> memref<640x128xf32, #tpu.memory_space<vmem_shared>>
      tpu.enqueue_dma source(%dma_start3A_18 : memref<640x128xf32, #tpu.memory_space<vmem_shared>>) target(%dma_start3A_16 : memref<640x128xf32, #tpu.memory_space<hbm>>) target_semaphore(%run_scoped3A : memref<!tpu.dma_semaphore, #tpu.memory_space<semaphore_mem>>)
      %dma_wait3A = arith.constant 0 : i32
      %dma_wait3A_19 = tpu.memref_slice %arg6[%add3A, %dma_wait3A] : memref<20480x128xf32, #tpu.memory_space<hbm>> -> memref<640x128xf32, #tpu.memory_space<hbm>>
      %dma_wait3A_20 = arith.constant 0 : i32
      %dma_wait3A_21 = tpu.memref_slice %arg10[%mul3A_13, %dma_wait3A_20] : memref<10240x128xf32, #tpu.memory_space<vmem_shared>> -> memref<640x128xf32, #tpu.memory_space<vmem_shared>>
      tpu.wait_dma2 semaphore(%run_scoped3A : memref<!tpu.dma_semaphore, #tpu.memory_space<semaphore_mem>>) src(%dma_wait3A_21 : memref<640x128xf32, #tpu.memory_space<vmem_shared>>) dst(%dma_wait3A_19 : memref<640x128xf32, #tpu.memory_space<hbm>>)
      tpu.yield
    }) : () -> ()
    return
  }
}

#map = affine_map<(d0, d1) -> (0)>
#map1 = affine_map<(d0, d1) -> (0, 0)>
module attributes {stable_mosaic.version = 14 : i64} {
  func.func @body(%arg0: i32, %arg1: i32, %arg2: memref<163840xi32, #tpu.memory_space<hbm>>, %arg3: memref<163840xi32, #tpu.memory_space<hbm>>, %arg4: memref<10000x128xf32, #tpu.memory_space<hbm>>, %arg5: memref<640x128xf32, #tpu.memory_space<hbm>>, %arg6: memref<1024xi32, #tpu.memory_space<hbm>>, %arg7: memref<10000x128xf32, #tpu.memory_space<hbm>>, %arg8: memref<20480x128xf32, #tpu.memory_space<hbm>>, %arg9: memref<1024x128xf32, #tpu.memory_space<hbm>>, %arg10: memref<1x128xi32, #tpu.memory_space<vmem>>, %arg11: memref<1x128xi32, #tpu.memory_space<vmem>>, %arg12: memref<128x128xf32, #tpu.memory_space<vmem>>, %arg13: memref<10240x128xf32, #tpu.memory_space<vmem_shared>>, %arg14: memref<1x32xi32, #tpu.memory_space<vmem>>, %arg15: memref<32x128xf32, #tpu.memory_space<vmem>>) attributes {dimension_semantics = [#tpu.dimension_semantics<core_parallel>, #tpu.dimension_semantics<subcore_parallel>], iteration_bounds = array<i64: 2, 16>, scalar_prefetch = 0 : i64, scratch_operands = 6 : i64, tpu.core_type = #tpu.core_type<sc_vector_subcore>, window_params = [{transform_indices = #map}, {transform_indices = #map}, {transform_indices = #map1}, {transform_indices = #map1}, {transform_indices = #map}, {transform_indices = #map1}, {transform_indices = #map1}, {transform_indices = #map1}]} {
    %mul3A = arith.constant 640 : i32
    %mul3A_0 = arith.muli %arg1, %mul3A : i32
    "tpu.region"() ({
      %run_scoped3A_25 = tpu.sem_alloc : memref<!tpu.dma_semaphore, #tpu.memory_space<semaphore_mem>>
      %dma_start3A = arith.constant 0 : i32
      %dma_start3A_26 = tpu.memref_slice %arg13[%mul3A_0, %dma_start3A] : memref<10240x128xf32, #tpu.memory_space<vmem_shared>> -> memref<640x128xf32, #tpu.memory_space<vmem_shared>>
      tpu.enqueue_dma source(%arg5 : memref<640x128xf32, #tpu.memory_space<hbm>>) target(%dma_start3A_26 : memref<640x128xf32, #tpu.memory_space<vmem_shared>>) target_semaphore(%run_scoped3A_25 : memref<!tpu.dma_semaphore, #tpu.memory_space<semaphore_mem>>)
      %dma_wait3A = arith.constant 0 : i32
      %dma_wait3A_27 = tpu.memref_slice %arg13[%mul3A_0, %dma_wait3A] : memref<10240x128xf32, #tpu.memory_space<vmem_shared>> -> memref<640x128xf32, #tpu.memory_space<vmem_shared>>
      tpu.wait_dma2 semaphore(%run_scoped3A_25 : memref<!tpu.dma_semaphore, #tpu.memory_space<semaphore_mem>>) src(%arg5 : memref<640x128xf32, #tpu.memory_space<hbm>>) dst(%dma_wait3A_27 : memref<640x128xf32, #tpu.memory_space<vmem_shared>>)
      tpu.yield
    }) : () -> ()
    %barrier3A = arith.constant 0 : index
    tpu.barrier barrier_id(%barrier3A)
    %mul3A_1 = arith.constant 2 : i32
    %mul3A_2 = arith.muli %arg1, %mul3A_1 : i32
    %add3A = arith.addi %mul3A_2, %arg0 : i32
    %mul3A_3 = arith.constant 40 : i32
    %mul3A_4 = arith.muli %add3A, %mul3A_3 : i32
    %scan3A = arith.constant 0 : i32
    %scan3A_5 = arith.constant 0 : i32
    %scan3A_6 = arith.constant 40 : i32
    %scan3A_7 = arith.addi %scan3A_5, %scan3A_6 : i32
    %scan3A_8 = arith.constant 1 : i32
    %scan3A_9 = scf.for %scan3A_25 = %scan3A_5 to %scan3A_7 step %scan3A_8 iter_args(%scan3A_26 = %scan3A) -> (i32)  : i32 {
      %add3A_27 = arith.addi %mul3A_4, %scan3A_25 : i32
      %mul3A_28 = arith.constant 128 : i32
      %mul3A_29 = arith.muli %add3A_27, %mul3A_28 : i32
      %add3A_30 = arith.constant 0 : i32
      %add3A_31 = arith.addi %add3A_30, %mul3A_29 : i32
      %run_scoped3A_32 = arith.constant 0 : i32
      "tpu.region"() ({
        %run_scoped3A_37 = tpu.sem_alloc : memref<!tpu.dma_semaphore, #tpu.memory_space<semaphore_mem>>
        %dma_start3A = arith.constant 0 : i32
        %dma_start3A_38 = tpu.memref_slice %arg10[%run_scoped3A_32, %dma_start3A] : memref<1x128xi32, #tpu.memory_space<vmem>> -> memref<1x128xi32, #tpu.memory_space<vmem>>
        %dma_start3A_39 = tpu.memref_squeeze %dma_start3A_38 : memref<1x128xi32, #tpu.memory_space<vmem>> -> memref<128xi32, #tpu.memory_space<vmem>>
        %dma_start3A_40 = tpu.memref_slice %arg2[%add3A_31] : memref<163840xi32, #tpu.memory_space<hbm>> -> memref<128xi32, #tpu.memory_space<hbm>>
        %dma_start3A_41 = arith.constant 0 : i32
        %dma_start3A_42 = tpu.memref_slice %arg10[%run_scoped3A_32, %dma_start3A_41] : memref<1x128xi32, #tpu.memory_space<vmem>> -> memref<1x128xi32, #tpu.memory_space<vmem>>
        %dma_start3A_43 = tpu.memref_squeeze %dma_start3A_42 : memref<1x128xi32, #tpu.memory_space<vmem>> -> memref<128xi32, #tpu.memory_space<vmem>>
        %dma_start3A_44 = tpu.memref_slice %arg2[%add3A_31] : memref<163840xi32, #tpu.memory_space<hbm>> -> memref<128xi32, #tpu.memory_space<hbm>>
        tpu.enqueue_dma source(%dma_start3A_44 : memref<128xi32, #tpu.memory_space<hbm>>) target(%dma_start3A_43 : memref<128xi32, #tpu.memory_space<vmem>>) target_semaphore(%run_scoped3A_37 : memref<!tpu.dma_semaphore, #tpu.memory_space<semaphore_mem>>)
        %dma_wait3A = arith.constant 0 : i32
        %dma_wait3A_45 = tpu.memref_slice %arg10[%run_scoped3A_32, %dma_wait3A] : memref<1x128xi32, #tpu.memory_space<vmem>> -> memref<1x128xi32, #tpu.memory_space<vmem>>
        %dma_wait3A_46 = tpu.memref_squeeze %dma_wait3A_45 : memref<1x128xi32, #tpu.memory_space<vmem>> -> memref<128xi32, #tpu.memory_space<vmem>>
        %dma_wait3A_47 = tpu.memref_slice %arg2[%add3A_31] : memref<163840xi32, #tpu.memory_space<hbm>> -> memref<128xi32, #tpu.memory_space<hbm>>
        %dma_wait3A_48 = arith.constant 0 : i32
        %dma_wait3A_49 = tpu.memref_slice %arg10[%run_scoped3A_32, %dma_wait3A_48] : memref<1x128xi32, #tpu.memory_space<vmem>> -> memref<1x128xi32, #tpu.memory_space<vmem>>
        %dma_wait3A_50 = tpu.memref_squeeze %dma_wait3A_49 : memref<1x128xi32, #tpu.memory_space<vmem>> -> memref<128xi32, #tpu.memory_space<vmem>>
        %dma_wait3A_51 = tpu.memref_slice %arg2[%add3A_31] : memref<163840xi32, #tpu.memory_space<hbm>> -> memref<128xi32, #tpu.memory_space<hbm>>
        tpu.wait_dma2 semaphore(%run_scoped3A_37 : memref<!tpu.dma_semaphore, #tpu.memory_space<semaphore_mem>>) src(%dma_wait3A_51 : memref<128xi32, #tpu.memory_space<hbm>>) dst(%dma_wait3A_50 : memref<128xi32, #tpu.memory_space<vmem>>)
        tpu.yield
      }) : () -> ()
      %run_scoped3A_33 = arith.constant 0 : i32
      "tpu.region"() ({
        %run_scoped3A_37 = tpu.sem_alloc : memref<!tpu.dma_semaphore, #tpu.memory_space<semaphore_mem>>
        %dma_start3A = arith.constant 0 : i32
        %dma_start3A_38 = tpu.memref_slice %arg11[%run_scoped3A_33, %dma_start3A] : memref<1x128xi32, #tpu.memory_space<vmem>> -> memref<1x128xi32, #tpu.memory_space<vmem>>
        %dma_start3A_39 = tpu.memref_squeeze %dma_start3A_38 : memref<1x128xi32, #tpu.memory_space<vmem>> -> memref<128xi32, #tpu.memory_space<vmem>>
        %dma_start3A_40 = tpu.memref_slice %arg3[%mul3A_29] : memref<163840xi32, #tpu.memory_space<hbm>> -> memref<128xi32, #tpu.memory_space<hbm>>
        %dma_start3A_41 = arith.constant 0 : i32
        %dma_start3A_42 = tpu.memref_slice %arg11[%run_scoped3A_33, %dma_start3A_41] : memref<1x128xi32, #tpu.memory_space<vmem>> -> memref<1x128xi32, #tpu.memory_space<vmem>>
        %dma_start3A_43 = tpu.memref_squeeze %dma_start3A_42 : memref<1x128xi32, #tpu.memory_space<vmem>> -> memref<128xi32, #tpu.memory_space<vmem>>
        %dma_start3A_44 = tpu.memref_slice %arg3[%mul3A_29] : memref<163840xi32, #tpu.memory_space<hbm>> -> memref<128xi32, #tpu.memory_space<hbm>>
        tpu.enqueue_dma source(%dma_start3A_44 : memref<128xi32, #tpu.memory_space<hbm>>) target(%dma_start3A_43 : memref<128xi32, #tpu.memory_space<vmem>>) target_semaphore(%run_scoped3A_37 : memref<!tpu.dma_semaphore, #tpu.memory_space<semaphore_mem>>)
        %dma_wait3A = arith.constant 0 : i32
        %dma_wait3A_45 = tpu.memref_slice %arg11[%run_scoped3A_33, %dma_wait3A] : memref<1x128xi32, #tpu.memory_space<vmem>> -> memref<1x128xi32, #tpu.memory_space<vmem>>
        %dma_wait3A_46 = tpu.memref_squeeze %dma_wait3A_45 : memref<1x128xi32, #tpu.memory_space<vmem>> -> memref<128xi32, #tpu.memory_space<vmem>>
        %dma_wait3A_47 = tpu.memref_slice %arg3[%mul3A_29] : memref<163840xi32, #tpu.memory_space<hbm>> -> memref<128xi32, #tpu.memory_space<hbm>>
        %dma_wait3A_48 = arith.constant 0 : i32
        %dma_wait3A_49 = tpu.memref_slice %arg11[%run_scoped3A_33, %dma_wait3A_48] : memref<1x128xi32, #tpu.memory_space<vmem>> -> memref<1x128xi32, #tpu.memory_space<vmem>>
        %dma_wait3A_50 = tpu.memref_squeeze %dma_wait3A_49 : memref<1x128xi32, #tpu.memory_space<vmem>> -> memref<128xi32, #tpu.memory_space<vmem>>
        %dma_wait3A_51 = tpu.memref_slice %arg3[%mul3A_29] : memref<163840xi32, #tpu.memory_space<hbm>> -> memref<128xi32, #tpu.memory_space<hbm>>
        tpu.wait_dma2 semaphore(%run_scoped3A_37 : memref<!tpu.dma_semaphore, #tpu.memory_space<semaphore_mem>>) src(%dma_wait3A_51 : memref<128xi32, #tpu.memory_space<hbm>>) dst(%dma_wait3A_50 : memref<128xi32, #tpu.memory_space<vmem>>)
        tpu.yield
      }) : () -> ()
      %run_scoped3A_34 = arith.constant 0 : i32
      "tpu.region"() ({
        %run_scoped3A_37 = tpu.sem_alloc : memref<!tpu.dma_semaphore, #tpu.memory_space<semaphore_mem>>
        %dma_start3A = arith.constant 0 : i32
        %dma_start3A_38 = tpu.memref_slice %arg10[%run_scoped3A_34, %dma_start3A] : memref<1x128xi32, #tpu.memory_space<vmem>> -> memref<1x128xi32, #tpu.memory_space<vmem>>
        %dma_start3A_39 = tpu.memref_squeeze %dma_start3A_38 : memref<1x128xi32, #tpu.memory_space<vmem>> -> memref<128xi32, #tpu.memory_space<vmem>>
        %dma_start3A_40 = arith.constant 0 : i32
        %dma_start3A_41 = arith.constant 0 : i32
        %dma_start3A_42 = tpu.memref_slice %arg4[%dma_start3A_40, %dma_start3A_41] : memref<10000x128xf32, #tpu.memory_space<hbm>> -> memref<10000x128xf32, #tpu.memory_space<hbm>>
        tpu.enqueue_indirect_dma source(%dma_start3A_42 : memref<10000x128xf32, #tpu.memory_space<hbm>>) target(%arg12 : memref<128x128xf32, #tpu.memory_space<vmem>>) offsets(%dma_start3A_39 : memref<128xi32, #tpu.memory_space<vmem>>) semaphore(%run_scoped3A_37 : memref<!tpu.dma_semaphore, #tpu.memory_space<semaphore_mem>>)
        %dma_wait3A = arith.constant 0 : i32
        %dma_wait3A_43 = tpu.memref_slice %arg10[%run_scoped3A_34, %dma_wait3A] : memref<1x128xi32, #tpu.memory_space<vmem>> -> memref<1x128xi32, #tpu.memory_space<vmem>>
        %dma_wait3A_44 = tpu.memref_squeeze %dma_wait3A_43 : memref<1x128xi32, #tpu.memory_space<vmem>> -> memref<128xi32, #tpu.memory_space<vmem>>
        %dma_wait3A_45 = arith.constant 0 : i32
        %dma_wait3A_46 = arith.constant 0 : i32
        %dma_wait3A_47 = tpu.memref_slice %arg4[%dma_wait3A_45, %dma_wait3A_46] : memref<10000x128xf32, #tpu.memory_space<hbm>> -> memref<10000x128xf32, #tpu.memory_space<hbm>>
        tpu.wait_indirect_dma semaphore(%run_scoped3A_37 : memref<!tpu.dma_semaphore, #tpu.memory_space<semaphore_mem>>) src(%dma_wait3A_47 : memref<10000x128xf32, #tpu.memory_space<hbm>>) dst(%arg12 : memref<128x128xf32, #tpu.memory_space<vmem>>)
        tpu.yield
      }) : () -> ()
      %run_scoped3A_35 = arith.constant 0 : i32
      "tpu.region"() ({
        %run_scoped3A_37 = tpu.sem_alloc : memref<!tpu.dma_semaphore, #tpu.memory_space<semaphore_mem>>
        %dma_start3A = arith.constant 0 : i32
        %dma_start3A_38 = tpu.memref_slice %arg11[%run_scoped3A_35, %dma_start3A] : memref<1x128xi32, #tpu.memory_space<vmem>> -> memref<1x128xi32, #tpu.memory_space<vmem>>
        %dma_start3A_39 = tpu.memref_squeeze %dma_start3A_38 : memref<1x128xi32, #tpu.memory_space<vmem>> -> memref<128xi32, #tpu.memory_space<vmem>>
        %dma_start3A_40 = arith.constant 0 : i32
        %dma_start3A_41 = arith.constant 0 : i32
        %dma_start3A_42 = tpu.memref_slice %arg13[%dma_start3A_40, %dma_start3A_41] : memref<10240x128xf32, #tpu.memory_space<vmem_shared>> -> memref<10240x128xf32, #tpu.memory_space<vmem_shared>>
        tpu.enqueue_indirect_dma source(%arg12 : memref<128x128xf32, #tpu.memory_space<vmem>>) target(%dma_start3A_42 : memref<10240x128xf32, #tpu.memory_space<vmem_shared>>) offsets(%dma_start3A_39 : memref<128xi32, #tpu.memory_space<vmem>>) semaphore(%run_scoped3A_37 : memref<!tpu.dma_semaphore, #tpu.memory_space<semaphore_mem>>) {add = true}
        %dma_wait3A = arith.constant 0 : i32
        %dma_wait3A_43 = tpu.memref_slice %arg11[%run_scoped3A_35, %dma_wait3A] : memref<1x128xi32, #tpu.memory_space<vmem>> -> memref<1x128xi32, #tpu.memory_space<vmem>>
        %dma_wait3A_44 = tpu.memref_squeeze %dma_wait3A_43 : memref<1x128xi32, #tpu.memory_space<vmem>> -> memref<128xi32, #tpu.memory_space<vmem>>
        %dma_wait3A_45 = arith.constant 0 : i32
        %dma_wait3A_46 = arith.constant 0 : i32
        %dma_wait3A_47 = tpu.memref_slice %arg13[%dma_wait3A_45, %dma_wait3A_46] : memref<10240x128xf32, #tpu.memory_space<vmem_shared>> -> memref<10240x128xf32, #tpu.memory_space<vmem_shared>>
        tpu.wait_indirect_dma semaphore(%run_scoped3A_37 : memref<!tpu.dma_semaphore, #tpu.memory_space<semaphore_mem>>) src(%arg12 : memref<128x128xf32, #tpu.memory_space<vmem>>) dst(%dma_wait3A_47 : memref<10240x128xf32, #tpu.memory_space<vmem_shared>>)
        tpu.yield
      }) : () -> ()
      %scan3A_36 = arith.constant 0 : i32
      scf.yield %scan3A_36 : i32
    }
    %scan3A_10 = arith.constant 40 : i32
    %mul3A_11 = arith.constant 2 : i32
    %mul3A_12 = arith.muli %arg1, %mul3A_11 : i32
    %add3A_13 = arith.addi %mul3A_12, %arg0 : i32
    %mul3A_14 = arith.constant 32 : i32
    %mul3A_15 = arith.muli %add3A_13, %mul3A_14 : i32
    %run_scoped3A = arith.constant 0 : i32
    "tpu.region"() ({
      %run_scoped3A_25 = tpu.sem_alloc : memref<!tpu.dma_semaphore, #tpu.memory_space<semaphore_mem>>
      %dma_start3A = arith.constant 0 : i32
      %dma_start3A_26 = tpu.memref_slice %arg14[%run_scoped3A, %dma_start3A] : memref<1x32xi32, #tpu.memory_space<vmem>> -> memref<1x32xi32, #tpu.memory_space<vmem>>
      %dma_start3A_27 = tpu.memref_squeeze %dma_start3A_26 : memref<1x32xi32, #tpu.memory_space<vmem>> -> memref<32xi32, #tpu.memory_space<vmem>>
      %dma_start3A_28 = tpu.memref_slice %arg6[%mul3A_15] : memref<1024xi32, #tpu.memory_space<hbm>> -> memref<32xi32, #tpu.memory_space<hbm>>
      %dma_start3A_29 = arith.constant 0 : i32
      %dma_start3A_30 = tpu.memref_slice %arg14[%run_scoped3A, %dma_start3A_29] : memref<1x32xi32, #tpu.memory_space<vmem>> -> memref<1x32xi32, #tpu.memory_space<vmem>>
      %dma_start3A_31 = tpu.memref_squeeze %dma_start3A_30 : memref<1x32xi32, #tpu.memory_space<vmem>> -> memref<32xi32, #tpu.memory_space<vmem>>
      %dma_start3A_32 = tpu.memref_slice %arg6[%mul3A_15] : memref<1024xi32, #tpu.memory_space<hbm>> -> memref<32xi32, #tpu.memory_space<hbm>>
      tpu.enqueue_dma source(%dma_start3A_32 : memref<32xi32, #tpu.memory_space<hbm>>) target(%dma_start3A_31 : memref<32xi32, #tpu.memory_space<vmem>>) target_semaphore(%run_scoped3A_25 : memref<!tpu.dma_semaphore, #tpu.memory_space<semaphore_mem>>)
      %dma_wait3A = arith.constant 0 : i32
      %dma_wait3A_33 = tpu.memref_slice %arg14[%run_scoped3A, %dma_wait3A] : memref<1x32xi32, #tpu.memory_space<vmem>> -> memref<1x32xi32, #tpu.memory_space<vmem>>
      %dma_wait3A_34 = tpu.memref_squeeze %dma_wait3A_33 : memref<1x32xi32, #tpu.memory_space<vmem>> -> memref<32xi32, #tpu.memory_space<vmem>>
      %dma_wait3A_35 = tpu.memref_slice %arg6[%mul3A_15] : memref<1024xi32, #tpu.memory_space<hbm>> -> memref<32xi32, #tpu.memory_space<hbm>>
      %dma_wait3A_36 = arith.constant 0 : i32
      %dma_wait3A_37 = tpu.memref_slice %arg14[%run_scoped3A, %dma_wait3A_36] : memref<1x32xi32, #tpu.memory_space<vmem>> -> memref<1x32xi32, #tpu.memory_space<vmem>>
      %dma_wait3A_38 = tpu.memref_squeeze %dma_wait3A_37 : memref<1x32xi32, #tpu.memory_space<vmem>> -> memref<32xi32, #tpu.memory_space<vmem>>
      %dma_wait3A_39 = tpu.memref_slice %arg6[%mul3A_15] : memref<1024xi32, #tpu.memory_space<hbm>> -> memref<32xi32, #tpu.memory_space<hbm>>
      tpu.wait_dma2 semaphore(%run_scoped3A_25 : memref<!tpu.dma_semaphore, #tpu.memory_space<semaphore_mem>>) src(%dma_wait3A_39 : memref<32xi32, #tpu.memory_space<hbm>>) dst(%dma_wait3A_38 : memref<32xi32, #tpu.memory_space<vmem>>)
      tpu.yield
    }) : () -> ()
    %run_scoped3A_16 = arith.constant 0 : i32
    "tpu.region"() ({
      %run_scoped3A_25 = tpu.sem_alloc : memref<!tpu.dma_semaphore, #tpu.memory_space<semaphore_mem>>
      %dma_start3A = arith.constant 0 : i32
      %dma_start3A_26 = tpu.memref_slice %arg14[%run_scoped3A_16, %dma_start3A] : memref<1x32xi32, #tpu.memory_space<vmem>> -> memref<1x32xi32, #tpu.memory_space<vmem>>
      %dma_start3A_27 = tpu.memref_squeeze %dma_start3A_26 : memref<1x32xi32, #tpu.memory_space<vmem>> -> memref<32xi32, #tpu.memory_space<vmem>>
      %dma_start3A_28 = arith.constant 0 : i32
      %dma_start3A_29 = arith.constant 0 : i32
      %dma_start3A_30 = tpu.memref_slice %arg7[%dma_start3A_28, %dma_start3A_29] : memref<10000x128xf32, #tpu.memory_space<hbm>> -> memref<10000x128xf32, #tpu.memory_space<hbm>>
      tpu.enqueue_indirect_dma source(%dma_start3A_30 : memref<10000x128xf32, #tpu.memory_space<hbm>>) target(%arg15 : memref<32x128xf32, #tpu.memory_space<vmem>>) offsets(%dma_start3A_27 : memref<32xi32, #tpu.memory_space<vmem>>) semaphore(%run_scoped3A_25 : memref<!tpu.dma_semaphore, #tpu.memory_space<semaphore_mem>>)
      %dma_wait3A = arith.constant 0 : i32
      %dma_wait3A_31 = tpu.memref_slice %arg14[%run_scoped3A_16, %dma_wait3A] : memref<1x32xi32, #tpu.memory_space<vmem>> -> memref<1x32xi32, #tpu.memory_space<vmem>>
      %dma_wait3A_32 = tpu.memref_squeeze %dma_wait3A_31 : memref<1x32xi32, #tpu.memory_space<vmem>> -> memref<32xi32, #tpu.memory_space<vmem>>
      %dma_wait3A_33 = arith.constant 0 : i32
      %dma_wait3A_34 = arith.constant 0 : i32
      %dma_wait3A_35 = tpu.memref_slice %arg7[%dma_wait3A_33, %dma_wait3A_34] : memref<10000x128xf32, #tpu.memory_space<hbm>> -> memref<10000x128xf32, #tpu.memory_space<hbm>>
      tpu.wait_indirect_dma semaphore(%run_scoped3A_25 : memref<!tpu.dma_semaphore, #tpu.memory_space<semaphore_mem>>) src(%dma_wait3A_35 : memref<10000x128xf32, #tpu.memory_space<hbm>>) dst(%arg15 : memref<32x128xf32, #tpu.memory_space<vmem>>)
      tpu.yield
    }) : () -> ()
    %mul3A_17 = arith.constant 32 : i32
    %mul3A_18 = arith.muli %add3A_13, %mul3A_17 : i32
    "tpu.region"() ({
      %run_scoped3A_25 = tpu.sem_alloc : memref<!tpu.dma_semaphore, #tpu.memory_space<semaphore_mem>>
      %dma_start3A = arith.constant 0 : i32
      %dma_start3A_26 = tpu.memref_slice %arg9[%mul3A_18, %dma_start3A] : memref<1024x128xf32, #tpu.memory_space<hbm>> -> memref<32x128xf32, #tpu.memory_space<hbm>>
      %dma_start3A_27 = arith.constant 0 : i32
      %dma_start3A_28 = tpu.memref_slice %arg9[%mul3A_18, %dma_start3A_27] : memref<1024x128xf32, #tpu.memory_space<hbm>> -> memref<32x128xf32, #tpu.memory_space<hbm>>
      tpu.enqueue_dma source(%arg15 : memref<32x128xf32, #tpu.memory_space<vmem>>) target(%dma_start3A_28 : memref<32x128xf32, #tpu.memory_space<hbm>>) target_semaphore(%run_scoped3A_25 : memref<!tpu.dma_semaphore, #tpu.memory_space<semaphore_mem>>)
      %dma_wait3A = arith.constant 0 : i32
      %dma_wait3A_29 = tpu.memref_slice %arg9[%mul3A_18, %dma_wait3A] : memref<1024x128xf32, #tpu.memory_space<hbm>> -> memref<32x128xf32, #tpu.memory_space<hbm>>
      %dma_wait3A_30 = arith.constant 0 : i32
      %dma_wait3A_31 = tpu.memref_slice %arg9[%mul3A_18, %dma_wait3A_30] : memref<1024x128xf32, #tpu.memory_space<hbm>> -> memref<32x128xf32, #tpu.memory_space<hbm>>
      tpu.wait_dma2 semaphore(%run_scoped3A_25 : memref<!tpu.dma_semaphore, #tpu.memory_space<semaphore_mem>>) src(%arg15 : memref<32x128xf32, #tpu.memory_space<vmem>>) dst(%dma_wait3A_31 : memref<32x128xf32, #tpu.memory_space<hbm>>)
      tpu.yield
    }) : () -> ()
    %barrier3A_19 = arith.constant 0 : index
    tpu.barrier barrier_id(%barrier3A_19)
    %mul3A_20 = arith.constant 640 : i32
    %mul3A_21 = arith.muli %arg1, %mul3A_20 : i32
    %mul3A_22 = arith.constant 10240 : i32
    %mul3A_23 = arith.muli %arg0, %mul3A_22 : i32
    %add3A_24 = arith.addi %mul3A_23, %mul3A_21 : i32
    "tpu.region"() ({
      %run_scoped3A_25 = tpu.sem_alloc : memref<!tpu.dma_semaphore, #tpu.memory_space<semaphore_mem>>
      %dma_start3A = arith.constant 0 : i32
      %dma_start3A_26 = tpu.memref_slice %arg8[%add3A_24, %dma_start3A] : memref<20480x128xf32, #tpu.memory_space<hbm>> -> memref<640x128xf32, #tpu.memory_space<hbm>>
      %dma_start3A_27 = arith.constant 0 : i32
      %dma_start3A_28 = tpu.memref_slice %arg13[%mul3A_21, %dma_start3A_27] : memref<10240x128xf32, #tpu.memory_space<vmem_shared>> -> memref<640x128xf32, #tpu.memory_space<vmem_shared>>
      tpu.enqueue_dma source(%dma_start3A_28 : memref<640x128xf32, #tpu.memory_space<vmem_shared>>) target(%dma_start3A_26 : memref<640x128xf32, #tpu.memory_space<hbm>>) target_semaphore(%run_scoped3A_25 : memref<!tpu.dma_semaphore, #tpu.memory_space<semaphore_mem>>)
      %dma_wait3A = arith.constant 0 : i32
      %dma_wait3A_29 = tpu.memref_slice %arg8[%add3A_24, %dma_wait3A] : memref<20480x128xf32, #tpu.memory_space<hbm>> -> memref<640x128xf32, #tpu.memory_space<hbm>>
      %dma_wait3A_30 = arith.constant 0 : i32
      %dma_wait3A_31 = tpu.memref_slice %arg13[%mul3A_21, %dma_wait3A_30] : memref<10240x128xf32, #tpu.memory_space<vmem_shared>> -> memref<640x128xf32, #tpu.memory_space<vmem_shared>>
      tpu.wait_dma2 semaphore(%run_scoped3A_25 : memref<!tpu.dma_semaphore, #tpu.memory_space<semaphore_mem>>) src(%dma_wait3A_31 : memref<640x128xf32, #tpu.memory_space<vmem_shared>>) dst(%dma_wait3A_29 : memref<640x128xf32, #tpu.memory_space<hbm>>)
      tpu.yield
    }) : () -> ()
    return
  }
}

#map = affine_map<(d0, d1) -> (0, 0, 0)>
#map1 = affine_map<(d0, d1) -> (0, 0)>
module attributes {stable_mosaic.version = 14 : i64} {
  func.func @body(%arg0: i32, %arg1: i32, %arg2: memref<1280x2x128xi32, #tpu.memory_space<hbm>>, %arg3: memref<128x128xf32, #tpu.memory_space<hbm>>, %arg4: memref<640x128xf32, #tpu.memory_space<hbm>>, %arg5: memref<20480x128xf32, #tpu.memory_space<hbm>>, %arg6: memref<4x2x128xi32, #tpu.memory_space<vmem>>, %arg7: memref<128x128xf32, #tpu.memory_space<vmem>>, %arg8: memref<10240x128xf32, #tpu.memory_space<vmem_shared>>, %arg9: memref<4x!tpu.dma_semaphore, #tpu.memory_space<semaphore_mem>>, %arg10: memref<2x!tpu.dma_semaphore, #tpu.memory_space<semaphore_mem>>) attributes {dimension_semantics = [#tpu.dimension_semantics<core_parallel>, #tpu.dimension_semantics<subcore_parallel>], iteration_bounds = array<i64: 2, 16>, scalar_prefetch = 0 : i64, scratch_operands = 5 : i64, tpu.core_type = #tpu.core_type<sc_vector_subcore>, window_params = [{transform_indices = #map}, {transform_indices = #map1}, {transform_indices = #map1}, {transform_indices = #map1}]} {
    %mul3A = arith.constant 640 : i32
    %mul3A_0 = arith.muli %arg1, %mul3A : i32
    "tpu.region"() ({
      %run_scoped3A = tpu.sem_alloc : memref<!tpu.dma_semaphore, #tpu.memory_space<semaphore_mem>>
      %dma_start3A_168 = arith.constant 0 : i32
      %dma_start3A_169 = tpu.memref_slice %arg8[%mul3A_0, %dma_start3A_168] : memref<10240x128xf32, #tpu.memory_space<vmem_shared>> -> memref<640x128xf32, #tpu.memory_space<vmem_shared>>
      tpu.enqueue_dma source(%arg4 : memref<640x128xf32, #tpu.memory_space<hbm>>) target(%dma_start3A_169 : memref<640x128xf32, #tpu.memory_space<vmem_shared>>) target_semaphore(%run_scoped3A : memref<!tpu.dma_semaphore, #tpu.memory_space<semaphore_mem>>)
      %dma_wait3A_170 = arith.constant 0 : i32
      %dma_wait3A_171 = tpu.memref_slice %arg8[%mul3A_0, %dma_wait3A_170] : memref<10240x128xf32, #tpu.memory_space<vmem_shared>> -> memref<640x128xf32, #tpu.memory_space<vmem_shared>>
      tpu.wait_dma2 semaphore(%run_scoped3A : memref<!tpu.dma_semaphore, #tpu.memory_space<semaphore_mem>>) src(%arg4 : memref<640x128xf32, #tpu.memory_space<hbm>>) dst(%dma_wait3A_171 : memref<640x128xf32, #tpu.memory_space<vmem_shared>>)
      tpu.yield
    }) : () -> ()
    "tpu.region"() ({
      %run_scoped3A = tpu.sem_alloc : memref<!tpu.dma_semaphore, #tpu.memory_space<semaphore_mem>>
      tpu.enqueue_dma source(%arg3 : memref<128x128xf32, #tpu.memory_space<hbm>>) target(%arg7 : memref<128x128xf32, #tpu.memory_space<vmem>>) target_semaphore(%run_scoped3A : memref<!tpu.dma_semaphore, #tpu.memory_space<semaphore_mem>>)
      tpu.wait_dma2 semaphore(%run_scoped3A : memref<!tpu.dma_semaphore, #tpu.memory_space<semaphore_mem>>) src(%arg3 : memref<128x128xf32, #tpu.memory_space<hbm>>) dst(%arg7 : memref<128x128xf32, #tpu.memory_space<vmem>>)
      tpu.yield
    }) : () -> ()
    %barrier3A = arith.constant 0 : index
    tpu.barrier barrier_id(%barrier3A)
    %mul3A_1 = arith.constant 2 : i32
    %mul3A_2 = arith.muli %arg1, %mul3A_1 : i32
    %add3A = arith.addi %mul3A_2, %arg0 : i32
    %mul3A_3 = arith.constant 40 : i32
    %mul3A_4 = arith.muli %add3A, %mul3A_3 : i32
    %jit3A = arith.constant 0 : i32
    %jit3A_5 = arith.constant 4 : i32
    %eq3A = arith.constant 0 : i32
    %eq3A_6 = arith.cmpi eq, %jit3A_5, %eq3A : i32
    %jit3A_7 = arith.constant 1 : i32
    %select_n3A = arith.select %eq3A_6, %jit3A_7, %jit3A_5 : i32
    %rem3A = arith.remsi %jit3A, %select_n3A : i32
    %ne3A = arith.constant 0 : i32
    %ne3A_8 = arith.cmpi ne, %rem3A, %ne3A : i32
    %lt3A = arith.constant 0 : i32
    %lt3A_9 = arith.cmpi slt, %rem3A, %lt3A : i32
    %lt3A_10 = arith.constant 0 : i32
    %lt3A_11 = arith.cmpi slt, %select_n3A, %lt3A_10 : i32
    %ne3A_12 = arith.xori %lt3A_9, %lt3A_11 : i1
    %and3A = arith.andi %ne3A_12, %ne3A_8 : i1
    %add3A_13 = arith.addi %rem3A, %select_n3A : i32
    %select_n3A_14 = arith.select %and3A, %add3A_13, %rem3A : i32
    %add3A_15 = arith.constant 0 : i32
    %add3A_16 = arith.addi %mul3A_4, %add3A_15 : i32
    %dma_start3A = arith.constant 0 : i32
    %dma_start3A_17 = arith.constant 0 : i32
    %dma_start3A_18 = tpu.memref_slice %arg6[%select_n3A_14, %dma_start3A, %dma_start3A_17] : memref<4x2x128xi32, #tpu.memory_space<vmem>> -> memref<1x2x128xi32, #tpu.memory_space<vmem>>
    %dma_start3A_19 = tpu.memref_squeeze %dma_start3A_18 : memref<1x2x128xi32, #tpu.memory_space<vmem>> -> memref<2x128xi32, #tpu.memory_space<vmem>>
    %dma_start3A_20 = arith.constant 0 : i32
    %dma_start3A_21 = arith.constant 0 : i32
    %dma_start3A_22 = tpu.memref_slice %arg2[%add3A_16, %dma_start3A_20, %dma_start3A_21] : memref<1280x2x128xi32, #tpu.memory_space<hbm>> -> memref<1x2x128xi32, #tpu.memory_space<hbm>>
    %dma_start3A_23 = tpu.memref_squeeze %dma_start3A_22 : memref<1x2x128xi32, #tpu.memory_space<hbm>> -> memref<2x128xi32, #tpu.memory_space<hbm>>
    %dma_start3A_24 = tpu.memref_slice %arg9[%select_n3A_14] : memref<4x!tpu.dma_semaphore, #tpu.memory_space<semaphore_mem>> -> memref<1x!tpu.dma_semaphore, #tpu.memory_space<semaphore_mem>>
    %dma_start3A_25 = tpu.memref_squeeze %dma_start3A_24 : memref<1x!tpu.dma_semaphore, #tpu.memory_space<semaphore_mem>> -> memref<!tpu.dma_semaphore, #tpu.memory_space<semaphore_mem>>
    %dma_start3A_26 = arith.constant 0 : i32
    %dma_start3A_27 = arith.constant 0 : i32
    %dma_start3A_28 = tpu.memref_slice %arg6[%select_n3A_14, %dma_start3A_26, %dma_start3A_27] : memref<4x2x128xi32, #tpu.memory_space<vmem>> -> memref<1x2x128xi32, #tpu.memory_space<vmem>>
    %dma_start3A_29 = tpu.memref_squeeze %dma_start3A_28 : memref<1x2x128xi32, #tpu.memory_space<vmem>> -> memref<2x128xi32, #tpu.memory_space<vmem>>
    %dma_start3A_30 = arith.constant 0 : i32
    %dma_start3A_31 = arith.constant 0 : i32
    %dma_start3A_32 = tpu.memref_slice %arg2[%add3A_16, %dma_start3A_30, %dma_start3A_31] : memref<1280x2x128xi32, #tpu.memory_space<hbm>> -> memref<1x2x128xi32, #tpu.memory_space<hbm>>
    %dma_start3A_33 = tpu.memref_squeeze %dma_start3A_32 : memref<1x2x128xi32, #tpu.memory_space<hbm>> -> memref<2x128xi32, #tpu.memory_space<hbm>>
    tpu.enqueue_dma source(%dma_start3A_33 : memref<2x128xi32, #tpu.memory_space<hbm>>) target(%dma_start3A_29 : memref<2x128xi32, #tpu.memory_space<vmem>>) target_semaphore(%dma_start3A_25 : memref<!tpu.dma_semaphore, #tpu.memory_space<semaphore_mem>>)
    %jit3A_34 = arith.constant 1 : i32
    %jit3A_35 = arith.constant 4 : i32
    %eq3A_36 = arith.constant 0 : i32
    %eq3A_37 = arith.cmpi eq, %jit3A_35, %eq3A_36 : i32
    %jit3A_38 = arith.constant 1 : i32
    %select_n3A_39 = arith.select %eq3A_37, %jit3A_38, %jit3A_35 : i32
    %rem3A_40 = arith.remsi %jit3A_34, %select_n3A_39 : i32
    %ne3A_41 = arith.constant 0 : i32
    %ne3A_42 = arith.cmpi ne, %rem3A_40, %ne3A_41 : i32
    %lt3A_43 = arith.constant 0 : i32
    %lt3A_44 = arith.cmpi slt, %rem3A_40, %lt3A_43 : i32
    %lt3A_45 = arith.constant 0 : i32
    %lt3A_46 = arith.cmpi slt, %select_n3A_39, %lt3A_45 : i32
    %ne3A_47 = arith.xori %lt3A_44, %lt3A_46 : i1
    %and3A_48 = arith.andi %ne3A_47, %ne3A_42 : i1
    %add3A_49 = arith.addi %rem3A_40, %select_n3A_39 : i32
    %select_n3A_50 = arith.select %and3A_48, %add3A_49, %rem3A_40 : i32
    %add3A_51 = arith.constant 1 : i32
    %add3A_52 = arith.addi %mul3A_4, %add3A_51 : i32
    %dma_start3A_53 = arith.constant 0 : i32
    %dma_start3A_54 = arith.constant 0 : i32
    %dma_start3A_55 = tpu.memref_slice %arg6[%select_n3A_50, %dma_start3A_53, %dma_start3A_54] : memref<4x2x128xi32, #tpu.memory_space<vmem>> -> memref<1x2x128xi32, #tpu.memory_space<vmem>>
    %dma_start3A_56 = tpu.memref_squeeze %dma_start3A_55 : memref<1x2x128xi32, #tpu.memory_space<vmem>> -> memref<2x128xi32, #tpu.memory_space<vmem>>
    %dma_start3A_57 = arith.constant 0 : i32
    %dma_start3A_58 = arith.constant 0 : i32
    %dma_start3A_59 = tpu.memref_slice %arg2[%add3A_52, %dma_start3A_57, %dma_start3A_58] : memref<1280x2x128xi32, #tpu.memory_space<hbm>> -> memref<1x2x128xi32, #tpu.memory_space<hbm>>
    %dma_start3A_60 = tpu.memref_squeeze %dma_start3A_59 : memref<1x2x128xi32, #tpu.memory_space<hbm>> -> memref<2x128xi32, #tpu.memory_space<hbm>>
    %dma_start3A_61 = tpu.memref_slice %arg9[%select_n3A_50] : memref<4x!tpu.dma_semaphore, #tpu.memory_space<semaphore_mem>> -> memref<1x!tpu.dma_semaphore, #tpu.memory_space<semaphore_mem>>
    %dma_start3A_62 = tpu.memref_squeeze %dma_start3A_61 : memref<1x!tpu.dma_semaphore, #tpu.memory_space<semaphore_mem>> -> memref<!tpu.dma_semaphore, #tpu.memory_space<semaphore_mem>>
    %dma_start3A_63 = arith.constant 0 : i32
    %dma_start3A_64 = arith.constant 0 : i32
    %dma_start3A_65 = tpu.memref_slice %arg6[%select_n3A_50, %dma_start3A_63, %dma_start3A_64] : memref<4x2x128xi32, #tpu.memory_space<vmem>> -> memref<1x2x128xi32, #tpu.memory_space<vmem>>
    %dma_start3A_66 = tpu.memref_squeeze %dma_start3A_65 : memref<1x2x128xi32, #tpu.memory_space<vmem>> -> memref<2x128xi32, #tpu.memory_space<vmem>>
    %dma_start3A_67 = arith.constant 0 : i32
    %dma_start3A_68 = arith.constant 0 : i32
    %dma_start3A_69 = tpu.memref_slice %arg2[%add3A_52, %dma_start3A_67, %dma_start3A_68] : memref<1280x2x128xi32, #tpu.memory_space<hbm>> -> memref<1x2x128xi32, #tpu.memory_space<hbm>>
    %dma_start3A_70 = tpu.memref_squeeze %dma_start3A_69 : memref<1x2x128xi32, #tpu.memory_space<hbm>> -> memref<2x128xi32, #tpu.memory_space<hbm>>
    tpu.enqueue_dma source(%dma_start3A_70 : memref<2x128xi32, #tpu.memory_space<hbm>>) target(%dma_start3A_66 : memref<2x128xi32, #tpu.memory_space<vmem>>) target_semaphore(%dma_start3A_62 : memref<!tpu.dma_semaphore, #tpu.memory_space<semaphore_mem>>)
    %scan3A = arith.constant 0 : i32
    %scan3A_71 = arith.constant 0 : i32
    %scan3A_72 = arith.constant 40 : i32
    %scan3A_73 = arith.addi %scan3A_71, %scan3A_72 : i32
    %scan3A_74 = arith.constant 1 : i32
    %scan3A_75 = scf.for %scan3A_168 = %scan3A_71 to %scan3A_73 step %scan3A_74 iter_args(%scan3A_169 = %scan3A) -> (i32)  : i32 {
      %ge3A = arith.constant 2 : i32
      %ge3A_170 = arith.cmpi sge, %scan3A_168, %ge3A : i32
      %convert_element_type3A = arith.extui %ge3A_170 : i1 to i32
      %cond3A = arith.constant 0 : i32
      %cond3A_171 = arith.cmpi ne, %convert_element_type3A, %cond3A : i32
      scf.if %cond3A_171 {
        %sub3A = arith.constant 2 : i32
        %sub3A_256 = arith.subi %scan3A_168, %sub3A : i32
        %jit3A_257 = arith.constant 4 : i32
        %eq3A_258 = arith.constant 0 : i32
        %eq3A_259 = arith.cmpi eq, %jit3A_257, %eq3A_258 : i32
        %jit3A_260 = arith.constant 1 : i32
        %select_n3A_261 = arith.select %eq3A_259, %jit3A_260, %jit3A_257 : i32
        %rem3A_262 = arith.remsi %sub3A_256, %select_n3A_261 : i32
        %ne3A_263 = arith.constant 0 : i32
        %ne3A_264 = arith.cmpi ne, %rem3A_262, %ne3A_263 : i32
        %lt3A_265 = arith.constant 0 : i32
        %lt3A_266 = arith.cmpi slt, %rem3A_262, %lt3A_265 : i32
        %lt3A_267 = arith.constant 0 : i32
        %lt3A_268 = arith.cmpi slt, %select_n3A_261, %lt3A_267 : i32
        %ne3A_269 = arith.xori %lt3A_266, %lt3A_268 : i1
        %and3A_270 = arith.andi %ne3A_269, %ne3A_264 : i1
        %add3A_271 = arith.addi %rem3A_262, %select_n3A_261 : i32
        %select_n3A_272 = arith.select %and3A_270, %add3A_271, %rem3A_262 : i32
        %jit3A_273 = arith.constant 2 : i32
        %eq3A_274 = arith.constant 0 : i32
        %eq3A_275 = arith.cmpi eq, %jit3A_273, %eq3A_274 : i32
        %jit3A_276 = arith.constant 1 : i32
        %select_n3A_277 = arith.select %eq3A_275, %jit3A_276, %jit3A_273 : i32
        %rem3A_278 = arith.remsi %sub3A_256, %select_n3A_277 : i32
        %ne3A_279 = arith.constant 0 : i32
        %ne3A_280 = arith.cmpi ne, %rem3A_278, %ne3A_279 : i32
        %lt3A_281 = arith.constant 0 : i32
        %lt3A_282 = arith.cmpi slt, %rem3A_278, %lt3A_281 : i32
        %lt3A_283 = arith.constant 0 : i32
        %lt3A_284 = arith.cmpi slt, %select_n3A_277, %lt3A_283 : i32
        %ne3A_285 = arith.xori %lt3A_282, %lt3A_284 : i1
        %and3A_286 = arith.andi %ne3A_285, %ne3A_280 : i1
        %add3A_287 = arith.addi %rem3A_278, %select_n3A_277 : i32
        %select_n3A_288 = arith.select %and3A_286, %add3A_287, %rem3A_278 : i32
        %dma_wait3A_289 = arith.constant 1 : i32
        %dma_wait3A_290 = arith.constant 0 : i32
        %dma_wait3A_291 = tpu.memref_slice %arg6[%select_n3A_272, %dma_wait3A_289, %dma_wait3A_290] : memref<4x2x128xi32, #tpu.memory_space<vmem>> -> memref<1x1x128xi32, #tpu.memory_space<vmem>>
        %dma_wait3A_292 = tpu.memref_squeeze %dma_wait3A_291 : memref<1x1x128xi32, #tpu.memory_space<vmem>> -> memref<128xi32, #tpu.memory_space<vmem>>
        %dma_wait3A_293 = arith.constant 0 : i32
        %dma_wait3A_294 = arith.constant 0 : i32
        %dma_wait3A_295 = tpu.memref_slice %arg8[%dma_wait3A_293, %dma_wait3A_294] : memref<10240x128xf32, #tpu.memory_space<vmem_shared>> -> memref<10240x128xf32, #tpu.memory_space<vmem_shared>>
        %dma_wait3A_296 = tpu.memref_slice %arg10[%select_n3A_288] : memref<2x!tpu.dma_semaphore, #tpu.memory_space<semaphore_mem>> -> memref<1x!tpu.dma_semaphore, #tpu.memory_space<semaphore_mem>>
        %dma_wait3A_297 = tpu.memref_squeeze %dma_wait3A_296 : memref<1x!tpu.dma_semaphore, #tpu.memory_space<semaphore_mem>> -> memref<!tpu.dma_semaphore, #tpu.memory_space<semaphore_mem>>
        tpu.wait_indirect_dma semaphore(%dma_wait3A_297 : memref<!tpu.dma_semaphore, #tpu.memory_space<semaphore_mem>>) src(%arg7 : memref<128x128xf32, #tpu.memory_space<vmem>>) dst(%dma_wait3A_295 : memref<10240x128xf32, #tpu.memory_space<vmem_shared>>)
      } else {
      }
      %jit3A_172 = arith.constant 4 : i32
      %eq3A_173 = arith.constant 0 : i32
      %eq3A_174 = arith.cmpi eq, %jit3A_172, %eq3A_173 : i32
      %jit3A_175 = arith.constant 1 : i32
      %select_n3A_176 = arith.select %eq3A_174, %jit3A_175, %jit3A_172 : i32
      %rem3A_177 = arith.remsi %scan3A_168, %select_n3A_176 : i32
      %ne3A_178 = arith.constant 0 : i32
      %ne3A_179 = arith.cmpi ne, %rem3A_177, %ne3A_178 : i32
      %lt3A_180 = arith.constant 0 : i32
      %lt3A_181 = arith.cmpi slt, %rem3A_177, %lt3A_180 : i32
      %lt3A_182 = arith.constant 0 : i32
      %lt3A_183 = arith.cmpi slt, %select_n3A_176, %lt3A_182 : i32
      %ne3A_184 = arith.xori %lt3A_181, %lt3A_183 : i1
      %and3A_185 = arith.andi %ne3A_184, %ne3A_179 : i1
      %add3A_186 = arith.addi %rem3A_177, %select_n3A_176 : i32
      %select_n3A_187 = arith.select %and3A_185, %add3A_186, %rem3A_177 : i32
      %add3A_188 = arith.addi %mul3A_4, %scan3A_168 : i32
      %dma_wait3A_189 = arith.constant 0 : i32
      %dma_wait3A_190 = arith.constant 0 : i32
      %dma_wait3A_191 = tpu.memref_slice %arg6[%select_n3A_187, %dma_wait3A_189, %dma_wait3A_190] : memref<4x2x128xi32, #tpu.memory_space<vmem>> -> memref<1x2x128xi32, #tpu.memory_space<vmem>>
      %dma_wait3A_192 = tpu.memref_squeeze %dma_wait3A_191 : memref<1x2x128xi32, #tpu.memory_space<vmem>> -> memref<2x128xi32, #tpu.memory_space<vmem>>
      %dma_wait3A_193 = arith.constant 0 : i32
      %dma_wait3A_194 = arith.constant 0 : i32
      %dma_wait3A_195 = tpu.memref_slice %arg2[%add3A_188, %dma_wait3A_193, %dma_wait3A_194] : memref<1280x2x128xi32, #tpu.memory_space<hbm>> -> memref<1x2x128xi32, #tpu.memory_space<hbm>>
      %dma_wait3A_196 = tpu.memref_squeeze %dma_wait3A_195 : memref<1x2x128xi32, #tpu.memory_space<hbm>> -> memref<2x128xi32, #tpu.memory_space<hbm>>
      %dma_wait3A_197 = tpu.memref_slice %arg9[%select_n3A_187] : memref<4x!tpu.dma_semaphore, #tpu.memory_space<semaphore_mem>> -> memref<1x!tpu.dma_semaphore, #tpu.memory_space<semaphore_mem>>
      %dma_wait3A_198 = tpu.memref_squeeze %dma_wait3A_197 : memref<1x!tpu.dma_semaphore, #tpu.memory_space<semaphore_mem>> -> memref<!tpu.dma_semaphore, #tpu.memory_space<semaphore_mem>>
      %dma_wait3A_199 = arith.constant 0 : i32
      %dma_wait3A_200 = arith.constant 0 : i32
      %dma_wait3A_201 = tpu.memref_slice %arg6[%select_n3A_187, %dma_wait3A_199, %dma_wait3A_200] : memref<4x2x128xi32, #tpu.memory_space<vmem>> -> memref<1x2x128xi32, #tpu.memory_space<vmem>>
      %dma_wait3A_202 = tpu.memref_squeeze %dma_wait3A_201 : memref<1x2x128xi32, #tpu.memory_space<vmem>> -> memref<2x128xi32, #tpu.memory_space<vmem>>
      %dma_wait3A_203 = arith.constant 0 : i32
      %dma_wait3A_204 = arith.constant 0 : i32
      %dma_wait3A_205 = tpu.memref_slice %arg2[%add3A_188, %dma_wait3A_203, %dma_wait3A_204] : memref<1280x2x128xi32, #tpu.memory_space<hbm>> -> memref<1x2x128xi32, #tpu.memory_space<hbm>>
      %dma_wait3A_206 = tpu.memref_squeeze %dma_wait3A_205 : memref<1x2x128xi32, #tpu.memory_space<hbm>> -> memref<2x128xi32, #tpu.memory_space<hbm>>
      tpu.wait_dma2 semaphore(%dma_wait3A_198 : memref<!tpu.dma_semaphore, #tpu.memory_space<semaphore_mem>>) src(%dma_wait3A_206 : memref<2x128xi32, #tpu.memory_space<hbm>>) dst(%dma_wait3A_202 : memref<2x128xi32, #tpu.memory_space<vmem>>)
      %jit3A_207 = arith.constant 4 : i32
      %eq3A_208 = arith.constant 0 : i32
      %eq3A_209 = arith.cmpi eq, %jit3A_207, %eq3A_208 : i32
      %jit3A_210 = arith.constant 1 : i32
      %select_n3A_211 = arith.select %eq3A_209, %jit3A_210, %jit3A_207 : i32
      %rem3A_212 = arith.remsi %scan3A_168, %select_n3A_211 : i32
      %ne3A_213 = arith.constant 0 : i32
      %ne3A_214 = arith.cmpi ne, %rem3A_212, %ne3A_213 : i32
      %lt3A_215 = arith.constant 0 : i32
      %lt3A_216 = arith.cmpi slt, %rem3A_212, %lt3A_215 : i32
      %lt3A_217 = arith.constant 0 : i32
      %lt3A_218 = arith.cmpi slt, %select_n3A_211, %lt3A_217 : i32
      %ne3A_219 = arith.xori %lt3A_216, %lt3A_218 : i1
      %and3A_220 = arith.andi %ne3A_219, %ne3A_214 : i1
      %add3A_221 = arith.addi %rem3A_212, %select_n3A_211 : i32
      %select_n3A_222 = arith.select %and3A_220, %add3A_221, %rem3A_212 : i32
      %jit3A_223 = arith.constant 2 : i32
      %eq3A_224 = arith.constant 0 : i32
      %eq3A_225 = arith.cmpi eq, %jit3A_223, %eq3A_224 : i32
      %jit3A_226 = arith.constant 1 : i32
      %select_n3A_227 = arith.select %eq3A_225, %jit3A_226, %jit3A_223 : i32
      %rem3A_228 = arith.remsi %scan3A_168, %select_n3A_227 : i32
      %ne3A_229 = arith.constant 0 : i32
      %ne3A_230 = arith.cmpi ne, %rem3A_228, %ne3A_229 : i32
      %lt3A_231 = arith.constant 0 : i32
      %lt3A_232 = arith.cmpi slt, %rem3A_228, %lt3A_231 : i32
      %lt3A_233 = arith.constant 0 : i32
      %lt3A_234 = arith.cmpi slt, %select_n3A_227, %lt3A_233 : i32
      %ne3A_235 = arith.xori %lt3A_232, %lt3A_234 : i1
      %and3A_236 = arith.andi %ne3A_235, %ne3A_230 : i1
      %add3A_237 = arith.addi %rem3A_228, %select_n3A_227 : i32
      %select_n3A_238 = arith.select %and3A_236, %add3A_237, %rem3A_228 : i32
      %dma_start3A_239 = arith.constant 1 : i32
      %dma_start3A_240 = arith.constant 0 : i32
      %dma_start3A_241 = tpu.memref_slice %arg6[%select_n3A_222, %dma_start3A_239, %dma_start3A_240] : memref<4x2x128xi32, #tpu.memory_space<vmem>> -> memref<1x1x128xi32, #tpu.memory_space<vmem>>
      %dma_start3A_242 = tpu.memref_squeeze %dma_start3A_241 : memref<1x1x128xi32, #tpu.memory_space<vmem>> -> memref<128xi32, #tpu.memory_space<vmem>>
      %dma_start3A_243 = arith.constant 0 : i32
      %dma_start3A_244 = arith.constant 0 : i32
      %dma_start3A_245 = tpu.memref_slice %arg8[%dma_start3A_243, %dma_start3A_244] : memref<10240x128xf32, #tpu.memory_space<vmem_shared>> -> memref<10240x128xf32, #tpu.memory_space<vmem_shared>>
      %dma_start3A_246 = tpu.memref_slice %arg10[%select_n3A_238] : memref<2x!tpu.dma_semaphore, #tpu.memory_space<semaphore_mem>> -> memref<1x!tpu.dma_semaphore, #tpu.memory_space<semaphore_mem>>
      %dma_start3A_247 = tpu.memref_squeeze %dma_start3A_246 : memref<1x!tpu.dma_semaphore, #tpu.memory_space<semaphore_mem>> -> memref<!tpu.dma_semaphore, #tpu.memory_space<semaphore_mem>>
      tpu.enqueue_indirect_dma source(%arg7 : memref<128x128xf32, #tpu.memory_space<vmem>>) target(%dma_start3A_245 : memref<10240x128xf32, #tpu.memory_space<vmem_shared>>) offsets(%dma_start3A_242 : memref<128xi32, #tpu.memory_space<vmem>>) semaphore(%dma_start3A_247 : memref<!tpu.dma_semaphore, #tpu.memory_space<semaphore_mem>>) {add = true}
      %add3A_248 = arith.constant 2 : i32
      %add3A_249 = arith.addi %scan3A_168, %add3A_248 : i32
      %lt3A_250 = arith.constant 40 : i32
      %lt3A_251 = arith.cmpi slt, %add3A_249, %lt3A_250 : i32
      %convert_element_type3A_252 = arith.extui %lt3A_251 : i1 to i32
      %cond3A_253 = arith.constant 0 : i32
      %cond3A_254 = arith.cmpi ne, %convert_element_type3A_252, %cond3A_253 : i32
      scf.if %cond3A_254 {
        %add3A_256 = arith.constant 2 : i32
        %add3A_257 = arith.addi %scan3A_168, %add3A_256 : i32
        %jit3A_258 = arith.constant 4 : i32
        %eq3A_259 = arith.constant 0 : i32
        %eq3A_260 = arith.cmpi eq, %jit3A_258, %eq3A_259 : i32
        %jit3A_261 = arith.constant 1 : i32
        %select_n3A_262 = arith.select %eq3A_260, %jit3A_261, %jit3A_258 : i32
        %rem3A_263 = arith.remsi %add3A_257, %select_n3A_262 : i32
        %ne3A_264 = arith.constant 0 : i32
        %ne3A_265 = arith.cmpi ne, %rem3A_263, %ne3A_264 : i32
        %lt3A_266 = arith.constant 0 : i32
        %lt3A_267 = arith.cmpi slt, %rem3A_263, %lt3A_266 : i32
        %lt3A_268 = arith.constant 0 : i32
        %lt3A_269 = arith.cmpi slt, %select_n3A_262, %lt3A_268 : i32
        %ne3A_270 = arith.xori %lt3A_267, %lt3A_269 : i1
        %and3A_271 = arith.andi %ne3A_270, %ne3A_265 : i1
        %add3A_272 = arith.addi %rem3A_263, %select_n3A_262 : i32
        %select_n3A_273 = arith.select %and3A_271, %add3A_272, %rem3A_263 : i32
        %add3A_274 = arith.addi %mul3A_4, %add3A_257 : i32
        %dma_start3A_275 = arith.constant 0 : i32
        %dma_start3A_276 = arith.constant 0 : i32
        %dma_start3A_277 = tpu.memref_slice %arg6[%select_n3A_273, %dma_start3A_275, %dma_start3A_276] : memref<4x2x128xi32, #tpu.memory_space<vmem>> -> memref<1x2x128xi32, #tpu.memory_space<vmem>>
        %dma_start3A_278 = tpu.memref_squeeze %dma_start3A_277 : memref<1x2x128xi32, #tpu.memory_space<vmem>> -> memref<2x128xi32, #tpu.memory_space<vmem>>
        %dma_start3A_279 = arith.constant 0 : i32
        %dma_start3A_280 = arith.constant 0 : i32
        %dma_start3A_281 = tpu.memref_slice %arg2[%add3A_274, %dma_start3A_279, %dma_start3A_280] : memref<1280x2x128xi32, #tpu.memory_space<hbm>> -> memref<1x2x128xi32, #tpu.memory_space<hbm>>
        %dma_start3A_282 = tpu.memref_squeeze %dma_start3A_281 : memref<1x2x128xi32, #tpu.memory_space<hbm>> -> memref<2x128xi32, #tpu.memory_space<hbm>>
        %dma_start3A_283 = tpu.memref_slice %arg9[%select_n3A_273] : memref<4x!tpu.dma_semaphore, #tpu.memory_space<semaphore_mem>> -> memref<1x!tpu.dma_semaphore, #tpu.memory_space<semaphore_mem>>
        %dma_start3A_284 = tpu.memref_squeeze %dma_start3A_283 : memref<1x!tpu.dma_semaphore, #tpu.memory_space<semaphore_mem>> -> memref<!tpu.dma_semaphore, #tpu.memory_space<semaphore_mem>>
        %dma_start3A_285 = arith.constant 0 : i32
        %dma_start3A_286 = arith.constant 0 : i32
        %dma_start3A_287 = tpu.memref_slice %arg6[%select_n3A_273, %dma_start3A_285, %dma_start3A_286] : memref<4x2x128xi32, #tpu.memory_space<vmem>> -> memref<1x2x128xi32, #tpu.memory_space<vmem>>
        %dma_start3A_288 = tpu.memref_squeeze %dma_start3A_287 : memref<1x2x128xi32, #tpu.memory_space<vmem>> -> memref<2x128xi32, #tpu.memory_space<vmem>>
        %dma_start3A_289 = arith.constant 0 : i32
        %dma_start3A_290 = arith.constant 0 : i32
        %dma_start3A_291 = tpu.memref_slice %arg2[%add3A_274, %dma_start3A_289, %dma_start3A_290] : memref<1280x2x128xi32, #tpu.memory_space<hbm>> -> memref<1x2x128xi32, #tpu.memory_space<hbm>>
        %dma_start3A_292 = tpu.memref_squeeze %dma_start3A_291 : memref<1x2x128xi32, #tpu.memory_space<hbm>> -> memref<2x128xi32, #tpu.memory_space<hbm>>
        tpu.enqueue_dma source(%dma_start3A_292 : memref<2x128xi32, #tpu.memory_space<hbm>>) target(%dma_start3A_288 : memref<2x128xi32, #tpu.memory_space<vmem>>) target_semaphore(%dma_start3A_284 : memref<!tpu.dma_semaphore, #tpu.memory_space<semaphore_mem>>)
      } else {
      }
      %scan3A_255 = arith.constant 0 : i32
      scf.yield %scan3A_255 : i32
    }
    %scan3A_76 = arith.constant 40 : i32
    %jit3A_77 = arith.constant 38 : i32
    %jit3A_78 = arith.constant 4 : i32
    %eq3A_79 = arith.constant 0 : i32
    %eq3A_80 = arith.cmpi eq, %jit3A_78, %eq3A_79 : i32
    %jit3A_81 = arith.constant 1 : i32
    %select_n3A_82 = arith.select %eq3A_80, %jit3A_81, %jit3A_78 : i32
    %rem3A_83 = arith.remsi %jit3A_77, %select_n3A_82 : i32
    %ne3A_84 = arith.constant 0 : i32
    %ne3A_85 = arith.cmpi ne, %rem3A_83, %ne3A_84 : i32
    %lt3A_86 = arith.constant 0 : i32
    %lt3A_87 = arith.cmpi slt, %rem3A_83, %lt3A_86 : i32
    %lt3A_88 = arith.constant 0 : i32
    %lt3A_89 = arith.cmpi slt, %select_n3A_82, %lt3A_88 : i32
    %ne3A_90 = arith.xori %lt3A_87, %lt3A_89 : i1
    %and3A_91 = arith.andi %ne3A_90, %ne3A_85 : i1
    %add3A_92 = arith.addi %rem3A_83, %select_n3A_82 : i32
    %select_n3A_93 = arith.select %and3A_91, %add3A_92, %rem3A_83 : i32
    %jit3A_94 = arith.constant 38 : i32
    %jit3A_95 = arith.constant 2 : i32
    %eq3A_96 = arith.constant 0 : i32
    %eq3A_97 = arith.cmpi eq, %jit3A_95, %eq3A_96 : i32
    %jit3A_98 = arith.constant 1 : i32
    %select_n3A_99 = arith.select %eq3A_97, %jit3A_98, %jit3A_95 : i32
    %rem3A_100 = arith.remsi %jit3A_94, %select_n3A_99 : i32
    %ne3A_101 = arith.constant 0 : i32
    %ne3A_102 = arith.cmpi ne, %rem3A_100, %ne3A_101 : i32
    %lt3A_103 = arith.constant 0 : i32
    %lt3A_104 = arith.cmpi slt, %rem3A_100, %lt3A_103 : i32
    %lt3A_105 = arith.constant 0 : i32
    %lt3A_106 = arith.cmpi slt, %select_n3A_99, %lt3A_105 : i32
    %ne3A_107 = arith.xori %lt3A_104, %lt3A_106 : i1
    %and3A_108 = arith.andi %ne3A_107, %ne3A_102 : i1
    %add3A_109 = arith.addi %rem3A_100, %select_n3A_99 : i32
    %select_n3A_110 = arith.select %and3A_108, %add3A_109, %rem3A_100 : i32
    %dma_wait3A = arith.constant 1 : i32
    %dma_wait3A_111 = arith.constant 0 : i32
    %dma_wait3A_112 = tpu.memref_slice %arg6[%select_n3A_93, %dma_wait3A, %dma_wait3A_111] : memref<4x2x128xi32, #tpu.memory_space<vmem>> -> memref<1x1x128xi32, #tpu.memory_space<vmem>>
    %dma_wait3A_113 = tpu.memref_squeeze %dma_wait3A_112 : memref<1x1x128xi32, #tpu.memory_space<vmem>> -> memref<128xi32, #tpu.memory_space<vmem>>
    %dma_wait3A_114 = arith.constant 0 : i32
    %dma_wait3A_115 = arith.constant 0 : i32
    %dma_wait3A_116 = tpu.memref_slice %arg8[%dma_wait3A_114, %dma_wait3A_115] : memref<10240x128xf32, #tpu.memory_space<vmem_shared>> -> memref<10240x128xf32, #tpu.memory_space<vmem_shared>>
    %dma_wait3A_117 = tpu.memref_slice %arg10[%select_n3A_110] : memref<2x!tpu.dma_semaphore, #tpu.memory_space<semaphore_mem>> -> memref<1x!tpu.dma_semaphore, #tpu.memory_space<semaphore_mem>>
    %dma_wait3A_118 = tpu.memref_squeeze %dma_wait3A_117 : memref<1x!tpu.dma_semaphore, #tpu.memory_space<semaphore_mem>> -> memref<!tpu.dma_semaphore, #tpu.memory_space<semaphore_mem>>
    tpu.wait_indirect_dma semaphore(%dma_wait3A_118 : memref<!tpu.dma_semaphore, #tpu.memory_space<semaphore_mem>>) src(%arg7 : memref<128x128xf32, #tpu.memory_space<vmem>>) dst(%dma_wait3A_116 : memref<10240x128xf32, #tpu.memory_space<vmem_shared>>)
    %jit3A_119 = arith.constant 39 : i32
    %jit3A_120 = arith.constant 4 : i32
    %eq3A_121 = arith.constant 0 : i32
    %eq3A_122 = arith.cmpi eq, %jit3A_120, %eq3A_121 : i32
    %jit3A_123 = arith.constant 1 : i32
    %select_n3A_124 = arith.select %eq3A_122, %jit3A_123, %jit3A_120 : i32
    %rem3A_125 = arith.remsi %jit3A_119, %select_n3A_124 : i32
    %ne3A_126 = arith.constant 0 : i32
    %ne3A_127 = arith.cmpi ne, %rem3A_125, %ne3A_126 : i32
    %lt3A_128 = arith.constant 0 : i32
    %lt3A_129 = arith.cmpi slt, %rem3A_125, %lt3A_128 : i32
    %lt3A_130 = arith.constant 0 : i32
    %lt3A_131 = arith.cmpi slt, %select_n3A_124, %lt3A_130 : i32
    %ne3A_132 = arith.xori %lt3A_129, %lt3A_131 : i1
    %and3A_133 = arith.andi %ne3A_132, %ne3A_127 : i1
    %add3A_134 = arith.addi %rem3A_125, %select_n3A_124 : i32
    %select_n3A_135 = arith.select %and3A_133, %add3A_134, %rem3A_125 : i32
    %jit3A_136 = arith.constant 39 : i32
    %jit3A_137 = arith.constant 2 : i32
    %eq3A_138 = arith.constant 0 : i32
    %eq3A_139 = arith.cmpi eq, %jit3A_137, %eq3A_138 : i32
    %jit3A_140 = arith.constant 1 : i32
    %select_n3A_141 = arith.select %eq3A_139, %jit3A_140, %jit3A_137 : i32
    %rem3A_142 = arith.remsi %jit3A_136, %select_n3A_141 : i32
    %ne3A_143 = arith.constant 0 : i32
    %ne3A_144 = arith.cmpi ne, %rem3A_142, %ne3A_143 : i32
    %lt3A_145 = arith.constant 0 : i32
    %lt3A_146 = arith.cmpi slt, %rem3A_142, %lt3A_145 : i32
    %lt3A_147 = arith.constant 0 : i32
    %lt3A_148 = arith.cmpi slt, %select_n3A_141, %lt3A_147 : i32
    %ne3A_149 = arith.xori %lt3A_146, %lt3A_148 : i1
    %and3A_150 = arith.andi %ne3A_149, %ne3A_144 : i1
    %add3A_151 = arith.addi %rem3A_142, %select_n3A_141 : i32
    %select_n3A_152 = arith.select %and3A_150, %add3A_151, %rem3A_142 : i32
    %dma_wait3A_153 = arith.constant 1 : i32
    %dma_wait3A_154 = arith.constant 0 : i32
    %dma_wait3A_155 = tpu.memref_slice %arg6[%select_n3A_135, %dma_wait3A_153, %dma_wait3A_154] : memref<4x2x128xi32, #tpu.memory_space<vmem>> -> memref<1x1x128xi32, #tpu.memory_space<vmem>>
    %dma_wait3A_156 = tpu.memref_squeeze %dma_wait3A_155 : memref<1x1x128xi32, #tpu.memory_space<vmem>> -> memref<128xi32, #tpu.memory_space<vmem>>
    %dma_wait3A_157 = arith.constant 0 : i32
    %dma_wait3A_158 = arith.constant 0 : i32
    %dma_wait3A_159 = tpu.memref_slice %arg8[%dma_wait3A_157, %dma_wait3A_158] : memref<10240x128xf32, #tpu.memory_space<vmem_shared>> -> memref<10240x128xf32, #tpu.memory_space<vmem_shared>>
    %dma_wait3A_160 = tpu.memref_slice %arg10[%select_n3A_152] : memref<2x!tpu.dma_semaphore, #tpu.memory_space<semaphore_mem>> -> memref<1x!tpu.dma_semaphore, #tpu.memory_space<semaphore_mem>>
    %dma_wait3A_161 = tpu.memref_squeeze %dma_wait3A_160 : memref<1x!tpu.dma_semaphore, #tpu.memory_space<semaphore_mem>> -> memref<!tpu.dma_semaphore, #tpu.memory_space<semaphore_mem>>
    tpu.wait_indirect_dma semaphore(%dma_wait3A_161 : memref<!tpu.dma_semaphore, #tpu.memory_space<semaphore_mem>>) src(%arg7 : memref<128x128xf32, #tpu.memory_space<vmem>>) dst(%dma_wait3A_159 : memref<10240x128xf32, #tpu.memory_space<vmem_shared>>)
    %barrier3A_162 = arith.constant 0 : index
    tpu.barrier barrier_id(%barrier3A_162)
    %mul3A_163 = arith.constant 640 : i32
    %mul3A_164 = arith.muli %arg1, %mul3A_163 : i32
    %mul3A_165 = arith.constant 10240 : i32
    %mul3A_166 = arith.muli %arg0, %mul3A_165 : i32
    %add3A_167 = arith.addi %mul3A_166, %mul3A_164 : i32
    "tpu.region"() ({
      %run_scoped3A = tpu.sem_alloc : memref<!tpu.dma_semaphore, #tpu.memory_space<semaphore_mem>>
      %dma_start3A_168 = arith.constant 0 : i32
      %dma_start3A_169 = tpu.memref_slice %arg5[%add3A_167, %dma_start3A_168] : memref<20480x128xf32, #tpu.memory_space<hbm>> -> memref<640x128xf32, #tpu.memory_space<hbm>>
      %dma_start3A_170 = arith.constant 0 : i32
      %dma_start3A_171 = tpu.memref_slice %arg8[%mul3A_164, %dma_start3A_170] : memref<10240x128xf32, #tpu.memory_space<vmem_shared>> -> memref<640x128xf32, #tpu.memory_space<vmem_shared>>
      tpu.enqueue_dma source(%dma_start3A_171 : memref<640x128xf32, #tpu.memory_space<vmem_shared>>) target(%dma_start3A_169 : memref<640x128xf32, #tpu.memory_space<hbm>>) target_semaphore(%run_scoped3A : memref<!tpu.dma_semaphore, #tpu.memory_space<semaphore_mem>>)
      %dma_wait3A_172 = arith.constant 0 : i32
      %dma_wait3A_173 = tpu.memref_slice %arg5[%add3A_167, %dma_wait3A_172] : memref<20480x128xf32, #tpu.memory_space<hbm>> -> memref<640x128xf32, #tpu.memory_space<hbm>>
      %dma_wait3A_174 = arith.constant 0 : i32
      %dma_wait3A_175 = tpu.memref_slice %arg8[%mul3A_164, %dma_wait3A_174] : memref<10240x128xf32, #tpu.memory_space<vmem_shared>> -> memref<640x128xf32, #tpu.memory_space<vmem_shared>>
      tpu.wait_dma2 semaphore(%run_scoped3A : memref<!tpu.dma_semaphore, #tpu.memory_space<semaphore_mem>>) src(%dma_wait3A_175 : memref<640x128xf32, #tpu.memory_space<vmem_shared>>) dst(%dma_wait3A_173 : memref<640x128xf32, #tpu.memory_space<hbm>>)
      tpu.yield
    }) : () -> ()
    return
  }
}

#map = affine_map<(d0, d1) -> (0)>
#map1 = affine_map<(d0, d1) -> (0, 0)>
module attributes {stable_mosaic.version = 14 : i64} {
  func.func @body(%arg0: i32, %arg1: i32, %arg2: memref<163840xi32, #tpu.memory_space<hbm>>, %arg3: memref<163840xi32, #tpu.memory_space<hbm>>, %arg4: memref<10000x128xf32, #tpu.memory_space<hbm>>, %arg5: memref<640x128xf32, #tpu.memory_space<hbm>>, %arg6: memref<20480x128xf32, #tpu.memory_space<hbm>>, %arg7: memref<1x128xi32, #tpu.memory_space<vmem>>, %arg8: memref<1x128xi32, #tpu.memory_space<vmem>>, %arg9: memref<128x128xf32, #tpu.memory_space<vmem>>, %arg10: memref<10240x128xf32, #tpu.memory_space<vmem_shared>>) attributes {dimension_semantics = [#tpu.dimension_semantics<core_parallel>, #tpu.dimension_semantics<subcore_parallel>], iteration_bounds = array<i64: 2, 16>, scalar_prefetch = 0 : i64, scratch_operands = 4 : i64, tpu.core_type = #tpu.core_type<sc_vector_subcore>, window_params = [{transform_indices = #map}, {transform_indices = #map}, {transform_indices = #map1}, {transform_indices = #map1}, {transform_indices = #map1}]} {
    %mul3A = arith.constant 640 : i32
    %mul3A_0 = arith.muli %arg1, %mul3A : i32
    "tpu.region"() ({
      %run_scoped3A = tpu.sem_alloc : memref<!tpu.dma_semaphore, #tpu.memory_space<semaphore_mem>>
      %dma_start3A = arith.constant 0 : i32
      %dma_start3A_17 = tpu.memref_slice %arg10[%mul3A_0, %dma_start3A] : memref<10240x128xf32, #tpu.memory_space<vmem_shared>> -> memref<640x128xf32, #tpu.memory_space<vmem_shared>>
      tpu.enqueue_dma source(%arg5 : memref<640x128xf32, #tpu.memory_space<hbm>>) target(%dma_start3A_17 : memref<640x128xf32, #tpu.memory_space<vmem_shared>>) target_semaphore(%run_scoped3A : memref<!tpu.dma_semaphore, #tpu.memory_space<semaphore_mem>>)
      %dma_wait3A = arith.constant 0 : i32
      %dma_wait3A_18 = tpu.memref_slice %arg10[%mul3A_0, %dma_wait3A] : memref<10240x128xf32, #tpu.memory_space<vmem_shared>> -> memref<640x128xf32, #tpu.memory_space<vmem_shared>>
      tpu.wait_dma2 semaphore(%run_scoped3A : memref<!tpu.dma_semaphore, #tpu.memory_space<semaphore_mem>>) src(%arg5 : memref<640x128xf32, #tpu.memory_space<hbm>>) dst(%dma_wait3A_18 : memref<640x128xf32, #tpu.memory_space<vmem_shared>>)
      tpu.yield
    }) : () -> ()
    %barrier3A = arith.constant 0 : index
    tpu.barrier barrier_id(%barrier3A)
    %mul3A_1 = arith.constant 2 : i32
    %mul3A_2 = arith.muli %arg1, %mul3A_1 : i32
    %add3A = arith.addi %mul3A_2, %arg0 : i32
    %mul3A_3 = arith.constant 40 : i32
    %mul3A_4 = arith.muli %add3A, %mul3A_3 : i32
    %scan3A = arith.constant 0 : i32
    %scan3A_5 = arith.constant 0 : i32
    %scan3A_6 = arith.constant 40 : i32
    %scan3A_7 = arith.addi %scan3A_5, %scan3A_6 : i32
    %scan3A_8 = arith.constant 1 : i32
    %scan3A_9 = scf.for %scan3A_17 = %scan3A_5 to %scan3A_7 step %scan3A_8 iter_args(%scan3A_18 = %scan3A) -> (i32)  : i32 {
      %add3A_19 = arith.addi %mul3A_4, %scan3A_17 : i32
      %mul3A_20 = arith.constant 128 : i32
      %mul3A_21 = arith.muli %add3A_19, %mul3A_20 : i32
      %add3A_22 = arith.constant 0 : i32
      %add3A_23 = arith.addi %add3A_22, %mul3A_21 : i32
      %run_scoped3A = arith.constant 0 : i32
      "tpu.region"() ({
        %run_scoped3A_28 = tpu.sem_alloc : memref<!tpu.dma_semaphore, #tpu.memory_space<semaphore_mem>>
        %dma_start3A = arith.constant 0 : i32
        %dma_start3A_29 = tpu.memref_slice %arg7[%run_scoped3A, %dma_start3A] : memref<1x128xi32, #tpu.memory_space<vmem>> -> memref<1x128xi32, #tpu.memory_space<vmem>>
        %dma_start3A_30 = tpu.memref_squeeze %dma_start3A_29 : memref<1x128xi32, #tpu.memory_space<vmem>> -> memref<128xi32, #tpu.memory_space<vmem>>
        %dma_start3A_31 = tpu.memref_slice %arg2[%add3A_23] : memref<163840xi32, #tpu.memory_space<hbm>> -> memref<128xi32, #tpu.memory_space<hbm>>
        %dma_start3A_32 = arith.constant 0 : i32
        %dma_start3A_33 = tpu.memref_slice %arg7[%run_scoped3A, %dma_start3A_32] : memref<1x128xi32, #tpu.memory_space<vmem>> -> memref<1x128xi32, #tpu.memory_space<vmem>>
        %dma_start3A_34 = tpu.memref_squeeze %dma_start3A_33 : memref<1x128xi32, #tpu.memory_space<vmem>> -> memref<128xi32, #tpu.memory_space<vmem>>
        %dma_start3A_35 = tpu.memref_slice %arg2[%add3A_23] : memref<163840xi32, #tpu.memory_space<hbm>> -> memref<128xi32, #tpu.memory_space<hbm>>
        tpu.enqueue_dma source(%dma_start3A_35 : memref<128xi32, #tpu.memory_space<hbm>>) target(%dma_start3A_34 : memref<128xi32, #tpu.memory_space<vmem>>) target_semaphore(%run_scoped3A_28 : memref<!tpu.dma_semaphore, #tpu.memory_space<semaphore_mem>>)
        %dma_wait3A = arith.constant 0 : i32
        %dma_wait3A_36 = tpu.memref_slice %arg7[%run_scoped3A, %dma_wait3A] : memref<1x128xi32, #tpu.memory_space<vmem>> -> memref<1x128xi32, #tpu.memory_space<vmem>>
        %dma_wait3A_37 = tpu.memref_squeeze %dma_wait3A_36 : memref<1x128xi32, #tpu.memory_space<vmem>> -> memref<128xi32, #tpu.memory_space<vmem>>
        %dma_wait3A_38 = tpu.memref_slice %arg2[%add3A_23] : memref<163840xi32, #tpu.memory_space<hbm>> -> memref<128xi32, #tpu.memory_space<hbm>>
        %dma_wait3A_39 = arith.constant 0 : i32
        %dma_wait3A_40 = tpu.memref_slice %arg7[%run_scoped3A, %dma_wait3A_39] : memref<1x128xi32, #tpu.memory_space<vmem>> -> memref<1x128xi32, #tpu.memory_space<vmem>>
        %dma_wait3A_41 = tpu.memref_squeeze %dma_wait3A_40 : memref<1x128xi32, #tpu.memory_space<vmem>> -> memref<128xi32, #tpu.memory_space<vmem>>
        %dma_wait3A_42 = tpu.memref_slice %arg2[%add3A_23] : memref<163840xi32, #tpu.memory_space<hbm>> -> memref<128xi32, #tpu.memory_space<hbm>>
        tpu.wait_dma2 semaphore(%run_scoped3A_28 : memref<!tpu.dma_semaphore, #tpu.memory_space<semaphore_mem>>) src(%dma_wait3A_42 : memref<128xi32, #tpu.memory_space<hbm>>) dst(%dma_wait3A_41 : memref<128xi32, #tpu.memory_space<vmem>>)
        tpu.yield
      }) : () -> ()
      %run_scoped3A_24 = arith.constant 0 : i32
      "tpu.region"() ({
        %run_scoped3A_28 = tpu.sem_alloc : memref<!tpu.dma_semaphore, #tpu.memory_space<semaphore_mem>>
        %dma_start3A = arith.constant 0 : i32
        %dma_start3A_29 = tpu.memref_slice %arg8[%run_scoped3A_24, %dma_start3A] : memref<1x128xi32, #tpu.memory_space<vmem>> -> memref<1x128xi32, #tpu.memory_space<vmem>>
        %dma_start3A_30 = tpu.memref_squeeze %dma_start3A_29 : memref<1x128xi32, #tpu.memory_space<vmem>> -> memref<128xi32, #tpu.memory_space<vmem>>
        %dma_start3A_31 = tpu.memref_slice %arg3[%mul3A_21] : memref<163840xi32, #tpu.memory_space<hbm>> -> memref<128xi32, #tpu.memory_space<hbm>>
        %dma_start3A_32 = arith.constant 0 : i32
        %dma_start3A_33 = tpu.memref_slice %arg8[%run_scoped3A_24, %dma_start3A_32] : memref<1x128xi32, #tpu.memory_space<vmem>> -> memref<1x128xi32, #tpu.memory_space<vmem>>
        %dma_start3A_34 = tpu.memref_squeeze %dma_start3A_33 : memref<1x128xi32, #tpu.memory_space<vmem>> -> memref<128xi32, #tpu.memory_space<vmem>>
        %dma_start3A_35 = tpu.memref_slice %arg3[%mul3A_21] : memref<163840xi32, #tpu.memory_space<hbm>> -> memref<128xi32, #tpu.memory_space<hbm>>
        tpu.enqueue_dma source(%dma_start3A_35 : memref<128xi32, #tpu.memory_space<hbm>>) target(%dma_start3A_34 : memref<128xi32, #tpu.memory_space<vmem>>) target_semaphore(%run_scoped3A_28 : memref<!tpu.dma_semaphore, #tpu.memory_space<semaphore_mem>>)
        %dma_wait3A = arith.constant 0 : i32
        %dma_wait3A_36 = tpu.memref_slice %arg8[%run_scoped3A_24, %dma_wait3A] : memref<1x128xi32, #tpu.memory_space<vmem>> -> memref<1x128xi32, #tpu.memory_space<vmem>>
        %dma_wait3A_37 = tpu.memref_squeeze %dma_wait3A_36 : memref<1x128xi32, #tpu.memory_space<vmem>> -> memref<128xi32, #tpu.memory_space<vmem>>
        %dma_wait3A_38 = tpu.memref_slice %arg3[%mul3A_21] : memref<163840xi32, #tpu.memory_space<hbm>> -> memref<128xi32, #tpu.memory_space<hbm>>
        %dma_wait3A_39 = arith.constant 0 : i32
        %dma_wait3A_40 = tpu.memref_slice %arg8[%run_scoped3A_24, %dma_wait3A_39] : memref<1x128xi32, #tpu.memory_space<vmem>> -> memref<1x128xi32, #tpu.memory_space<vmem>>
        %dma_wait3A_41 = tpu.memref_squeeze %dma_wait3A_40 : memref<1x128xi32, #tpu.memory_space<vmem>> -> memref<128xi32, #tpu.memory_space<vmem>>
        %dma_wait3A_42 = tpu.memref_slice %arg3[%mul3A_21] : memref<163840xi32, #tpu.memory_space<hbm>> -> memref<128xi32, #tpu.memory_space<hbm>>
        tpu.wait_dma2 semaphore(%run_scoped3A_28 : memref<!tpu.dma_semaphore, #tpu.memory_space<semaphore_mem>>) src(%dma_wait3A_42 : memref<128xi32, #tpu.memory_space<hbm>>) dst(%dma_wait3A_41 : memref<128xi32, #tpu.memory_space<vmem>>)
        tpu.yield
      }) : () -> ()
      %run_scoped3A_25 = arith.constant 0 : i32
      "tpu.region"() ({
        %run_scoped3A_28 = tpu.sem_alloc : memref<!tpu.dma_semaphore, #tpu.memory_space<semaphore_mem>>
        %dma_start3A = arith.constant 0 : i32
        %dma_start3A_29 = tpu.memref_slice %arg7[%run_scoped3A_25, %dma_start3A] : memref<1x128xi32, #tpu.memory_space<vmem>> -> memref<1x128xi32, #tpu.memory_space<vmem>>
        %dma_start3A_30 = tpu.memref_squeeze %dma_start3A_29 : memref<1x128xi32, #tpu.memory_space<vmem>> -> memref<128xi32, #tpu.memory_space<vmem>>
        %dma_start3A_31 = arith.constant 0 : i32
        %dma_start3A_32 = arith.constant 0 : i32
        %dma_start3A_33 = tpu.memref_slice %arg4[%dma_start3A_31, %dma_start3A_32] : memref<10000x128xf32, #tpu.memory_space<hbm>> -> memref<10000x128xf32, #tpu.memory_space<hbm>>
        tpu.enqueue_indirect_dma source(%dma_start3A_33 : memref<10000x128xf32, #tpu.memory_space<hbm>>) target(%arg9 : memref<128x128xf32, #tpu.memory_space<vmem>>) offsets(%dma_start3A_30 : memref<128xi32, #tpu.memory_space<vmem>>) semaphore(%run_scoped3A_28 : memref<!tpu.dma_semaphore, #tpu.memory_space<semaphore_mem>>)
        %dma_wait3A = arith.constant 0 : i32
        %dma_wait3A_34 = tpu.memref_slice %arg7[%run_scoped3A_25, %dma_wait3A] : memref<1x128xi32, #tpu.memory_space<vmem>> -> memref<1x128xi32, #tpu.memory_space<vmem>>
        %dma_wait3A_35 = tpu.memref_squeeze %dma_wait3A_34 : memref<1x128xi32, #tpu.memory_space<vmem>> -> memref<128xi32, #tpu.memory_space<vmem>>
        %dma_wait3A_36 = arith.constant 0 : i32
        %dma_wait3A_37 = arith.constant 0 : i32
        %dma_wait3A_38 = tpu.memref_slice %arg4[%dma_wait3A_36, %dma_wait3A_37] : memref<10000x128xf32, #tpu.memory_space<hbm>> -> memref<10000x128xf32, #tpu.memory_space<hbm>>
        tpu.wait_indirect_dma semaphore(%run_scoped3A_28 : memref<!tpu.dma_semaphore, #tpu.memory_space<semaphore_mem>>) src(%dma_wait3A_38 : memref<10000x128xf32, #tpu.memory_space<hbm>>) dst(%arg9 : memref<128x128xf32, #tpu.memory_space<vmem>>)
        tpu.yield
      }) : () -> ()
      %run_scoped3A_26 = arith.constant 0 : i32
      "tpu.region"() ({
        %run_scoped3A_28 = tpu.sem_alloc : memref<!tpu.dma_semaphore, #tpu.memory_space<semaphore_mem>>
        %dma_start3A = arith.constant 0 : i32
        %dma_start3A_29 = tpu.memref_slice %arg8[%run_scoped3A_26, %dma_start3A] : memref<1x128xi32, #tpu.memory_space<vmem>> -> memref<1x128xi32, #tpu.memory_space<vmem>>
        %dma_start3A_30 = tpu.memref_squeeze %dma_start3A_29 : memref<1x128xi32, #tpu.memory_space<vmem>> -> memref<128xi32, #tpu.memory_space<vmem>>
        %dma_start3A_31 = arith.constant 0 : i32
        %dma_start3A_32 = arith.constant 0 : i32
        %dma_start3A_33 = tpu.memref_slice %arg10[%dma_start3A_31, %dma_start3A_32] : memref<10240x128xf32, #tpu.memory_space<vmem_shared>> -> memref<10240x128xf32, #tpu.memory_space<vmem_shared>>
        tpu.enqueue_indirect_dma source(%arg9 : memref<128x128xf32, #tpu.memory_space<vmem>>) target(%dma_start3A_33 : memref<10240x128xf32, #tpu.memory_space<vmem_shared>>) offsets(%dma_start3A_30 : memref<128xi32, #tpu.memory_space<vmem>>) semaphore(%run_scoped3A_28 : memref<!tpu.dma_semaphore, #tpu.memory_space<semaphore_mem>>) {add = true}
        %dma_wait3A = arith.constant 0 : i32
        %dma_wait3A_34 = tpu.memref_slice %arg8[%run_scoped3A_26, %dma_wait3A] : memref<1x128xi32, #tpu.memory_space<vmem>> -> memref<1x128xi32, #tpu.memory_space<vmem>>
        %dma_wait3A_35 = tpu.memref_squeeze %dma_wait3A_34 : memref<1x128xi32, #tpu.memory_space<vmem>> -> memref<128xi32, #tpu.memory_space<vmem>>
        %dma_wait3A_36 = arith.constant 0 : i32
        %dma_wait3A_37 = arith.constant 0 : i32
        %dma_wait3A_38 = tpu.memref_slice %arg10[%dma_wait3A_36, %dma_wait3A_37] : memref<10240x128xf32, #tpu.memory_space<vmem_shared>> -> memref<10240x128xf32, #tpu.memory_space<vmem_shared>>
        tpu.wait_indirect_dma semaphore(%run_scoped3A_28 : memref<!tpu.dma_semaphore, #tpu.memory_space<semaphore_mem>>) src(%arg9 : memref<128x128xf32, #tpu.memory_space<vmem>>) dst(%dma_wait3A_38 : memref<10240x128xf32, #tpu.memory_space<vmem_shared>>)
        tpu.yield
      }) : () -> ()
      %scan3A_27 = arith.constant 0 : i32
      scf.yield %scan3A_27 : i32
    }
    %scan3A_10 = arith.constant 40 : i32
    %barrier3A_11 = arith.constant 0 : index
    tpu.barrier barrier_id(%barrier3A_11)
    %mul3A_12 = arith.constant 640 : i32
    %mul3A_13 = arith.muli %arg1, %mul3A_12 : i32
    %mul3A_14 = arith.constant 10240 : i32
    %mul3A_15 = arith.muli %arg0, %mul3A_14 : i32
    %add3A_16 = arith.addi %mul3A_15, %mul3A_13 : i32
    "tpu.region"() ({
      %run_scoped3A = tpu.sem_alloc : memref<!tpu.dma_semaphore, #tpu.memory_space<semaphore_mem>>
      %dma_start3A = arith.constant 0 : i32
      %dma_start3A_17 = tpu.memref_slice %arg6[%add3A_16, %dma_start3A] : memref<20480x128xf32, #tpu.memory_space<hbm>> -> memref<640x128xf32, #tpu.memory_space<hbm>>
      %dma_start3A_18 = arith.constant 0 : i32
      %dma_start3A_19 = tpu.memref_slice %arg10[%mul3A_13, %dma_start3A_18] : memref<10240x128xf32, #tpu.memory_space<vmem_shared>> -> memref<640x128xf32, #tpu.memory_space<vmem_shared>>
      tpu.enqueue_dma source(%dma_start3A_19 : memref<640x128xf32, #tpu.memory_space<vmem_shared>>) target(%dma_start3A_17 : memref<640x128xf32, #tpu.memory_space<hbm>>) target_semaphore(%run_scoped3A : memref<!tpu.dma_semaphore, #tpu.memory_space<semaphore_mem>>)
      %dma_wait3A = arith.constant 0 : i32
      %dma_wait3A_20 = tpu.memref_slice %arg6[%add3A_16, %dma_wait3A] : memref<20480x128xf32, #tpu.memory_space<hbm>> -> memref<640x128xf32, #tpu.memory_space<hbm>>
      %dma_wait3A_21 = arith.constant 0 : i32
      %dma_wait3A_22 = tpu.memref_slice %arg10[%mul3A_13, %dma_wait3A_21] : memref<10240x128xf32, #tpu.memory_space<vmem_shared>> -> memref<640x128xf32, #tpu.memory_space<vmem_shared>>
      tpu.wait_dma2 semaphore(%run_scoped3A : memref<!tpu.dma_semaphore, #tpu.memory_space<semaphore_mem>>) src(%dma_wait3A_22 : memref<640x128xf32, #tpu.memory_space<vmem_shared>>) dst(%dma_wait3A_20 : memref<640x128xf32, #tpu.memory_space<hbm>>)
      tpu.yield
    }) : () -> ()
    return
  }
}

#map = affine_map<(d0, d1) -> (0)>
#map1 = affine_map<(d0, d1) -> (0, 0)>
module attributes {stable_mosaic.version = 14 : i64} {
  func.func @body(%arg0: i32, %arg1: i32, %arg2: memref<327680xi32, #tpu.memory_space<hbm>>, %arg3: memref<163840xi32, #tpu.memory_space<hbm>>, %arg4: memref<20000x128xf32, #tpu.memory_space<hbm>>, %arg5: memref<640x128xf32, #tpu.memory_space<hbm>>, %arg6: memref<20480x128xf32, #tpu.memory_space<hbm>>, %arg7: memref<1x128xi32, #tpu.memory_space<vmem>>, %arg8: memref<1x128xi32, #tpu.memory_space<vmem>>, %arg9: memref<128x128xf32, #tpu.memory_space<vmem>>, %arg10: memref<10240x128xf32, #tpu.memory_space<vmem_shared>>) attributes {dimension_semantics = [#tpu.dimension_semantics<core_parallel>, #tpu.dimension_semantics<subcore_parallel>], iteration_bounds = array<i64: 2, 16>, scalar_prefetch = 0 : i64, scratch_operands = 4 : i64, tpu.core_type = #tpu.core_type<sc_vector_subcore>, window_params = [{transform_indices = #map}, {transform_indices = #map}, {transform_indices = #map1}, {transform_indices = #map1}, {transform_indices = #map1}]} {
    %mul3A = arith.constant 640 : i32
    %mul3A_0 = arith.muli %arg1, %mul3A : i32
    "tpu.region"() ({
      %run_scoped3A = tpu.sem_alloc : memref<!tpu.dma_semaphore, #tpu.memory_space<semaphore_mem>>
      %dma_start3A = arith.constant 0 : i32
      %dma_start3A_16 = tpu.memref_slice %arg10[%mul3A_0, %dma_start3A] : memref<10240x128xf32, #tpu.memory_space<vmem_shared>> -> memref<640x128xf32, #tpu.memory_space<vmem_shared>>
      tpu.enqueue_dma source(%arg5 : memref<640x128xf32, #tpu.memory_space<hbm>>) target(%dma_start3A_16 : memref<640x128xf32, #tpu.memory_space<vmem_shared>>) target_semaphore(%run_scoped3A : memref<!tpu.dma_semaphore, #tpu.memory_space<semaphore_mem>>)
      %dma_wait3A = arith.constant 0 : i32
      %dma_wait3A_17 = tpu.memref_slice %arg10[%mul3A_0, %dma_wait3A] : memref<10240x128xf32, #tpu.memory_space<vmem_shared>> -> memref<640x128xf32, #tpu.memory_space<vmem_shared>>
      tpu.wait_dma2 semaphore(%run_scoped3A : memref<!tpu.dma_semaphore, #tpu.memory_space<semaphore_mem>>) src(%arg5 : memref<640x128xf32, #tpu.memory_space<hbm>>) dst(%dma_wait3A_17 : memref<640x128xf32, #tpu.memory_space<vmem_shared>>)
      tpu.yield
    }) : () -> ()
    %barrier3A = arith.constant 0 : index
    tpu.barrier barrier_id(%barrier3A)
    %mul3A_1 = arith.constant 80 : i32
    %mul3A_2 = arith.muli %arg1, %mul3A_1 : i32
    %mul3A_3 = arith.constant 163840 : i32
    %mul3A_4 = arith.muli %arg0, %mul3A_3 : i32
    %scan3A = arith.constant 0 : i32
    %scan3A_5 = arith.constant 0 : i32
    %scan3A_6 = arith.constant 80 : i32
    %scan3A_7 = arith.addi %scan3A_5, %scan3A_6 : i32
    %scan3A_8 = arith.constant 1 : i32
    %scan3A_9 = scf.for %scan3A_16 = %scan3A_5 to %scan3A_7 step %scan3A_8 iter_args(%scan3A_17 = %scan3A) -> (i32)  : i32 {
      %add3A_18 = arith.addi %mul3A_2, %scan3A_16 : i32
      %mul3A_19 = arith.constant 128 : i32
      %mul3A_20 = arith.muli %add3A_18, %mul3A_19 : i32
      %add3A_21 = arith.addi %mul3A_4, %mul3A_20 : i32
      %run_scoped3A = arith.constant 0 : i32
      "tpu.region"() ({
        %run_scoped3A_26 = tpu.sem_alloc : memref<!tpu.dma_semaphore, #tpu.memory_space<semaphore_mem>>
        %dma_start3A = arith.constant 0 : i32
        %dma_start3A_27 = tpu.memref_slice %arg7[%run_scoped3A, %dma_start3A] : memref<1x128xi32, #tpu.memory_space<vmem>> -> memref<1x128xi32, #tpu.memory_space<vmem>>
        %dma_start3A_28 = tpu.memref_squeeze %dma_start3A_27 : memref<1x128xi32, #tpu.memory_space<vmem>> -> memref<128xi32, #tpu.memory_space<vmem>>
        %dma_start3A_29 = tpu.memref_slice %arg2[%add3A_21] : memref<327680xi32, #tpu.memory_space<hbm>> -> memref<128xi32, #tpu.memory_space<hbm>>
        %dma_start3A_30 = arith.constant 0 : i32
        %dma_start3A_31 = tpu.memref_slice %arg7[%run_scoped3A, %dma_start3A_30] : memref<1x128xi32, #tpu.memory_space<vmem>> -> memref<1x128xi32, #tpu.memory_space<vmem>>
        %dma_start3A_32 = tpu.memref_squeeze %dma_start3A_31 : memref<1x128xi32, #tpu.memory_space<vmem>> -> memref<128xi32, #tpu.memory_space<vmem>>
        %dma_start3A_33 = tpu.memref_slice %arg2[%add3A_21] : memref<327680xi32, #tpu.memory_space<hbm>> -> memref<128xi32, #tpu.memory_space<hbm>>
        tpu.enqueue_dma source(%dma_start3A_33 : memref<128xi32, #tpu.memory_space<hbm>>) target(%dma_start3A_32 : memref<128xi32, #tpu.memory_space<vmem>>) target_semaphore(%run_scoped3A_26 : memref<!tpu.dma_semaphore, #tpu.memory_space<semaphore_mem>>)
        %dma_wait3A = arith.constant 0 : i32
        %dma_wait3A_34 = tpu.memref_slice %arg7[%run_scoped3A, %dma_wait3A] : memref<1x128xi32, #tpu.memory_space<vmem>> -> memref<1x128xi32, #tpu.memory_space<vmem>>
        %dma_wait3A_35 = tpu.memref_squeeze %dma_wait3A_34 : memref<1x128xi32, #tpu.memory_space<vmem>> -> memref<128xi32, #tpu.memory_space<vmem>>
        %dma_wait3A_36 = tpu.memref_slice %arg2[%add3A_21] : memref<327680xi32, #tpu.memory_space<hbm>> -> memref<128xi32, #tpu.memory_space<hbm>>
        %dma_wait3A_37 = arith.constant 0 : i32
        %dma_wait3A_38 = tpu.memref_slice %arg7[%run_scoped3A, %dma_wait3A_37] : memref<1x128xi32, #tpu.memory_space<vmem>> -> memref<1x128xi32, #tpu.memory_space<vmem>>
        %dma_wait3A_39 = tpu.memref_squeeze %dma_wait3A_38 : memref<1x128xi32, #tpu.memory_space<vmem>> -> memref<128xi32, #tpu.memory_space<vmem>>
        %dma_wait3A_40 = tpu.memref_slice %arg2[%add3A_21] : memref<327680xi32, #tpu.memory_space<hbm>> -> memref<128xi32, #tpu.memory_space<hbm>>
        tpu.wait_dma2 semaphore(%run_scoped3A_26 : memref<!tpu.dma_semaphore, #tpu.memory_space<semaphore_mem>>) src(%dma_wait3A_40 : memref<128xi32, #tpu.memory_space<hbm>>) dst(%dma_wait3A_39 : memref<128xi32, #tpu.memory_space<vmem>>)
        tpu.yield
      }) : () -> ()
      %run_scoped3A_22 = arith.constant 0 : i32
      "tpu.region"() ({
        %run_scoped3A_26 = tpu.sem_alloc : memref<!tpu.dma_semaphore, #tpu.memory_space<semaphore_mem>>
        %dma_start3A = arith.constant 0 : i32
        %dma_start3A_27 = tpu.memref_slice %arg8[%run_scoped3A_22, %dma_start3A] : memref<1x128xi32, #tpu.memory_space<vmem>> -> memref<1x128xi32, #tpu.memory_space<vmem>>
        %dma_start3A_28 = tpu.memref_squeeze %dma_start3A_27 : memref<1x128xi32, #tpu.memory_space<vmem>> -> memref<128xi32, #tpu.memory_space<vmem>>
        %dma_start3A_29 = tpu.memref_slice %arg3[%mul3A_20] : memref<163840xi32, #tpu.memory_space<hbm>> -> memref<128xi32, #tpu.memory_space<hbm>>
        %dma_start3A_30 = arith.constant 0 : i32
        %dma_start3A_31 = tpu.memref_slice %arg8[%run_scoped3A_22, %dma_start3A_30] : memref<1x128xi32, #tpu.memory_space<vmem>> -> memref<1x128xi32, #tpu.memory_space<vmem>>
        %dma_start3A_32 = tpu.memref_squeeze %dma_start3A_31 : memref<1x128xi32, #tpu.memory_space<vmem>> -> memref<128xi32, #tpu.memory_space<vmem>>
        %dma_start3A_33 = tpu.memref_slice %arg3[%mul3A_20] : memref<163840xi32, #tpu.memory_space<hbm>> -> memref<128xi32, #tpu.memory_space<hbm>>
        tpu.enqueue_dma source(%dma_start3A_33 : memref<128xi32, #tpu.memory_space<hbm>>) target(%dma_start3A_32 : memref<128xi32, #tpu.memory_space<vmem>>) target_semaphore(%run_scoped3A_26 : memref<!tpu.dma_semaphore, #tpu.memory_space<semaphore_mem>>)
        %dma_wait3A = arith.constant 0 : i32
        %dma_wait3A_34 = tpu.memref_slice %arg8[%run_scoped3A_22, %dma_wait3A] : memref<1x128xi32, #tpu.memory_space<vmem>> -> memref<1x128xi32, #tpu.memory_space<vmem>>
        %dma_wait3A_35 = tpu.memref_squeeze %dma_wait3A_34 : memref<1x128xi32, #tpu.memory_space<vmem>> -> memref<128xi32, #tpu.memory_space<vmem>>
        %dma_wait3A_36 = tpu.memref_slice %arg3[%mul3A_20] : memref<163840xi32, #tpu.memory_space<hbm>> -> memref<128xi32, #tpu.memory_space<hbm>>
        %dma_wait3A_37 = arith.constant 0 : i32
        %dma_wait3A_38 = tpu.memref_slice %arg8[%run_scoped3A_22, %dma_wait3A_37] : memref<1x128xi32, #tpu.memory_space<vmem>> -> memref<1x128xi32, #tpu.memory_space<vmem>>
        %dma_wait3A_39 = tpu.memref_squeeze %dma_wait3A_38 : memref<1x128xi32, #tpu.memory_space<vmem>> -> memref<128xi32, #tpu.memory_space<vmem>>
        %dma_wait3A_40 = tpu.memref_slice %arg3[%mul3A_20] : memref<163840xi32, #tpu.memory_space<hbm>> -> memref<128xi32, #tpu.memory_space<hbm>>
        tpu.wait_dma2 semaphore(%run_scoped3A_26 : memref<!tpu.dma_semaphore, #tpu.memory_space<semaphore_mem>>) src(%dma_wait3A_40 : memref<128xi32, #tpu.memory_space<hbm>>) dst(%dma_wait3A_39 : memref<128xi32, #tpu.memory_space<vmem>>)
        tpu.yield
      }) : () -> ()
      %run_scoped3A_23 = arith.constant 0 : i32
      "tpu.region"() ({
        %run_scoped3A_26 = tpu.sem_alloc : memref<!tpu.dma_semaphore, #tpu.memory_space<semaphore_mem>>
        %dma_start3A = arith.constant 0 : i32
        %dma_start3A_27 = tpu.memref_slice %arg7[%run_scoped3A_23, %dma_start3A] : memref<1x128xi32, #tpu.memory_space<vmem>> -> memref<1x128xi32, #tpu.memory_space<vmem>>
        %dma_start3A_28 = tpu.memref_squeeze %dma_start3A_27 : memref<1x128xi32, #tpu.memory_space<vmem>> -> memref<128xi32, #tpu.memory_space<vmem>>
        %dma_start3A_29 = arith.constant 0 : i32
        %dma_start3A_30 = arith.constant 0 : i32
        %dma_start3A_31 = tpu.memref_slice %arg4[%dma_start3A_29, %dma_start3A_30] : memref<20000x128xf32, #tpu.memory_space<hbm>> -> memref<20000x128xf32, #tpu.memory_space<hbm>>
        tpu.enqueue_indirect_dma source(%dma_start3A_31 : memref<20000x128xf32, #tpu.memory_space<hbm>>) target(%arg9 : memref<128x128xf32, #tpu.memory_space<vmem>>) offsets(%dma_start3A_28 : memref<128xi32, #tpu.memory_space<vmem>>) semaphore(%run_scoped3A_26 : memref<!tpu.dma_semaphore, #tpu.memory_space<semaphore_mem>>)
        %dma_wait3A = arith.constant 0 : i32
        %dma_wait3A_32 = tpu.memref_slice %arg7[%run_scoped3A_23, %dma_wait3A] : memref<1x128xi32, #tpu.memory_space<vmem>> -> memref<1x128xi32, #tpu.memory_space<vmem>>
        %dma_wait3A_33 = tpu.memref_squeeze %dma_wait3A_32 : memref<1x128xi32, #tpu.memory_space<vmem>> -> memref<128xi32, #tpu.memory_space<vmem>>
        %dma_wait3A_34 = arith.constant 0 : i32
        %dma_wait3A_35 = arith.constant 0 : i32
        %dma_wait3A_36 = tpu.memref_slice %arg4[%dma_wait3A_34, %dma_wait3A_35] : memref<20000x128xf32, #tpu.memory_space<hbm>> -> memref<20000x128xf32, #tpu.memory_space<hbm>>
        tpu.wait_indirect_dma semaphore(%run_scoped3A_26 : memref<!tpu.dma_semaphore, #tpu.memory_space<semaphore_mem>>) src(%dma_wait3A_36 : memref<20000x128xf32, #tpu.memory_space<hbm>>) dst(%arg9 : memref<128x128xf32, #tpu.memory_space<vmem>>)
        tpu.yield
      }) : () -> ()
      %run_scoped3A_24 = arith.constant 0 : i32
      "tpu.region"() ({
        %run_scoped3A_26 = tpu.sem_alloc : memref<!tpu.dma_semaphore, #tpu.memory_space<semaphore_mem>>
        %dma_start3A = arith.constant 0 : i32
        %dma_start3A_27 = tpu.memref_slice %arg8[%run_scoped3A_24, %dma_start3A] : memref<1x128xi32, #tpu.memory_space<vmem>> -> memref<1x128xi32, #tpu.memory_space<vmem>>
        %dma_start3A_28 = tpu.memref_squeeze %dma_start3A_27 : memref<1x128xi32, #tpu.memory_space<vmem>> -> memref<128xi32, #tpu.memory_space<vmem>>
        %dma_start3A_29 = arith.constant 0 : i32
        %dma_start3A_30 = arith.constant 0 : i32
        %dma_start3A_31 = tpu.memref_slice %arg10[%dma_start3A_29, %dma_start3A_30] : memref<10240x128xf32, #tpu.memory_space<vmem_shared>> -> memref<10240x128xf32, #tpu.memory_space<vmem_shared>>
        tpu.enqueue_indirect_dma source(%arg9 : memref<128x128xf32, #tpu.memory_space<vmem>>) target(%dma_start3A_31 : memref<10240x128xf32, #tpu.memory_space<vmem_shared>>) offsets(%dma_start3A_28 : memref<128xi32, #tpu.memory_space<vmem>>) semaphore(%run_scoped3A_26 : memref<!tpu.dma_semaphore, #tpu.memory_space<semaphore_mem>>) {add = true}
        %dma_wait3A = arith.constant 0 : i32
        %dma_wait3A_32 = tpu.memref_slice %arg8[%run_scoped3A_24, %dma_wait3A] : memref<1x128xi32, #tpu.memory_space<vmem>> -> memref<1x128xi32, #tpu.memory_space<vmem>>
        %dma_wait3A_33 = tpu.memref_squeeze %dma_wait3A_32 : memref<1x128xi32, #tpu.memory_space<vmem>> -> memref<128xi32, #tpu.memory_space<vmem>>
        %dma_wait3A_34 = arith.constant 0 : i32
        %dma_wait3A_35 = arith.constant 0 : i32
        %dma_wait3A_36 = tpu.memref_slice %arg10[%dma_wait3A_34, %dma_wait3A_35] : memref<10240x128xf32, #tpu.memory_space<vmem_shared>> -> memref<10240x128xf32, #tpu.memory_space<vmem_shared>>
        tpu.wait_indirect_dma semaphore(%run_scoped3A_26 : memref<!tpu.dma_semaphore, #tpu.memory_space<semaphore_mem>>) src(%arg9 : memref<128x128xf32, #tpu.memory_space<vmem>>) dst(%dma_wait3A_36 : memref<10240x128xf32, #tpu.memory_space<vmem_shared>>)
        tpu.yield
      }) : () -> ()
      %scan3A_25 = arith.constant 0 : i32
      scf.yield %scan3A_25 : i32
    }
    %scan3A_10 = arith.constant 80 : i32
    %barrier3A_11 = arith.constant 0 : index
    tpu.barrier barrier_id(%barrier3A_11)
    %mul3A_12 = arith.constant 640 : i32
    %mul3A_13 = arith.muli %arg1, %mul3A_12 : i32
    %mul3A_14 = arith.constant 10240 : i32
    %mul3A_15 = arith.muli %arg0, %mul3A_14 : i32
    %add3A = arith.addi %mul3A_15, %mul3A_13 : i32
    "tpu.region"() ({
      %run_scoped3A = tpu.sem_alloc : memref<!tpu.dma_semaphore, #tpu.memory_space<semaphore_mem>>
      %dma_start3A = arith.constant 0 : i32
      %dma_start3A_16 = tpu.memref_slice %arg6[%add3A, %dma_start3A] : memref<20480x128xf32, #tpu.memory_space<hbm>> -> memref<640x128xf32, #tpu.memory_space<hbm>>
      %dma_start3A_17 = arith.constant 0 : i32
      %dma_start3A_18 = tpu.memref_slice %arg10[%mul3A_13, %dma_start3A_17] : memref<10240x128xf32, #tpu.memory_space<vmem_shared>> -> memref<640x128xf32, #tpu.memory_space<vmem_shared>>
      tpu.enqueue_dma source(%dma_start3A_18 : memref<640x128xf32, #tpu.memory_space<vmem_shared>>) target(%dma_start3A_16 : memref<640x128xf32, #tpu.memory_space<hbm>>) target_semaphore(%run_scoped3A : memref<!tpu.dma_semaphore, #tpu.memory_space<semaphore_mem>>)
      %dma_wait3A = arith.constant 0 : i32
      %dma_wait3A_19 = tpu.memref_slice %arg6[%add3A, %dma_wait3A] : memref<20480x128xf32, #tpu.memory_space<hbm>> -> memref<640x128xf32, #tpu.memory_space<hbm>>
      %dma_wait3A_20 = arith.constant 0 : i32
      %dma_wait3A_21 = tpu.memref_slice %arg10[%mul3A_13, %dma_wait3A_20] : memref<10240x128xf32, #tpu.memory_space<vmem_shared>> -> memref<640x128xf32, #tpu.memory_space<vmem_shared>>
      tpu.wait_dma2 semaphore(%run_scoped3A : memref<!tpu.dma_semaphore, #tpu.memory_space<semaphore_mem>>) src(%dma_wait3A_21 : memref<640x128xf32, #tpu.memory_space<vmem_shared>>) dst(%dma_wait3A_19 : memref<640x128xf32, #tpu.memory_space<hbm>>)
      tpu.yield
    }) : () -> ()
    return
  }
}

module attributes {stable_mosaic.version = 14 : i64} {
  func.func @_tc1_body(%arg0: i32, %arg1: i32, %arg2: memref<1000x256xf32, #tpu.memory_space<vmem>>, %arg3: memref<256x128xf32, #tpu.memory_space<vmem>>, %arg4: memref<2x1000x128xf32, #tpu.memory_space<vmem>>, %arg5: memref<1x1000x128xf32, #tpu.memory_space<vmem>>, %arg6: memref<1000x8xf32, #tpu.memory_space<vmem>>) attributes {dimension_semantics = [#tpu.dimension_semantics<arbitrary>, #tpu.dimension_semantics<arbitrary>], iteration_bounds = array<i64: 10, 2>, scalar_prefetch = 0 : i64, scratch_operands = 0 : i64, tpu.core_type = #tpu.core_type<tc>, window_params = [{transform_indices = @transform_0, window_bounds = array<i64: 1000, 256>}, {transform_indices = @transform_1, window_bounds = array<i64: 256, 128>}, {transform_indices = @transform_2, window_bounds = array<i64: 2, 1000, 128>}, {transform_indices = @transform_3, window_bounds = array<i64: 1, 1000, 128>}, {transform_indices = @transform_4, window_bounds = array<i64: 1000, 8>}]} {
    %get3A = arith.constant 0 : index
    %get3A_0 = arith.constant 0 : index
    %get3A_1 = arith.constant 0 : index
    %get3A_2 = vector.load %arg4[%get3A, %get3A_0, %get3A_1] : memref<2x1000x128xf32, #tpu.memory_space<vmem>>, vector<1x1000x1xf32>
    %get3A_3 = vector.shape_cast %get3A_2 : vector<1x1000x1xf32> to vector<1000xf32>
    %get3A_4 = arith.constant 1 : index
    %get3A_5 = arith.constant 0 : index
    %get3A_6 = arith.constant 0 : index
    %get3A_7 = vector.load %arg4[%get3A_4, %get3A_5, %get3A_6] : memref<2x1000x128xf32, #tpu.memory_space<vmem>>, vector<1x1000x1xf32>
    %get3A_8 = vector.shape_cast %get3A_7 : vector<1x1000x1xf32> to vector<1000xf32>
    %add3A = arith.addf %get3A_3, %get3A_8 : vector<1000xf32>
    %add3A_9 = arith.constant 1.000000e+00 : f32
    %add3A_10 = vector.broadcast %add3A_9 : f32 to vector<1000xf32>
    %add3A_11 = arith.addf %add3A, %add3A_10 : vector<1000xf32>
    %rsqrt3A = math.rsqrt %add3A_11 : vector<1000xf32>
    %broadcast_in_dim3A = vector.shape_cast %rsqrt3A : vector<1000xf32> to vector<1000x1xf32>
    %get3A_12 = arith.constant 0 : index
    %get3A_13 = arith.constant 0 : index
    %get3A_14 = vector.load %arg2[%get3A_12, %get3A_13] : memref<1000x256xf32, #tpu.memory_space<vmem>>, vector<1000x256xf32>
    %get3A_15 = arith.constant 0 : index
    %get3A_16 = arith.constant 0 : index
    %get3A_17 = vector.load %arg3[%get3A_15, %get3A_16] : memref<256x128xf32, #tpu.memory_space<vmem>>, vector<256x128xf32>
    %dot_general3A = arith.constant dense<0.000000e+00> : vector<1000x128xf32>
    %dot_general3A_18 = tpu.matmul %get3A_14, %get3A_17, %dot_general3A {dimension_numbers = #tpu.dot_dimension_numbers<[1], [0], [0], [1], [0, 0, 1, 1], [], []>, transpose_lhs_hint = false} : vector<1000x256xf32>, vector<256x128xf32>, vector<1000x128xf32> -> vector<1000x128xf32>
    %mul3A = vector.broadcast %broadcast_in_dim3A : vector<1000x1xf32> to vector<1000x128xf32>
    %mul3A_19 = arith.mulf %dot_general3A_18, %mul3A : vector<1000x128xf32>
    %swap3A = arith.constant 0 : index
    %swap3A_20 = arith.constant 0 : index
    %swap3A_21 = arith.constant 0 : index
    %swap3A_22 = vector.load %arg5[%swap3A, %swap3A_20, %swap3A_21] : memref<1x1000x128xf32, #tpu.memory_space<vmem>>, vector<1x1000x128xf32>
    %swap3A_23 = vector.shape_cast %swap3A_22 : vector<1x1000x128xf32> to vector<1000x128xf32>
    %swap3A_24 = vector.shape_cast %mul3A_19 : vector<1000x128xf32> to vector<1x1000x128xf32>
    tpu.vector_store %arg5[%swap3A, %swap3A_20, %swap3A_21], %swap3A_24 {strides = array<i32>} : memref<1x1000x128xf32, #tpu.memory_space<vmem>>, vector<1x1000x128xf32>,
    %broadcast_in_dim3A_25 = vector.shape_cast %broadcast_in_dim3A : vector<1000x1xf32> to vector<1000x1xf32>
    %broadcast_in_dim3A_26 = vector.broadcast %broadcast_in_dim3A_25 : vector<1000x1xf32> to vector<1000x8xf32>
    %swap3A_27 = arith.constant 0 : index
    %swap3A_28 = arith.constant 0 : index
    %swap3A_29 = vector.load %arg6[%swap3A_27, %swap3A_28] : memref<1000x8xf32, #tpu.memory_space<vmem>>, vector<1000x8xf32>
    tpu.vector_store %arg6[%swap3A_27, %swap3A_28], %broadcast_in_dim3A_26 {strides = array<i32>} : memref<1000x8xf32, #tpu.memory_space<vmem>>, vector<1000x8xf32>,
    return
  }
  func.func @transform_0(%arg0: i32, %arg1: i32) -> (i32, i32) {
    %c0_i32 = arith.constant 0 : i32
    %c0_i32_0 = arith.constant 0 : i32
    return %arg0, %c0_i32 : i32, i32
  }
  func.func @transform_1(%arg0: i32, %arg1: i32) -> (i32, i32) {
    %c0_i32 = arith.constant 0 : i32
    %c0_i32_0 = arith.constant 0 : i32
    return %c0_i32, %arg1 : i32, i32
  }
  func.func @transform_2(%arg0: i32, %arg1: i32) -> (i32, i32, i32) {
    %c0_i32 = arith.constant 0 : i32
    %c0_i32_0 = arith.constant 0 : i32
    %c0_i32_1 = arith.constant 0 : i32
    return %c0_i32, %arg0, %c0_i32_0 : i32, i32, i32
  }
  func.func @transform_3(%arg0: i32, %arg1: i32) -> (i32, i32, i32) {
    %c0_i32 = arith.constant 0 : i32
    %c0_i32_0 = arith.constant 0 : i32
    return %arg1, %arg0, %c0_i32 : i32, i32, i32
  }
  func.func @transform_4(%arg0: i32, %arg1: i32) -> (i32, i32) {
    %c0_i32 = arith.constant 0 : i32
    %c0_i32_0 = arith.constant 0 : i32
    return %arg0, %c0_i32 : i32, i32
  }
}

module attributes {stable_mosaic.version = 14 : i64} {
  func.func @_tc2_body(%arg0: i32, %arg1: memref<2x1000x128xf32, #tpu.memory_space<vmem>>, %arg2: memref<2x1000x128xf32, #tpu.memory_space<vmem>>, %arg3: memref<1000x8xf32, #tpu.memory_space<vmem>>, %arg4: memref<256x128xf32, #tpu.memory_space<vmem>>, %arg5: memref<1x256xf32, #tpu.memory_space<vmem>>, %arg6: memref<1x256xf32, #tpu.memory_space<vmem>>, %arg7: memref<1x256xf32, #tpu.memory_space<vmem>>, %arg8: memref<1000x128xf32, #tpu.memory_space<vmem>>) attributes {dimension_semantics = [#tpu.dimension_semantics<arbitrary>], iteration_bounds = array<i64: 10>, scalar_prefetch = 0 : i64, scratch_operands = 0 : i64, tpu.core_type = #tpu.core_type<tc>, window_params = [{transform_indices = @transform_0, window_bounds = array<i64: 2, 1000, 128>}, {transform_indices = @transform_1, window_bounds = array<i64: 2, 1000, 128>}, {transform_indices = @transform_2, window_bounds = array<i64: 1000, 8>}, {pipeline_mode = #tpu.pipeline_mode<synchronous>, transform_indices = @transform_3, window_bounds = array<i64: 256, 128>}, {pipeline_mode = #tpu.pipeline_mode<synchronous>, transform_indices = @transform_4, window_bounds = array<i64: 1, 256>}, {pipeline_mode = #tpu.pipeline_mode<synchronous>, transform_indices = @transform_5, window_bounds = array<i64: 1, 256>}, {pipeline_mode = #tpu.pipeline_mode<synchronous>, transform_indices = @transform_6, window_bounds = array<i64: 1, 256>}, {transform_indices = @transform_7, window_bounds = array<i64: 1000, 128>}]} {
    %get3A = arith.constant 0 : index
    %get3A_0 = arith.constant 0 : index
    %get3A_1 = vector.load %arg3[%get3A, %get3A_0] : memref<1000x8xf32, #tpu.memory_space<vmem>>, vector<1000x8xf32>
    %slice3A = vector.extract_strided_slice %get3A_1 {offsets = [0, 0], sizes = [1000, 1], strides = [1, 1]} : vector<1000x8xf32> to vector<1000x1xf32>
    %get3A_2 = arith.constant 0 : index
    %get3A_3 = arith.constant 0 : index
    %get3A_4 = arith.constant 0 : index
    %get3A_5 = vector.load %arg1[%get3A_2, %get3A_3, %get3A_4] : memref<2x1000x128xf32, #tpu.memory_space<vmem>>, vector<2x1000x128xf32>
    %get3A_6 = arith.constant 0 : index
    %get3A_7 = arith.constant 0 : index
    %get3A_8 = arith.constant 0 : index
    %get3A_9 = vector.load %arg2[%get3A_6, %get3A_7, %get3A_8] : memref<2x1000x128xf32, #tpu.memory_space<vmem>>, vector<2x1000x128xf32>
    %slice3A_10 = vector.extract_strided_slice %get3A_5 {offsets = [0, 0, 0], sizes = [1, 1000, 128], strides = [1, 1, 1]} : vector<2x1000x128xf32> to vector<1x1000x128xf32>
    %squeeze3A = vector.shape_cast %slice3A_10 : vector<1x1000x128xf32> to vector<1000x128xf32>
    %slice3A_11 = vector.extract_strided_slice %get3A_9 {offsets = [0, 0, 0], sizes = [1, 1000, 128], strides = [1, 1, 1]} : vector<2x1000x128xf32> to vector<1x1000x128xf32>
    %squeeze3A_12 = vector.shape_cast %slice3A_11 : vector<1x1000x128xf32> to vector<1000x128xf32>
    %add3A = arith.addf %squeeze3A, %squeeze3A_12 : vector<1000x128xf32>
    %slice3A_13 = vector.extract_strided_slice %get3A_5 {offsets = [1, 0, 0], sizes = [1, 1000, 128], strides = [1, 1, 1]} : vector<2x1000x128xf32> to vector<1x1000x128xf32>
    %squeeze3A_14 = vector.shape_cast %slice3A_13 : vector<1x1000x128xf32> to vector<1000x128xf32>
    %slice3A_15 = vector.extract_strided_slice %get3A_9 {offsets = [1, 0, 0], sizes = [1, 1000, 128], strides = [1, 1, 1]} : vector<2x1000x128xf32> to vector<1x1000x128xf32>
    %squeeze3A_16 = vector.shape_cast %slice3A_15 : vector<1x1000x128xf32> to vector<1000x128xf32>
    %add3A_17 = arith.addf %squeeze3A_14, %squeeze3A_16 : vector<1000x128xf32>
    %concatenate3A = tpu.concatenate %add3A, %add3A_17 in 1 : vector<1000x128xf32>, vector<1000x128xf32> -> vector<1000x256xf32>
    %mul3A = vector.broadcast %slice3A : vector<1000x1xf32> to vector<1000x256xf32>
    %mul3A_18 = arith.mulf %concatenate3A, %mul3A : vector<1000x256xf32>
    %get3A_19 = arith.constant 0 : index
    %get3A_20 = arith.constant 0 : index
    %get3A_21 = vector.load %arg5[%get3A_19, %get3A_20] : memref<1x256xf32, #tpu.memory_space<vmem>>, vector<1x256xf32>
    %add3A_22 = vector.broadcast %get3A_21 : vector<1x256xf32> to vector<1000x256xf32>
    %add3A_23 = arith.addf %mul3A_18, %add3A_22 : vector<1000x256xf32>
    %gt3A = arith.constant 0.000000e+00 : f32
    %gt3A_24 = vector.broadcast %gt3A : f32 to vector<1000x256xf32>
    %gt3A_25 = arith.cmpf ogt, %add3A_23, %gt3A_24 : vector<1000x256xf32>
    %min3A = arith.constant 0.000000e+00 : f32
    %min3A_26 = vector.broadcast %min3A : f32 to vector<1000x256xf32>
    %min3A_27 = arith.minimumf %add3A_23, %min3A_26 : vector<1000x256xf32>
    %exp3A = math.exp %min3A_27 : vector<1000x256xf32>
    %sub3A = arith.constant 1.000000e+00 : f32
    %sub3A_28 = vector.broadcast %sub3A : f32 to vector<1000x256xf32>
    %sub3A_29 = arith.subf %exp3A, %sub3A_28 : vector<1000x256xf32>
    %select_n3A = arith.select %gt3A_25, %add3A_23, %sub3A_29 : vector<1000x256xi1>, vector<1000x256xf32>
    %get3A_30 = arith.constant 0 : index
    %get3A_31 = arith.constant 0 : index
    %get3A_32 = vector.load %arg6[%get3A_30, %get3A_31] : memref<1x256xf32, #tpu.memory_space<vmem>>, vector<1x256xf32>
    %get3A_33 = arith.constant 0 : index
    %get3A_34 = arith.constant 0 : index
    %get3A_35 = vector.load %arg7[%get3A_33, %get3A_34] : memref<1x256xf32, #tpu.memory_space<vmem>>, vector<1x256xf32>
    %reduce_sum3A = arith.constant dense<0.000000e+00> : vector<1000xf32>
    %reduce_sum3A_36 = vector.multi_reduction <add>, %select_n3A, %reduce_sum3A [1] : vector<1000x256xf32> to vector<1000xf32>
    %broadcast_in_dim3A = vector.shape_cast %reduce_sum3A_36 : vector<1000xf32> to vector<1000x1xf32>
    %div3A = arith.constant 2.560000e+02 : f32
    %div3A_37 = vector.broadcast %div3A : f32 to vector<1000x1xf32>
    %div3A_38 = arith.divf %broadcast_in_dim3A, %div3A_37 : vector<1000x1xf32>
    %sub3A_39 = vector.broadcast %div3A_38 : vector<1000x1xf32> to vector<1000x256xf32>
    %sub3A_40 = arith.subf %select_n3A, %sub3A_39 : vector<1000x256xf32>
    %sub3A_41 = vector.broadcast %div3A_38 : vector<1000x1xf32> to vector<1000x256xf32>
    %sub3A_42 = arith.subf %select_n3A, %sub3A_41 : vector<1000x256xf32>
    %mul3A_43 = arith.mulf %sub3A_40, %sub3A_42 : vector<1000x256xf32>
    %reduce_sum3A_44 = arith.constant dense<0.000000e+00> : vector<1000xf32>
    %reduce_sum3A_45 = vector.multi_reduction <add>, %mul3A_43, %reduce_sum3A_44 [1] : vector<1000x256xf32> to vector<1000xf32>
    %broadcast_in_dim3A_46 = vector.shape_cast %reduce_sum3A_45 : vector<1000xf32> to vector<1000x1xf32>
    %div3A_47 = arith.constant 2.560000e+02 : f32
    %div3A_48 = vector.broadcast %div3A_47 : f32 to vector<1000x1xf32>
    %div3A_49 = arith.divf %broadcast_in_dim3A_46, %div3A_48 : vector<1000x1xf32>
    %sub3A_50 = vector.broadcast %div3A_38 : vector<1000x1xf32> to vector<1000x256xf32>
    %sub3A_51 = arith.subf %select_n3A, %sub3A_50 : vector<1000x256xf32>
    %add3A_52 = arith.constant 9.99999974E-6 : f32
    %add3A_53 = vector.broadcast %add3A_52 : f32 to vector<1000x1xf32>
    %add3A_54 = arith.addf %div3A_49, %add3A_53 : vector<1000x1xf32>
    %rsqrt3A = math.rsqrt %add3A_54 : vector<1000x1xf32>
    %mul3A_55 = vector.broadcast %rsqrt3A : vector<1000x1xf32> to vector<1000x256xf32>
    %mul3A_56 = arith.mulf %sub3A_51, %mul3A_55 : vector<1000x256xf32>
    %mul3A_57 = vector.broadcast %get3A_32 : vector<1x256xf32> to vector<1000x256xf32>
    %mul3A_58 = arith.mulf %mul3A_56, %mul3A_57 : vector<1000x256xf32>
    %add3A_59 = vector.broadcast %get3A_35 : vector<1x256xf32> to vector<1000x256xf32>
    %add3A_60 = arith.addf %mul3A_58, %add3A_59 : vector<1000x256xf32>
    %get3A_61 = arith.constant 0 : index
    %get3A_62 = arith.constant 0 : index
    %get3A_63 = vector.load %arg4[%get3A_61, %get3A_62] : memref<256x128xf32, #tpu.memory_space<vmem>>, vector<256x128xf32>
    %dot_general3A = arith.constant dense<0.000000e+00> : vector<1000x128xf32>
    %dot_general3A_64 = tpu.matmul %add3A_60, %get3A_63, %dot_general3A {dimension_numbers = #tpu.dot_dimension_numbers<[1], [0], [0], [1], [0, 0, 1, 1], [], []>, transpose_lhs_hint = false} : vector<1000x256xf32>, vector<256x128xf32>, vector<1000x128xf32> -> vector<1000x128xf32>
    %mul3A_65 = vector.broadcast %slice3A : vector<1000x1xf32> to vector<1000x128xf32>
    %mul3A_66 = arith.mulf %dot_general3A_64, %mul3A_65 : vector<1000x128xf32>
    %swap3A = arith.constant 0 : index
    %swap3A_67 = arith.constant 0 : index
    %swap3A_68 = vector.load %arg8[%swap3A, %swap3A_67] : memref<1000x128xf32, #tpu.memory_space<vmem>>, vector<1000x128xf32>
    tpu.vector_store %arg8[%swap3A, %swap3A_67], %mul3A_66 {strides = array<i32>} : memref<1000x128xf32, #tpu.memory_space<vmem>>, vector<1000x128xf32>,
    return
  }
  func.func @transform_0(%arg0: i32) -> (i32, i32, i32) {
    %c0_i32 = arith.constant 0 : i32
    %c0_i32_0 = arith.constant 0 : i32
    %c0_i32_1 = arith.constant 0 : i32
    return %c0_i32, %arg0, %c0_i32_0 : i32, i32, i32
  }
  func.func @transform_1(%arg0: i32) -> (i32, i32, i32) {
    %c0_i32 = arith.constant 0 : i32
    %c0_i32_0 = arith.constant 0 : i32
    %c0_i32_1 = arith.constant 0 : i32
    return %c0_i32, %arg0, %c0_i32_0 : i32, i32, i32
  }
  func.func @transform_2(%arg0: i32) -> (i32, i32) {
    %c0_i32 = arith.constant 0 : i32
    %c0_i32_0 = arith.constant 0 : i32
    return %arg0, %c0_i32 : i32, i32
  }
  func.func @transform_3(%arg0: i32) -> (i32, i32) {
    %c0_i32 = arith.constant 0 : i32
    %c0_i32_0 = arith.constant 0 : i32
    %c0_i32_1 = arith.constant 0 : i32
    return %c0_i32, %c0_i32_0 : i32, i32
  }
  func.func @transform_4(%arg0: i32) -> (i32, i32) {
    %c0_i32 = arith.constant 0 : i32
    %c0_i32_0 = arith.constant 0 : i32
    %c0_i32_1 = arith.constant 0 : i32
    return %c0_i32, %c0_i32_0 : i32, i32
  }
  func.func @transform_5(%arg0: i32) -> (i32, i32) {
    %c0_i32 = arith.constant 0 : i32
    %c0_i32_0 = arith.constant 0 : i32
    %c0_i32_1 = arith.constant 0 : i32
    return %c0_i32, %c0_i32_0 : i32, i32
  }
  func.func @transform_6(%arg0: i32) -> (i32, i32) {
    %c0_i32 = arith.constant 0 : i32
    %c0_i32_0 = arith.constant 0 : i32
    %c0_i32_1 = arith.constant 0 : i32
    return %c0_i32, %c0_i32_0 : i32, i32
  }
  func.func @transform_7(%arg0: i32) -> (i32, i32) {
    %c0_i32 = arith.constant 0 : i32
    %c0_i32_0 = arith.constant 0 : i32
    return %arg0, %c0_i32 : i32, i32
  }
}

module attributes {stable_mosaic.version = 14 : i64} {
  func.func @_tc3_body(%arg0: i32, %arg1: memref<2x1000x128xf32, #tpu.memory_space<vmem>>, %arg2: memref<1000x128xf32, #tpu.memory_space<vmem>>, %arg3: memref<1000x8xf32, #tpu.memory_space<vmem>>, %arg4: memref<1x128xf32, #tpu.memory_space<vmem>>, %arg5: memref<1x128xf32, #tpu.memory_space<vmem>>, %arg6: memref<1x128xf32, #tpu.memory_space<vmem>>, %arg7: memref<1000x128xf32, #tpu.memory_space<vmem>>, %arg8: memref<1000x128xf32, #tpu.memory_space<vmem>>) attributes {dimension_semantics = [#tpu.dimension_semantics<arbitrary>], iteration_bounds = array<i64: 10>, scalar_prefetch = 0 : i64, scratch_operands = 0 : i64, tpu.core_type = #tpu.core_type<tc>, window_params = [{transform_indices = @transform_0, window_bounds = array<i64: 2, 1000, 128>}, {transform_indices = @transform_1, window_bounds = array<i64: 1000, 128>}, {transform_indices = @transform_2, window_bounds = array<i64: 1000, 8>}, {pipeline_mode = #tpu.pipeline_mode<synchronous>, transform_indices = @transform_3, window_bounds = array<i64: 1, 128>}, {pipeline_mode = #tpu.pipeline_mode<synchronous>, transform_indices = @transform_4, window_bounds = array<i64: 1, 128>}, {pipeline_mode = #tpu.pipeline_mode<synchronous>, transform_indices = @transform_5, window_bounds = array<i64: 1, 128>}, {transform_indices = @transform_6, window_bounds = array<i64: 1000, 128>}, {transform_indices = @transform_7, window_bounds = array<i64: 1000, 128>}]} {
    %get3A = arith.constant 0 : index
    %get3A_0 = arith.constant 0 : index
    %get3A_1 = vector.load %arg3[%get3A, %get3A_0] : memref<1000x8xf32, #tpu.memory_space<vmem>>, vector<1000x8xf32>
    %slice3A = vector.extract_strided_slice %get3A_1 {offsets = [0, 0], sizes = [1000, 1], strides = [1, 1]} : vector<1000x8xf32> to vector<1000x1xf32>
    %get3A_2 = arith.constant 0 : index
    %get3A_3 = arith.constant 0 : index
    %get3A_4 = arith.constant 0 : index
    %get3A_5 = vector.load %arg1[%get3A_2, %get3A_3, %get3A_4] : memref<2x1000x128xf32, #tpu.memory_space<vmem>>, vector<2x1000x128xf32>
    %slice3A_6 = vector.extract_strided_slice %get3A_5 {offsets = [0, 0, 0], sizes = [1, 1000, 128], strides = [1, 1, 1]} : vector<2x1000x128xf32> to vector<1x1000x128xf32>
    %squeeze3A = vector.shape_cast %slice3A_6 : vector<1x1000x128xf32> to vector<1000x128xf32>
    %slice3A_7 = vector.extract_strided_slice %get3A_5 {offsets = [1, 0, 0], sizes = [1, 1000, 128], strides = [1, 1, 1]} : vector<2x1000x128xf32> to vector<1x1000x128xf32>
    %squeeze3A_8 = vector.shape_cast %slice3A_7 : vector<1x1000x128xf32> to vector<1000x128xf32>
    %add3A = arith.addf %squeeze3A, %squeeze3A_8 : vector<1000x128xf32>
    %get3A_9 = arith.constant 0 : index
    %get3A_10 = arith.constant 0 : index
    %get3A_11 = vector.load %arg2[%get3A_9, %get3A_10] : memref<1000x128xf32, #tpu.memory_space<vmem>>, vector<1000x128xf32>
    %add3A_12 = arith.addf %add3A, %get3A_11 : vector<1000x128xf32>
    %mul3A = vector.broadcast %slice3A : vector<1000x1xf32> to vector<1000x128xf32>
    %mul3A_13 = arith.mulf %add3A_12, %mul3A : vector<1000x128xf32>
    %get3A_14 = arith.constant 0 : index
    %get3A_15 = arith.constant 0 : index
    %get3A_16 = vector.load %arg4[%get3A_14, %get3A_15] : memref<1x128xf32, #tpu.memory_space<vmem>>, vector<1x128xf32>
    %add3A_17 = vector.broadcast %get3A_16 : vector<1x128xf32> to vector<1000x128xf32>
    %add3A_18 = arith.addf %mul3A_13, %add3A_17 : vector<1000x128xf32>
    %gt3A = arith.constant 0.000000e+00 : f32
    %gt3A_19 = vector.broadcast %gt3A : f32 to vector<1000x128xf32>
    %gt3A_20 = arith.cmpf ogt, %add3A_18, %gt3A_19 : vector<1000x128xf32>
    %min3A = arith.constant 0.000000e+00 : f32
    %min3A_21 = vector.broadcast %min3A : f32 to vector<1000x128xf32>
    %min3A_22 = arith.minimumf %add3A_18, %min3A_21 : vector<1000x128xf32>
    %exp3A = math.exp %min3A_22 : vector<1000x128xf32>
    %sub3A = arith.constant 1.000000e+00 : f32
    %sub3A_23 = vector.broadcast %sub3A : f32 to vector<1000x128xf32>
    %sub3A_24 = arith.subf %exp3A, %sub3A_23 : vector<1000x128xf32>
    %select_n3A = arith.select %gt3A_20, %add3A_18, %sub3A_24 : vector<1000x128xi1>, vector<1000x128xf32>
    %get3A_25 = arith.constant 0 : index
    %get3A_26 = arith.constant 0 : index
    %get3A_27 = vector.load %arg5[%get3A_25, %get3A_26] : memref<1x128xf32, #tpu.memory_space<vmem>>, vector<1x128xf32>
    %get3A_28 = arith.constant 0 : index
    %get3A_29 = arith.constant 0 : index
    %get3A_30 = vector.load %arg6[%get3A_28, %get3A_29] : memref<1x128xf32, #tpu.memory_space<vmem>>, vector<1x128xf32>
    %reduce_sum3A = arith.constant dense<0.000000e+00> : vector<1000xf32>
    %reduce_sum3A_31 = vector.multi_reduction <add>, %select_n3A, %reduce_sum3A [1] : vector<1000x128xf32> to vector<1000xf32>
    %broadcast_in_dim3A = vector.shape_cast %reduce_sum3A_31 : vector<1000xf32> to vector<1000x1xf32>
    %div3A = arith.constant 1.280000e+02 : f32
    %div3A_32 = vector.broadcast %div3A : f32 to vector<1000x1xf32>
    %div3A_33 = arith.divf %broadcast_in_dim3A, %div3A_32 : vector<1000x1xf32>
    %sub3A_34 = vector.broadcast %div3A_33 : vector<1000x1xf32> to vector<1000x128xf32>
    %sub3A_35 = arith.subf %select_n3A, %sub3A_34 : vector<1000x128xf32>
    %sub3A_36 = vector.broadcast %div3A_33 : vector<1000x1xf32> to vector<1000x128xf32>
    %sub3A_37 = arith.subf %select_n3A, %sub3A_36 : vector<1000x128xf32>
    %mul3A_38 = arith.mulf %sub3A_35, %sub3A_37 : vector<1000x128xf32>
    %reduce_sum3A_39 = arith.constant dense<0.000000e+00> : vector<1000xf32>
    %reduce_sum3A_40 = vector.multi_reduction <add>, %mul3A_38, %reduce_sum3A_39 [1] : vector<1000x128xf32> to vector<1000xf32>
    %broadcast_in_dim3A_41 = vector.shape_cast %reduce_sum3A_40 : vector<1000xf32> to vector<1000x1xf32>
    %div3A_42 = arith.constant 1.280000e+02 : f32
    %div3A_43 = vector.broadcast %div3A_42 : f32 to vector<1000x1xf32>
    %div3A_44 = arith.divf %broadcast_in_dim3A_41, %div3A_43 : vector<1000x1xf32>
    %sub3A_45 = vector.broadcast %div3A_33 : vector<1000x1xf32> to vector<1000x128xf32>
    %sub3A_46 = arith.subf %select_n3A, %sub3A_45 : vector<1000x128xf32>
    %add3A_47 = arith.constant 9.99999974E-6 : f32
    %add3A_48 = vector.broadcast %add3A_47 : f32 to vector<1000x1xf32>
    %add3A_49 = arith.addf %div3A_44, %add3A_48 : vector<1000x1xf32>
    %rsqrt3A = math.rsqrt %add3A_49 : vector<1000x1xf32>
    %mul3A_50 = vector.broadcast %rsqrt3A : vector<1000x1xf32> to vector<1000x128xf32>
    %mul3A_51 = arith.mulf %sub3A_46, %mul3A_50 : vector<1000x128xf32>
    %mul3A_52 = vector.broadcast %get3A_27 : vector<1x128xf32> to vector<1000x128xf32>
    %mul3A_53 = arith.mulf %mul3A_51, %mul3A_52 : vector<1000x128xf32>
    %add3A_54 = vector.broadcast %get3A_30 : vector<1x128xf32> to vector<1000x128xf32>
    %add3A_55 = arith.addf %mul3A_53, %add3A_54 : vector<1000x128xf32>
    %swap3A = arith.constant 0 : index
    %swap3A_56 = arith.constant 0 : index
    %swap3A_57 = vector.load %arg7[%swap3A, %swap3A_56] : memref<1000x128xf32, #tpu.memory_space<vmem>>, vector<1000x128xf32>
    tpu.vector_store %arg7[%swap3A, %swap3A_56], %add3A_55 {strides = array<i32>} : memref<1000x128xf32, #tpu.memory_space<vmem>>, vector<1000x128xf32>,
    %mul3A_58 = vector.broadcast %slice3A : vector<1000x1xf32> to vector<1000x128xf32>
    %mul3A_59 = arith.mulf %add3A_55, %mul3A_58 : vector<1000x128xf32>
    %swap3A_60 = arith.constant 0 : index
    %swap3A_61 = arith.constant 0 : index
    %swap3A_62 = vector.load %arg8[%swap3A_60, %swap3A_61] : memref<1000x128xf32, #tpu.memory_space<vmem>>, vector<1000x128xf32>
    tpu.vector_store %arg8[%swap3A_60, %swap3A_61], %mul3A_59 {strides = array<i32>} : memref<1000x128xf32, #tpu.memory_space<vmem>>, vector<1000x128xf32>,
    return
  }
  func.func @transform_0(%arg0: i32) -> (i32, i32, i32) {
    %c0_i32 = arith.constant 0 : i32
    %c0_i32_0 = arith.constant 0 : i32
    %c0_i32_1 = arith.constant 0 : i32
    return %c0_i32, %arg0, %c0_i32_0 : i32, i32, i32
  }
  func.func @transform_1(%arg0: i32) -> (i32, i32) {
    %c0_i32 = arith.constant 0 : i32
    %c0_i32_0 = arith.constant 0 : i32
    return %arg0, %c0_i32 : i32, i32
  }
  func.func @transform_2(%arg0: i32) -> (i32, i32) {
    %c0_i32 = arith.constant 0 : i32
    %c0_i32_0 = arith.constant 0 : i32
    return %arg0, %c0_i32 : i32, i32
  }
  func.func @transform_3(%arg0: i32) -> (i32, i32) {
    %c0_i32 = arith.constant 0 : i32
    %c0_i32_0 = arith.constant 0 : i32
    %c0_i32_1 = arith.constant 0 : i32
    return %c0_i32, %c0_i32_0 : i32, i32
  }
  func.func @transform_4(%arg0: i32) -> (i32, i32) {
    %c0_i32 = arith.constant 0 : i32
    %c0_i32_0 = arith.constant 0 : i32
    %c0_i32_1 = arith.constant 0 : i32
    return %c0_i32, %c0_i32_0 : i32, i32
  }
  func.func @transform_5(%arg0: i32) -> (i32, i32) {
    %c0_i32 = arith.constant 0 : i32
    %c0_i32_0 = arith.constant 0 : i32
    %c0_i32_1 = arith.constant 0 : i32
    return %c0_i32, %c0_i32_0 : i32, i32
  }
  func.func @transform_6(%arg0: i32) -> (i32, i32) {
    %c0_i32 = arith.constant 0 : i32
    %c0_i32_0 = arith.constant 0 : i32
    return %arg0, %c0_i32 : i32, i32
  }
  func.func @transform_7(%arg0: i32) -> (i32, i32) {
    %c0_i32 = arith.constant 0 : i32
    %c0_i32_0 = arith.constant 0 : i32
    return %arg0, %c0_i32 : i32, i32
  }
}

module attributes {stable_mosaic.version = 14 : i64} {
  func.func @_tc4_body(%arg0: i32, %arg1: memref<2x1000x128xf32, #tpu.memory_space<vmem>>, %arg2: memref<1000x128xf32, #tpu.memory_space<vmem>>, %arg3: memref<1000x8xf32, #tpu.memory_space<vmem>>, %arg4: memref<128x256xf32, #tpu.memory_space<vmem>>, %arg5: memref<1x256xf32, #tpu.memory_space<vmem>>, %arg6: memref<1x256xf32, #tpu.memory_space<vmem>>, %arg7: memref<1x256xf32, #tpu.memory_space<vmem>>, %arg8: memref<2x1000x128xf32, #tpu.memory_space<vmem>>) attributes {dimension_semantics = [#tpu.dimension_semantics<arbitrary>], iteration_bounds = array<i64: 10>, scalar_prefetch = 0 : i64, scratch_operands = 0 : i64, tpu.core_type = #tpu.core_type<tc>, window_params = [{transform_indices = @transform_0, window_bounds = array<i64: 2, 1000, 128>}, {transform_indices = @transform_1, window_bounds = array<i64: 1000, 128>}, {transform_indices = @transform_2, window_bounds = array<i64: 1000, 8>}, {pipeline_mode = #tpu.pipeline_mode<synchronous>, transform_indices = @transform_3, window_bounds = array<i64: 128, 256>}, {pipeline_mode = #tpu.pipeline_mode<synchronous>, transform_indices = @transform_4, window_bounds = array<i64: 1, 256>}, {pipeline_mode = #tpu.pipeline_mode<synchronous>, transform_indices = @transform_5, window_bounds = array<i64: 1, 256>}, {pipeline_mode = #tpu.pipeline_mode<synchronous>, transform_indices = @transform_6, window_bounds = array<i64: 1, 256>}, {transform_indices = @transform_7, window_bounds = array<i64: 2, 1000, 128>}]} {
    %get3A = arith.constant 0 : index
    %get3A_0 = arith.constant 0 : index
    %get3A_1 = vector.load %arg3[%get3A, %get3A_0] : memref<1000x8xf32, #tpu.memory_space<vmem>>, vector<1000x8xf32>
    %slice3A = vector.extract_strided_slice %get3A_1 {offsets = [0, 0], sizes = [1000, 1], strides = [1, 1]} : vector<1000x8xf32> to vector<1000x1xf32>
    %get3A_2 = arith.constant 0 : index
    %get3A_3 = arith.constant 0 : index
    %get3A_4 = arith.constant 0 : index
    %get3A_5 = vector.load %arg1[%get3A_2, %get3A_3, %get3A_4] : memref<2x1000x128xf32, #tpu.memory_space<vmem>>, vector<2x1000x128xf32>
    %slice3A_6 = vector.extract_strided_slice %get3A_5 {offsets = [0, 0, 0], sizes = [1, 1000, 128], strides = [1, 1, 1]} : vector<2x1000x128xf32> to vector<1x1000x128xf32>
    %squeeze3A = vector.shape_cast %slice3A_6 : vector<1x1000x128xf32> to vector<1000x128xf32>
    %slice3A_7 = vector.extract_strided_slice %get3A_5 {offsets = [1, 0, 0], sizes = [1, 1000, 128], strides = [1, 1, 1]} : vector<2x1000x128xf32> to vector<1x1000x128xf32>
    %squeeze3A_8 = vector.shape_cast %slice3A_7 : vector<1x1000x128xf32> to vector<1000x128xf32>
    %add3A = arith.addf %squeeze3A, %squeeze3A_8 : vector<1000x128xf32>
    %get3A_9 = arith.constant 0 : index
    %get3A_10 = arith.constant 0 : index
    %get3A_11 = vector.load %arg2[%get3A_9, %get3A_10] : memref<1000x128xf32, #tpu.memory_space<vmem>>, vector<1000x128xf32>
    %add3A_12 = arith.addf %add3A, %get3A_11 : vector<1000x128xf32>
    %mul3A = vector.broadcast %slice3A : vector<1000x1xf32> to vector<1000x128xf32>
    %mul3A_13 = arith.mulf %add3A_12, %mul3A : vector<1000x128xf32>
    %get3A_14 = arith.constant 0 : index
    %get3A_15 = arith.constant 0 : index
    %get3A_16 = vector.load %arg4[%get3A_14, %get3A_15] : memref<128x256xf32, #tpu.memory_space<vmem>>, vector<128x256xf32>
    %dot_general3A = arith.constant dense<0.000000e+00> : vector<1000x256xf32>
    %dot_general3A_17 = tpu.matmul %mul3A_13, %get3A_16, %dot_general3A {dimension_numbers = #tpu.dot_dimension_numbers<[1], [0], [0], [1], [0, 0, 1, 1], [], []>, transpose_lhs_hint = false} : vector<1000x128xf32>, vector<128x256xf32>, vector<1000x256xf32> -> vector<1000x256xf32>
    %get3A_18 = arith.constant 0 : index
    %get3A_19 = arith.constant 0 : index
    %get3A_20 = vector.load %arg5[%get3A_18, %get3A_19] : memref<1x256xf32, #tpu.memory_space<vmem>>, vector<1x256xf32>
    %add3A_21 = vector.broadcast %get3A_20 : vector<1x256xf32> to vector<1000x256xf32>
    %add3A_22 = arith.addf %dot_general3A_17, %add3A_21 : vector<1000x256xf32>
    %gt3A = arith.constant 0.000000e+00 : f32
    %gt3A_23 = vector.broadcast %gt3A : f32 to vector<1000x256xf32>
    %gt3A_24 = arith.cmpf ogt, %add3A_22, %gt3A_23 : vector<1000x256xf32>
    %min3A = arith.constant 0.000000e+00 : f32
    %min3A_25 = vector.broadcast %min3A : f32 to vector<1000x256xf32>
    %min3A_26 = arith.minimumf %add3A_22, %min3A_25 : vector<1000x256xf32>
    %exp3A = math.exp %min3A_26 : vector<1000x256xf32>
    %sub3A = arith.constant 1.000000e+00 : f32
    %sub3A_27 = vector.broadcast %sub3A : f32 to vector<1000x256xf32>
    %sub3A_28 = arith.subf %exp3A, %sub3A_27 : vector<1000x256xf32>
    %select_n3A = arith.select %gt3A_24, %add3A_22, %sub3A_28 : vector<1000x256xi1>, vector<1000x256xf32>
    %get3A_29 = arith.constant 0 : index
    %get3A_30 = arith.constant 0 : index
    %get3A_31 = vector.load %arg6[%get3A_29, %get3A_30] : memref<1x256xf32, #tpu.memory_space<vmem>>, vector<1x256xf32>
    %get3A_32 = arith.constant 0 : index
    %get3A_33 = arith.constant 0 : index
    %get3A_34 = vector.load %arg7[%get3A_32, %get3A_33] : memref<1x256xf32, #tpu.memory_space<vmem>>, vector<1x256xf32>
    %reduce_sum3A = arith.constant dense<0.000000e+00> : vector<1000xf32>
    %reduce_sum3A_35 = vector.multi_reduction <add>, %select_n3A, %reduce_sum3A [1] : vector<1000x256xf32> to vector<1000xf32>
    %broadcast_in_dim3A = vector.shape_cast %reduce_sum3A_35 : vector<1000xf32> to vector<1000x1xf32>
    %div3A = arith.constant 2.560000e+02 : f32
    %div3A_36 = vector.broadcast %div3A : f32 to vector<1000x1xf32>
    %div3A_37 = arith.divf %broadcast_in_dim3A, %div3A_36 : vector<1000x1xf32>
    %sub3A_38 = vector.broadcast %div3A_37 : vector<1000x1xf32> to vector<1000x256xf32>
    %sub3A_39 = arith.subf %select_n3A, %sub3A_38 : vector<1000x256xf32>
    %sub3A_40 = vector.broadcast %div3A_37 : vector<1000x1xf32> to vector<1000x256xf32>
    %sub3A_41 = arith.subf %select_n3A, %sub3A_40 : vector<1000x256xf32>
    %mul3A_42 = arith.mulf %sub3A_39, %sub3A_41 : vector<1000x256xf32>
    %reduce_sum3A_43 = arith.constant dense<0.000000e+00> : vector<1000xf32>
    %reduce_sum3A_44 = vector.multi_reduction <add>, %mul3A_42, %reduce_sum3A_43 [1] : vector<1000x256xf32> to vector<1000xf32>
    %broadcast_in_dim3A_45 = vector.shape_cast %reduce_sum3A_44 : vector<1000xf32> to vector<1000x1xf32>
    %div3A_46 = arith.constant 2.560000e+02 : f32
    %div3A_47 = vector.broadcast %div3A_46 : f32 to vector<1000x1xf32>
    %div3A_48 = arith.divf %broadcast_in_dim3A_45, %div3A_47 : vector<1000x1xf32>
    %sub3A_49 = vector.broadcast %div3A_37 : vector<1000x1xf32> to vector<1000x256xf32>
    %sub3A_50 = arith.subf %select_n3A, %sub3A_49 : vector<1000x256xf32>
    %add3A_51 = arith.constant 9.99999974E-6 : f32
    %add3A_52 = vector.broadcast %add3A_51 : f32 to vector<1000x1xf32>
    %add3A_53 = arith.addf %div3A_48, %add3A_52 : vector<1000x1xf32>
    %rsqrt3A = math.rsqrt %add3A_53 : vector<1000x1xf32>
    %mul3A_54 = vector.broadcast %rsqrt3A : vector<1000x1xf32> to vector<1000x256xf32>
    %mul3A_55 = arith.mulf %sub3A_50, %mul3A_54 : vector<1000x256xf32>
    %mul3A_56 = vector.broadcast %get3A_31 : vector<1x256xf32> to vector<1000x256xf32>
    %mul3A_57 = arith.mulf %mul3A_55, %mul3A_56 : vector<1000x256xf32>
    %add3A_58 = vector.broadcast %get3A_34 : vector<1x256xf32> to vector<1000x256xf32>
    %add3A_59 = arith.addf %mul3A_57, %add3A_58 : vector<1000x256xf32>
    %mul3A_60 = vector.broadcast %slice3A : vector<1000x1xf32> to vector<1000x256xf32>
    %mul3A_61 = arith.mulf %add3A_59, %mul3A_60 : vector<1000x256xf32>
    %slice3A_62 = vector.extract_strided_slice %mul3A_61 {offsets = [0, 0], sizes = [1000, 128], strides = [1, 1]} : vector<1000x256xf32> to vector<1000x128xf32>
    %slice3A_63 = vector.extract_strided_slice %mul3A_61 {offsets = [0, 128], sizes = [1000, 128], strides = [1, 1]} : vector<1000x256xf32> to vector<1000x128xf32>
    %stack3A = vector.shape_cast %slice3A_62 : vector<1000x128xf32> to vector<1x1000x128xf32>
    %stack3A_64 = vector.shape_cast %slice3A_63 : vector<1000x128xf32> to vector<1x1000x128xf32>
    %stack3A_65 = tpu.concatenate %stack3A, %stack3A_64 in 0 : vector<1x1000x128xf32>, vector<1x1000x128xf32> -> vector<2x1000x128xf32>
    %swap3A = arith.constant 0 : index
    %swap3A_66 = arith.constant 0 : index
    %swap3A_67 = arith.constant 0 : index
    %swap3A_68 = vector.load %arg8[%swap3A, %swap3A_66, %swap3A_67] : memref<2x1000x128xf32, #tpu.memory_space<vmem>>, vector<2x1000x128xf32>
    tpu.vector_store %arg8[%swap3A, %swap3A_66, %swap3A_67], %stack3A_65 {strides = array<i32>} : memref<2x1000x128xf32, #tpu.memory_space<vmem>>, vector<2x1000x128xf32>,
    return
  }
  func.func @transform_0(%arg0: i32) -> (i32, i32, i32) {
    %c0_i32 = arith.constant 0 : i32
    %c0_i32_0 = arith.constant 0 : i32
    %c0_i32_1 = arith.constant 0 : i32
    return %c0_i32, %arg0, %c0_i32_0 : i32, i32, i32
  }
  func.func @transform_1(%arg0: i32) -> (i32, i32) {
    %c0_i32 = arith.constant 0 : i32
    %c0_i32_0 = arith.constant 0 : i32
    return %arg0, %c0_i32 : i32, i32
  }
  func.func @transform_2(%arg0: i32) -> (i32, i32) {
    %c0_i32 = arith.constant 0 : i32
    %c0_i32_0 = arith.constant 0 : i32
    return %arg0, %c0_i32 : i32, i32
  }
  func.func @transform_3(%arg0: i32) -> (i32, i32) {
    %c0_i32 = arith.constant 0 : i32
    %c0_i32_0 = arith.constant 0 : i32
    %c0_i32_1 = arith.constant 0 : i32
    return %c0_i32, %c0_i32_0 : i32, i32
  }
  func.func @transform_4(%arg0: i32) -> (i32, i32) {
    %c0_i32 = arith.constant 0 : i32
    %c0_i32_0 = arith.constant 0 : i32
    %c0_i32_1 = arith.constant 0 : i32
    return %c0_i32, %c0_i32_0 : i32, i32
  }
  func.func @transform_5(%arg0: i32) -> (i32, i32) {
    %c0_i32 = arith.constant 0 : i32
    %c0_i32_0 = arith.constant 0 : i32
    %c0_i32_1 = arith.constant 0 : i32
    return %c0_i32, %c0_i32_0 : i32, i32
  }
  func.func @transform_6(%arg0: i32) -> (i32, i32) {
    %c0_i32 = arith.constant 0 : i32
    %c0_i32_0 = arith.constant 0 : i32
    %c0_i32_1 = arith.constant 0 : i32
    return %c0_i32, %c0_i32_0 : i32, i32
  }
  func.func @transform_7(%arg0: i32) -> (i32, i32, i32) {
    %c0_i32 = arith.constant 0 : i32
    %c0_i32_0 = arith.constant 0 : i32
    %c0_i32_1 = arith.constant 0 : i32
    return %c0_i32, %arg0, %c0_i32_0 : i32, i32, i32
  }
}

module attributes {stable_mosaic.version = 14 : i64} {
  func.func @_tc5_body(%arg0: i32, %arg1: memref<1024x128xf32, #tpu.memory_space<vmem>>, %arg2: memref<128x20xf32, #tpu.memory_space<vmem>>, %arg3: memref<1x20xf32, #tpu.memory_space<vmem>>, %arg4: memref<1024x20xf32, #tpu.memory_space<vmem>>) attributes {dimension_semantics = [#tpu.dimension_semantics<arbitrary>], iteration_bounds = array<i64: 1>, scalar_prefetch = 0 : i64, scratch_operands = 0 : i64, tpu.core_type = #tpu.core_type<tc>, window_params = [{pipeline_mode = #tpu.pipeline_mode<synchronous>, transform_indices = @transform_0, window_bounds = array<i64: 1024, 128>}, {pipeline_mode = #tpu.pipeline_mode<synchronous>, transform_indices = @transform_1, window_bounds = array<i64: 128, 20>}, {pipeline_mode = #tpu.pipeline_mode<synchronous>, transform_indices = @transform_2, window_bounds = array<i64: 1, 20>}, {pipeline_mode = #tpu.pipeline_mode<synchronous>, transform_indices = @transform_3, window_bounds = array<i64: 1024, 20>}]} {
    %get3A = arith.constant 0 : index
    %get3A_0 = arith.constant 0 : index
    %get3A_1 = vector.load %arg1[%get3A, %get3A_0] : memref<1024x128xf32, #tpu.memory_space<vmem>>, vector<1024x128xf32>
    %get3A_2 = arith.constant 0 : index
    %get3A_3 = arith.constant 0 : index
    %get3A_4 = vector.load %arg2[%get3A_2, %get3A_3] : memref<128x20xf32, #tpu.memory_space<vmem>>, vector<128x20xf32>
    %dot_general3A = arith.constant dense<0.000000e+00> : vector<1024x20xf32>
    %dot_general3A_5 = tpu.matmul %get3A_1, %get3A_4, %dot_general3A {dimension_numbers = #tpu.dot_dimension_numbers<[1], [0], [0], [1], [0, 0, 1, 1], [], []>, transpose_lhs_hint = false} : vector<1024x128xf32>, vector<128x20xf32>, vector<1024x20xf32> -> vector<1024x20xf32>
    %get3A_6 = arith.constant 0 : index
    %get3A_7 = arith.constant 0 : index
    %get3A_8 = vector.load %arg3[%get3A_6, %get3A_7] : memref<1x20xf32, #tpu.memory_space<vmem>>, vector<1x20xf32>
    %add3A = vector.broadcast %get3A_8 : vector<1x20xf32> to vector<1024x20xf32>
    %add3A_9 = arith.addf %dot_general3A_5, %add3A : vector<1024x20xf32>
    %swap3A = arith.constant 0 : index
    %swap3A_10 = arith.constant 0 : index
    %swap3A_11 = vector.load %arg4[%swap3A, %swap3A_10] : memref<1024x20xf32, #tpu.memory_space<vmem>>, vector<1024x20xf32>
    tpu.vector_store %arg4[%swap3A, %swap3A_10], %add3A_9 {strides = array<i32>} : memref<1024x20xf32, #tpu.memory_space<vmem>>, vector<1024x20xf32>,
    return
  }
  func.func @transform_0(%arg0: i32) -> (i32, i32) {
    %c0_i32 = arith.constant 0 : i32
    %c0_i32_0 = arith.constant 0 : i32
    %c0_i32_1 = arith.constant 0 : i32
    return %c0_i32, %c0_i32_0 : i32, i32
  }
  func.func @transform_1(%arg0: i32) -> (i32, i32) {
    %c0_i32 = arith.constant 0 : i32
    %c0_i32_0 = arith.constant 0 : i32
    %c0_i32_1 = arith.constant 0 : i32
    return %c0_i32, %c0_i32_0 : i32, i32
  }
  func.func @transform_2(%arg0: i32) -> (i32, i32) {
    %c0_i32 = arith.constant 0 : i32
    %c0_i32_0 = arith.constant 0 : i32
    %c0_i32_1 = arith.constant 0 : i32
    return %c0_i32, %c0_i32_0 : i32, i32
  }
  func.func @transform_3(%arg0: i32) -> (i32, i32) {
    %c0_i32 = arith.constant 0 : i32
    %c0_i32_0 = arith.constant 0 : i32
    %c0_i32_1 = arith.constant 0 : i32
    return %c0_i32, %c0_i32_0 : i32, i32
  }
}

module attributes {stable_mosaic.version = 14 : i64} {
  func.func @_tc6_body(%arg0: i32, %arg1: memref<2x1000x128xf32, #tpu.memory_space<vmem>>, %arg2: memref<2x1000x128xf32, #tpu.memory_space<vmem>>, %arg3: memref<1000x8xf32, #tpu.memory_space<vmem>>, %arg4: memref<256x256xf32, #tpu.memory_space<vmem>>, %arg5: memref<1x256xf32, #tpu.memory_space<vmem>>, %arg6: memref<1x256xf32, #tpu.memory_space<vmem>>, %arg7: memref<1x256xf32, #tpu.memory_space<vmem>>, %arg8: memref<1000x256xf32, #tpu.memory_space<vmem>>) attributes {dimension_semantics = [#tpu.dimension_semantics<arbitrary>], iteration_bounds = array<i64: 10>, scalar_prefetch = 0 : i64, scratch_operands = 0 : i64, tpu.core_type = #tpu.core_type<tc>, window_params = [{transform_indices = @transform_0, window_bounds = array<i64: 2, 1000, 128>}, {transform_indices = @transform_1, window_bounds = array<i64: 2, 1000, 128>}, {transform_indices = @transform_2, window_bounds = array<i64: 1000, 8>}, {pipeline_mode = #tpu.pipeline_mode<synchronous>, transform_indices = @transform_3, window_bounds = array<i64: 256, 256>}, {pipeline_mode = #tpu.pipeline_mode<synchronous>, transform_indices = @transform_4, window_bounds = array<i64: 1, 256>}, {pipeline_mode = #tpu.pipeline_mode<synchronous>, transform_indices = @transform_5, window_bounds = array<i64: 1, 256>}, {pipeline_mode = #tpu.pipeline_mode<synchronous>, transform_indices = @transform_6, window_bounds = array<i64: 1, 256>}, {transform_indices = @transform_7, window_bounds = array<i64: 1000, 256>}]} {
    %get3A = arith.constant 0 : index
    %get3A_0 = arith.constant 0 : index
    %get3A_1 = vector.load %arg3[%get3A, %get3A_0] : memref<1000x8xf32, #tpu.memory_space<vmem>>, vector<1000x8xf32>
    %slice3A = vector.extract_strided_slice %get3A_1 {offsets = [0, 0], sizes = [1000, 1], strides = [1, 1]} : vector<1000x8xf32> to vector<1000x1xf32>
    %get3A_2 = arith.constant 0 : index
    %get3A_3 = arith.constant 0 : index
    %get3A_4 = arith.constant 0 : index
    %get3A_5 = vector.load %arg1[%get3A_2, %get3A_3, %get3A_4] : memref<2x1000x128xf32, #tpu.memory_space<vmem>>, vector<2x1000x128xf32>
    %get3A_6 = arith.constant 0 : index
    %get3A_7 = arith.constant 0 : index
    %get3A_8 = arith.constant 0 : index
    %get3A_9 = vector.load %arg2[%get3A_6, %get3A_7, %get3A_8] : memref<2x1000x128xf32, #tpu.memory_space<vmem>>, vector<2x1000x128xf32>
    %slice3A_10 = vector.extract_strided_slice %get3A_5 {offsets = [0, 0, 0], sizes = [1, 1000, 128], strides = [1, 1, 1]} : vector<2x1000x128xf32> to vector<1x1000x128xf32>
    %squeeze3A = vector.shape_cast %slice3A_10 : vector<1x1000x128xf32> to vector<1000x128xf32>
    %slice3A_11 = vector.extract_strided_slice %get3A_9 {offsets = [0, 0, 0], sizes = [1, 1000, 128], strides = [1, 1, 1]} : vector<2x1000x128xf32> to vector<1x1000x128xf32>
    %squeeze3A_12 = vector.shape_cast %slice3A_11 : vector<1x1000x128xf32> to vector<1000x128xf32>
    %add3A = arith.addf %squeeze3A, %squeeze3A_12 : vector<1000x128xf32>
    %slice3A_13 = vector.extract_strided_slice %get3A_5 {offsets = [1, 0, 0], sizes = [1, 1000, 128], strides = [1, 1, 1]} : vector<2x1000x128xf32> to vector<1x1000x128xf32>
    %squeeze3A_14 = vector.shape_cast %slice3A_13 : vector<1x1000x128xf32> to vector<1000x128xf32>
    %slice3A_15 = vector.extract_strided_slice %get3A_9 {offsets = [1, 0, 0], sizes = [1, 1000, 128], strides = [1, 1, 1]} : vector<2x1000x128xf32> to vector<1x1000x128xf32>
    %squeeze3A_16 = vector.shape_cast %slice3A_15 : vector<1x1000x128xf32> to vector<1000x128xf32>
    %add3A_17 = arith.addf %squeeze3A_14, %squeeze3A_16 : vector<1000x128xf32>
    %concatenate3A = tpu.concatenate %add3A, %add3A_17 in 1 : vector<1000x128xf32>, vector<1000x128xf32> -> vector<1000x256xf32>
    %mul3A = vector.broadcast %slice3A : vector<1000x1xf32> to vector<1000x256xf32>
    %mul3A_18 = arith.mulf %concatenate3A, %mul3A : vector<1000x256xf32>
    %get3A_19 = arith.constant 0 : index
    %get3A_20 = arith.constant 0 : index
    %get3A_21 = vector.load %arg4[%get3A_19, %get3A_20] : memref<256x256xf32, #tpu.memory_space<vmem>>, vector<256x256xf32>
    %dot_general3A = arith.constant dense<0.000000e+00> : vector<1000x256xf32>
    %dot_general3A_22 = tpu.matmul %mul3A_18, %get3A_21, %dot_general3A {dimension_numbers = #tpu.dot_dimension_numbers<[1], [0], [0], [1], [0, 0, 1, 1], [], []>, transpose_lhs_hint = false} : vector<1000x256xf32>, vector<256x256xf32>, vector<1000x256xf32> -> vector<1000x256xf32>
    %get3A_23 = arith.constant 0 : index
    %get3A_24 = arith.constant 0 : index
    %get3A_25 = vector.load %arg5[%get3A_23, %get3A_24] : memref<1x256xf32, #tpu.memory_space<vmem>>, vector<1x256xf32>
    %add3A_26 = vector.broadcast %get3A_25 : vector<1x256xf32> to vector<1000x256xf32>
    %add3A_27 = arith.addf %dot_general3A_22, %add3A_26 : vector<1000x256xf32>
    %gt3A = arith.constant 0.000000e+00 : f32
    %gt3A_28 = vector.broadcast %gt3A : f32 to vector<1000x256xf32>
    %gt3A_29 = arith.cmpf ogt, %add3A_27, %gt3A_28 : vector<1000x256xf32>
    %min3A = arith.constant 0.000000e+00 : f32
    %min3A_30 = vector.broadcast %min3A : f32 to vector<1000x256xf32>
    %min3A_31 = arith.minimumf %add3A_27, %min3A_30 : vector<1000x256xf32>
    %exp3A = math.exp %min3A_31 : vector<1000x256xf32>
    %sub3A = arith.constant 1.000000e+00 : f32
    %sub3A_32 = vector.broadcast %sub3A : f32 to vector<1000x256xf32>
    %sub3A_33 = arith.subf %exp3A, %sub3A_32 : vector<1000x256xf32>
    %select_n3A = arith.select %gt3A_29, %add3A_27, %sub3A_33 : vector<1000x256xi1>, vector<1000x256xf32>
    %get3A_34 = arith.constant 0 : index
    %get3A_35 = arith.constant 0 : index
    %get3A_36 = vector.load %arg6[%get3A_34, %get3A_35] : memref<1x256xf32, #tpu.memory_space<vmem>>, vector<1x256xf32>
    %get3A_37 = arith.constant 0 : index
    %get3A_38 = arith.constant 0 : index
    %get3A_39 = vector.load %arg7[%get3A_37, %get3A_38] : memref<1x256xf32, #tpu.memory_space<vmem>>, vector<1x256xf32>
    %reduce_sum3A = arith.constant dense<0.000000e+00> : vector<1000xf32>
    %reduce_sum3A_40 = vector.multi_reduction <add>, %select_n3A, %reduce_sum3A [1] : vector<1000x256xf32> to vector<1000xf32>
    %broadcast_in_dim3A = vector.shape_cast %reduce_sum3A_40 : vector<1000xf32> to vector<1000x1xf32>
    %div3A = arith.constant 2.560000e+02 : f32
    %div3A_41 = vector.broadcast %div3A : f32 to vector<1000x1xf32>
    %div3A_42 = arith.divf %broadcast_in_dim3A, %div3A_41 : vector<1000x1xf32>
    %sub3A_43 = vector.broadcast %div3A_42 : vector<1000x1xf32> to vector<1000x256xf32>
    %sub3A_44 = arith.subf %select_n3A, %sub3A_43 : vector<1000x256xf32>
    %sub3A_45 = vector.broadcast %div3A_42 : vector<1000x1xf32> to vector<1000x256xf32>
    %sub3A_46 = arith.subf %select_n3A, %sub3A_45 : vector<1000x256xf32>
    %mul3A_47 = arith.mulf %sub3A_44, %sub3A_46 : vector<1000x256xf32>
    %reduce_sum3A_48 = arith.constant dense<0.000000e+00> : vector<1000xf32>
    %reduce_sum3A_49 = vector.multi_reduction <add>, %mul3A_47, %reduce_sum3A_48 [1] : vector<1000x256xf32> to vector<1000xf32>
    %broadcast_in_dim3A_50 = vector.shape_cast %reduce_sum3A_49 : vector<1000xf32> to vector<1000x1xf32>
    %div3A_51 = arith.constant 2.560000e+02 : f32
    %div3A_52 = vector.broadcast %div3A_51 : f32 to vector<1000x1xf32>
    %div3A_53 = arith.divf %broadcast_in_dim3A_50, %div3A_52 : vector<1000x1xf32>
    %sub3A_54 = vector.broadcast %div3A_42 : vector<1000x1xf32> to vector<1000x256xf32>
    %sub3A_55 = arith.subf %select_n3A, %sub3A_54 : vector<1000x256xf32>
    %add3A_56 = arith.constant 9.99999974E-6 : f32
    %add3A_57 = vector.broadcast %add3A_56 : f32 to vector<1000x1xf32>
    %add3A_58 = arith.addf %div3A_53, %add3A_57 : vector<1000x1xf32>
    %rsqrt3A = math.rsqrt %add3A_58 : vector<1000x1xf32>
    %mul3A_59 = vector.broadcast %rsqrt3A : vector<1000x1xf32> to vector<1000x256xf32>
    %mul3A_60 = arith.mulf %sub3A_55, %mul3A_59 : vector<1000x256xf32>
    %mul3A_61 = vector.broadcast %get3A_36 : vector<1x256xf32> to vector<1000x256xf32>
    %mul3A_62 = arith.mulf %mul3A_60, %mul3A_61 : vector<1000x256xf32>
    %add3A_63 = vector.broadcast %get3A_39 : vector<1x256xf32> to vector<1000x256xf32>
    %add3A_64 = arith.addf %mul3A_62, %add3A_63 : vector<1000x256xf32>
    %swap3A = arith.constant 0 : index
    %swap3A_65 = arith.constant 0 : index
    %swap3A_66 = vector.load %arg8[%swap3A, %swap3A_65] : memref<1000x256xf32, #tpu.memory_space<vmem>>, vector<1000x256xf32>
    tpu.vector_store %arg8[%swap3A, %swap3A_65], %add3A_64 {strides = array<i32>} : memref<1000x256xf32, #tpu.memory_space<vmem>>, vector<1000x256xf32>,
    return
  }
  func.func @transform_0(%arg0: i32) -> (i32, i32, i32) {
    %c0_i32 = arith.constant 0 : i32
    %c0_i32_0 = arith.constant 0 : i32
    %c0_i32_1 = arith.constant 0 : i32
    return %c0_i32, %arg0, %c0_i32_0 : i32, i32, i32
  }
  func.func @transform_1(%arg0: i32) -> (i32, i32, i32) {
    %c0_i32 = arith.constant 0 : i32
    %c0_i32_0 = arith.constant 0 : i32
    %c0_i32_1 = arith.constant 0 : i32
    return %c0_i32, %arg0, %c0_i32_0 : i32, i32, i32
  }
  func.func @transform_2(%arg0: i32) -> (i32, i32) {
    %c0_i32 = arith.constant 0 : i32
    %c0_i32_0 = arith.constant 0 : i32
    return %arg0, %c0_i32 : i32, i32
  }
  func.func @transform_3(%arg0: i32) -> (i32, i32) {
    %c0_i32 = arith.constant 0 : i32
    %c0_i32_0 = arith.constant 0 : i32
    %c0_i32_1 = arith.constant 0 : i32
    return %c0_i32, %c0_i32_0 : i32, i32
  }
  func.func @transform_4(%arg0: i32) -> (i32, i32) {
    %c0_i32 = arith.constant 0 : i32
    %c0_i32_0 = arith.constant 0 : i32
    %c0_i32_1 = arith.constant 0 : i32
    return %c0_i32, %c0_i32_0 : i32, i32
  }
  func.func @transform_5(%arg0: i32) -> (i32, i32) {
    %c0_i32 = arith.constant 0 : i32
    %c0_i32_0 = arith.constant 0 : i32
    %c0_i32_1 = arith.constant 0 : i32
    return %c0_i32, %c0_i32_0 : i32, i32
  }
  func.func @transform_6(%arg0: i32) -> (i32, i32) {
    %c0_i32 = arith.constant 0 : i32
    %c0_i32_0 = arith.constant 0 : i32
    %c0_i32_1 = arith.constant 0 : i32
    return %c0_i32, %c0_i32_0 : i32, i32
  }
  func.func @transform_7(%arg0: i32) -> (i32, i32) {
    %c0_i32 = arith.constant 0 : i32
    %c0_i32_0 = arith.constant 0 : i32
    return %arg0, %c0_i32 : i32, i32
  }
}

</mosaic_0001>

<sc_bundles>
// kernel: kernel.13.cloned.1.call-start
scs
__scs_entry_jumppad:
0x0: {  	(pc) =	sbr.rel $0x88, $3  }
0x1: {  	(tag) =	ssettag $0x0;
	lr =	simm.s32 $0x1  }
0x2: {  	[smem:$0x3F8C] =	sst lr;
	_ =	strace $0xD0000000  }
0x3: {  	_ = 	snop  }
0x4: {  	_ = 	snop  }
0x5: {  	_ = 	snop  }
0x6: {  	_ = 	snop  }
0x7: {  	_ = 	snop  }
__scs_overlays_trampoline_lowered:
0x8: {  	[smem:$0x3F9B] =	sst s0  }
0x9: {  	[smem:$0x3F9C] =	sst s1  }
0xa: {  	[smem:$0x3F9D] =	sst s2  }
0xb: {  	[smem:$0x3F9E] =	sst s3  }
0xc: {  	[smem:$0x3F9F] =	sst s4  }
0xd: {  	[smem:$0x3FA0] =	sst s5  }
0xe: {  	[smem:$0x3FA1] =	sst s6  }
0xf: {  	[smem:$0x3FA2] =	sst s7  }
0x10: {  	[smem:$0x3FA3] =	sst s8  }
0x11: {  	[smem:$0x3FA4] =	sst s9;
	s0 =	simm.s32 @!p0 $0x0  }
0x12: {  	s1 =	sld [smem:$0x3F8A];
	s0 =	simm.s32 @p0 $0x1  }
0x13: {  	[smem:$0x3FA5] =	sst s0;
	s0 =	simm.s32 @!p1 $0x0  }
0x14: {  	s2 =	sld [smem:$0x3F89];
	s0 =	simm.s32 @p1 $0x1  }
0x15: {  	[smem:$0x3FA6] =	sst s0;
	s0 =	simm.s32 @!p2 $0x0  }
0x16: {  	s3 =	sld [smem:$0x3FDB];
	s0 =	simm.s32 @p2 $0x1  }
0x17: {  	s4 =	simm.s32 $0x1BF5;
	[smem:$0x3FA8] =	sst s0  }
0x18: {  	s0 =	sld [smem:$0x3F8B];
	_ =	swait.ge [sflag:s4], $0x0  }
0x19: {  	s7 =	sld [smem:$0x3F8C]  }
0x1a: {  	s8 =	sadd.s32 $0xFFFFE003, lr  }
0x1b: {  	s9 =	sadd.s32 $0xFFFFFEF7, lr;
	s5 =	simm.s32 $0xFFFFFFFF;
	p2 =	slt.u32 s8, $0xFFFFF086  }
0x1c: {  	p1 =	slt.u32 s9, $0xF7A;
	s5 =	simm.s32 @!p2 $0x0  }
0x1d: {  	s5 =	simm.s32 @p1 $0x1;
	p0 =	seq.s32 s7, s2  }
0x1e: {  	s7 =	smul.u32 @!p0 $0xF7A, s2;
	p2 =	seq.s32 @!p0 s5, $0x0  }
0x1f: {  	s9 =	smul.u32 $0xF7A, s1;
	s8 =	simm.s32 @!p0 $0x1BF5;
	p2 =	por !p2, p0  }
0x20: {  	[sflag:s8] =	ssyncset.s32 @!p0 $0xFFFFF086;
	s6 =	sadd.s32 @!p0 s3, s7;
	s7 =	simm.s32 @!p0 $0x108  }
0x21: {  	s3 =	sadd.s32 s3, s9;
	s6 =	sadd.s32 @!p0 $0x88, s6;
	s7 =	simm.s32 @p2 $0x1082  }
0x22: {  	[simem:s7], [sflag:s8] =	dma.local @!p0 [hbm:s6], $0xF7A  }
0x23: {  	s9 =	sor.u32 $0xD0000000, s2;
	s6 =	simm.s32 $0x108;
	_ =	swait.ge @!p0 [sflag:s8], $0x0  }
0x24: {  	s3 =	sadd.s32 $0x88, s3;
	s6 =	simm.s32 @!p1 $0x1082;
	[sflag:s4] =	ssyncset.s32 $0xFFFFF086  }
0x25: {  	[simem:s6], [sflag:s4] =	dma.local [hbm:s3], $0xF7A  }
0x26: {  	[smem:$0x3F8C] =	sst s1;
	(tag) =	ssettag s2;
	_ =	strace s9  }
0x27: {  	s1 =	sld [smem:$0x3F9C]  }
0x28: {  	s2 =	sld [smem:$0x3F9D]  }
0x29: {  	s4 =	sld [smem:$0x3F9F]  }
0x2a: {  	p0 =	seq.s32 s5, $0x0;
	s5 =	sld [smem:$0x3FA0]  }
0x2b: {  	s6 =	sld [smem:$0x3FA1]  }
0x2c: {  	s7 =	sld [smem:$0x3FA2]  }
0x2d: {  	s3 =	simm.s32 $0x108;
	s8 =	sld [smem:$0x3FA3]  }
0x2e: {  	s3 =	simm.s32 @!p0 $0x1082;
	s9 =	sld [smem:$0x3FA4]  }
0x2f: {  	lr =	sadd.s32 s0, s3;
	s0 =	sld [smem:$0x3F9B]  }
0x30: {  	s3 =	sld [smem:$0x3F9E]  }
0x31: {  	[smem:$0x3FA7] =	sst s10  }
0x32: {  	s10 =	sld [smem:$0x3FA5];
	_ =	sdelay $0x3  }
0x33: {  	p0 =	seq.s32 s10, $0x1;
	s10 =	sld [smem:$0x3FA7];
	_ =	sdelay $0x3  }
0x34: {  	[smem:$0x3FA7] =	sst s10  }
0x35: {  	s10 =	sld [smem:$0x3FA6];
	_ =	sdelay $0x3  }
0x36: {  	p1 =	seq.s32 s10, $0x1;
	s10 =	sld [smem:$0x3FA7];
	_ =	sdelay $0x3  }
0x37: {  	[smem:$0x3FA7] =	sst s10  }
0x38: {  	s10 =	sld [smem:$0x3FA8]  }
0x39: {  	_ = 	snop;
	(pc) =	sbr.ind lr, $3  }
0x3a: {  	_ = 	snop  }
0x3b: {  	_ = 	snop  }
0x3c: {  	p2 =	seq.s32 s10, $0x1;
	s10 =	sld [smem:$0x3FA7]  }
0x3d: {  	_ =	shalt  }
0x3e: {  	_ =	shalt  }
0x3f: {  	_ =	shalt  }
0x40: {  	_ =	shalt  }
0x41: {  	_ =	shalt  }
0x42: {  	_ =	shalt  }
0x43: {  	_ =	shalt  }
0x44: {  	_ =	shalt  }
0x45: {  	_ =	shalt  }
0x46: {  	_ =	shalt  }
0x47: {  	_ =	shalt  }
0x48: {  	_ =	shalt  }
0x49: {  	_ =	shalt  }
0x4a: {  	_ =	shalt  }
0x4b: {  	_ =	shalt  }
0x4c: {  	_ =	shalt  }
0x4d: {  	_ =	shalt  }
0x4e: {  	_ =	shalt  }
0x4f: {  	_ =	shalt  }
0x50: {  	_ =	shalt  }
0x51: {  	_ =	shalt  }
0x52: {  	_ =	shalt  }
0x53: {  	_ =	shalt  }
0x54: {  	_ =	shalt  }
0x55: {  	_ =	shalt  }
0x56: {  	_ =	shalt  }
0x57: {  	_ =	shalt  }
0x58: {  	_ =	shalt  }
0x59: {  	_ =	shalt  }
0x5a: {  	_ =	shalt  }
0x5b: {  	_ =	shalt  }
0x5c: {  	_ =	shalt  }
0x5d: {  	_ =	shalt  }
0x5e: {  	_ =	shalt  }
0x5f: {  	_ =	shalt  }
0x60: {  	_ =	shalt  }
0x61: {  	_ =	shalt  }
0x62: {  	_ =	shalt  }
0x63: {  	_ =	shalt  }
0x64: {  	_ =	shalt  }
0x65: {  	_ =	shalt  }
0x66: {  	_ =	shalt  }
0x67: {  	_ =	shalt  }
0x68: {  	_ =	shalt  }
0x69: {  	_ =	shalt  }
0x6a: {  	_ =	shalt  }
0x6b: {  	_ =	shalt  }
0x6c: {  	_ =	shalt  }
0x6d: {  	_ =	shalt  }
0x6e: {  	_ =	shalt  }
0x6f: {  	_ =	shalt  }
0x70: {  	_ =	shalt  }
0x71: {  	_ =	shalt  }
0x72: {  	_ =	shalt  }
0x73: {  	_ =	shalt  }
0x74: {  	_ =	shalt  }
0x75: {  	_ =	shalt  }
0x76: {  	_ =	shalt  }
0x77: {  	_ =	shalt  }
0x78: {  	_ =	shalt  }
0x79: {  	_ =	shalt  }
0x7a: {  	_ =	shalt  }
0x7b: {  	_ =	shalt  }
0x7c: {  	_ =	shalt  }
0x7d: {  	_ =	shalt  }
0x7e: {  	_ =	shalt  }
0x7f: {  	_ =	shalt  }
0x80: {  	_ =	shalt  }
0x81: {  	_ =	shalt  }
0x82: {  	_ =	shalt  }
0x83: {  	_ =	shalt  }
0x84: {  	_ =	shalt  }
0x85: {  	_ =	shalt  }
0x86: {  	_ =	shalt  }
0x87: {  	_ =	shalt  }
.Lfunc_end0:
.L_simem_size_0:
called_computation_lowered:
.L_overlay_start_0:
0x88: {  	s2 =	sld [smem:$0x3FD9]  }
0x89: {  	s3 =	sld [smem:$0x3FFE];
	_ =	sdelay $0x1  }
0x8a: {  	s1 =	srdreg.scid  }
0x8b: {  	s0 =	sand.u32 $0x1, s1  }
0x8c: {  	s14 =	sshll.u32 s0, $0xA;
	s2 =	sadd.s32 s3, s2  }
0x8d: {  	s2 =	sadd.s32 s2, s14  }
0x8e: {  	[smem:$0x3FB3] =	sst s2  }
0x8f: {  	_ = 	snop  }
0x90: {  	s2 =	sld [smem:$0x3FD0];
	_ =	sdelay $0x2  }
0x91: {  	s15 =	simm.s32 $0xA;
	s4 =	simm.s32 $0x10  }
0x92: {  	[smem:s4], [sflag:s15] =	dma.local [hbm:s2], $0x1  }
0x93: {  	_ =	swait.eq [sflag:s15], $0x1  }
0x94: {  	[sflag:s15] =	ssyncset.done $0x0  }
0x95: {  	s16 =	sld [smem:$0x10];
	[sflag:s15] =	ssyncadd.s32 $0xFFFFFFFF  }
0x96: {  	s17 =	sld [smem:$0x12];
	(tm) =	ssettm $0x1  }
0x97: {  	s18 =	sld [smem:$0x3FFB];
	_ =	sdelay $0x3  }
0x98: {  	_ =	strace s18  }
0x99: {  	s4 =	sld [smem:$0x3FFC];
	_ =	sdelay $0x3  }
0x9a: {  	_ =	strace s4  }
0x9b: {  	s4 =	sld [smem:$0x3FFD];
	_ =	sdelay $0x3  }
0x9c: {  	_ =	strace s4  }
0x9d: {  	_ =	strace $0x8FFFFFFF  }
0x9e: {  	s19 =	sld [smem:$0x3FDB];
	_ =	sdelay $0x1  }
0x9f: {  	s5 =	simm.s32 $_scs_section_size  }
0xa0: {  	s6 =	simm.s32 $_size__tile_overlayer_lowered;
	s7 =	simm.s32 $_tile_overlayer_lowered  }
0xa1: {  	s22 =	simm.s32 $0x1BFF;
	s21 =	sshll.u32 s7, $0x1;
	s4 =	sadd.s32 s5, s19  }
0xa2: {  	s8 =	simm.s32 $0x0;
	s20 =	sshll.u32 s6, $0x1;
	s6 =	sadd.s32 s21, s4  }
0xa3: {  	[timem:s8], [sflag:s22] =	dma.local [hbm:s6], s20  }
0xa4: {  	_ =	swait.ge [sflag:s22], s20  }
0xa5: {  	s5 =	ssub.s32 $0x0, s20;
	[sflag:s22] =	ssyncset.done $0x0  }
0xa6: {  	[sflag:s22] =	ssyncadd.s32 s5;
	_ =	sdelay $0x1  }
0xa7: {  	s23 =	simm.s32 $0x1B8B  }
0xa8: {  	_ =	swait.ge [sflag:s23], $0x1  }
0xa9: {  	[sflag:s23] =	ssyncset.done $0x0  }
0xaa: {  	s25 =	simm.s32 $0x1B8E;
	s24 =	sld [smem:$0x3FFE];
	[sflag:s23] =	ssyncadd.s32 $0xFFFFFFFF  }
0xab: {  	s26 =	simm.s32 $execute0_lowered;
	[smem:$0x3FD2] =	sst s25  }
0xac: {  	s6 =	sshll.u32 s26, $0x1;
	_ =	strace $0x80000046;
	[dreg:$0x1] =	wrdreg $0xFFFFFFFF  }
0xad: {  	s28 =	simm.s32 $_size_execute0_lowered;
	s4 =	sadd.s32 s4, s6;
	[dreg:$0x0] =	wrdreg $0x0  }
0xae: {  	s6 =	sshll.u32 s28, $0x1;
	[dreg:$0x2] =	wrdreg s4  }
0xaf: {  	[dreg:$0x3] =	wrdreg s6  }
0xb0: {  	[dreg:$0x4] =	wrdreg $0xC0  }
0xb1: {  	_ =	task [dreg:s8], $0x5FFFF  }
0xb2: {  	[dreg:$0x1] =	wrdreg $0xFFFFFFFF  }
0xb3: {  	[dreg:$0x0] =	wrdreg $0x60  }
0xb4: {  	[dreg:$0x2] =	wrdreg s16  }
0xb5: {  	[dreg:$0x3] =	wrdreg s17  }
0xb6: {  	[dreg:$0x4] =	wrdreg s24  }
0xb7: {  	[dreg:$0x5] =	wrdreg $0x44000  }
0xb8: {  	[dreg:$0x6] =	wrdreg $0x9  }
0xb9: {  	_ =	task.clear_ibuf [dreg:s8], $0x7FFFF;
	_ =	strace $0x90000046  }
0xba: {  	s29 =	simm.s32 $0x9;
	_ =	strace $0x80000048  }
0xbb: {  	_ =	swait.ge [sflag:s29], $0x1  }
0xbc: {  	[sflag:s29] =	ssyncadd.s32 $0xFFFFFFFF  }
0xbd: {  	_ =	strace $0x90000048  }
0xbe: {  	_ =	sfence  }
0xbf: {  	s30 =	sld [smem:$0x0];
	_ =	sdelay $0x2  }
0xc0: {  	s31 =	sshll.u32 s1, $0xD;
	s1 =	sshrl.u32 s1, $0x2  }
0xc1: {  	s3 =	sand.u32 $0x4000, s31;
	s1 =	sadd.s32 s1, s30  }
0xc2: {  	s0 =	sor.u32 s3, s0;
	s1 =	sshll.u32 s1, $0x11  }
0xc3: {  	s0 =	sor.u32 s1, s0  }
0xc4: {  	s0 =	sadd.s32 $0x8F2B, s0  }
0xc5: {  	[sflag:s0] =	ssyncadd.remote.s32 $0x1  }
0xc6: {  	_ =	sfence.sel $0xFFFF  }
0xc7: {  	[dreg:$0x0] =	wrdreg $0xFFFFFFFF;
	(pc) =	sbr.abs _section_cstart, $3  }
0xc8: {  	[dreg:$0x1] =	wrdreg $0xFFFFFFFF  }
0xc9: {  	_ =	task.clear_ibuf [dreg:s8], $0x2FFFF;
	_ =	strace $0x9FFFFFFF  }
0xca: {  	(tm) =	ssettm $0x7FFFFFFF  }
0xcb: {  	_ =	shalt  }
tec
execute0_lowered:
.L_overlay_start_1:
0x0: {  	(tag) =	ssettag $0x1  }
0x1: {  	s0 =	rddreg [dreg:$0x0]  }
0x2: {  	s1 =	rddreg [dreg:$0x2]  }
0x3: {  	s3 =	rddreg [dreg:$0x3]  }
0x4: {  	s2 =	srdreg.scid;
	s10 =	stileid.u32  }
0x5: {  	s4 =	simm.s32 $0x0;
	s15 =	simm.s32 $0x7;
	s16 =	simm.s32 $0x400  }
0x6: {  	s18 =	simm.s32 $0x1;
	s19 =	simm.s32 $0x80;
	s21 =	simm.s32 $0x2  }
0x7: {  	s24 =	simm.s32 $0x5;
	s25 =	simm.s32 $0x6;
	s5 =	smul.u32 $0x2800, s10  }
0x8: {  	s2 =	sand.u32 $0x1, s2;
	[smem:$0x7FF] =	sst s4;
	s8 =	smul.u32 $0x50000, s10  }
0x9: {  	s7 =	sshll.u32 s10, $0x1;
	s9 =	sadd.s32 $0x10600, s1;
	s28 =	smul.u32 $0x50, s10  }
0xa: {  	s30 =	sshll.u32 s10, $0x6;
	s6 =	smul.u32 $0x28000, s2;
	_ =	strace $0x80000047  }
0xb: {  	s7 =	sor.u32 s2, s7;
	s26 =	ssub.s32 $0x2, s2;
	s2 =	smul.u32 $0x28, s2  }
0xc: {  	[dreg:$0x5] =	wrdreg s9;
	s7 =	smul.u32 $0x500, s7;
	s8 =	sshrl.u32 s8, $0x2  }
0xd: {  	s29 =	sshrl.u32 s26, $0x1;
	s5 =	sadd.s32 s5, s6;
	s13 =	sadd.s32 s8, s3  }
0xe: {  	s6 =	sor.u32 $0x1C07, s30;
	s2 =	sadd.s32 s2, s28;
	s1 =	sadd.s32 s5, s1  }
0xf: {  	s5 =	ssub.s32 s26, s29;
	s7 =	sadd.s32 s0, s7;
	s31 =	sshll.u32 s2, $0x5  }
0x10: {  	s14 =	sshrl.u32 s13, $0x3;
	s26 =	simm.s32 $0x0;
	s8 =	sadd.s32 $0x20, s7  }
0x11: {  	s9 =	sadd.s32 $0x12E00, s1;
	s10 =	smax.u32 s5, $0x1;
	s0 =	sadd.s32 s31, s0  }
0x12: {  	s11 =	sadd.s32 $0x40, s7;
	s12 =	sadd.s32 $0x60, s7;
	s17 =	sadd.s32 $0x80, s0  }
.LBB2_1:
0x13: {  	s0 =	rddreg [dreg:$0x5]  }
0x14: {  	[spmem:s14], [sflag:s6] =	dma.local [hbm:s0], $0x2800  }
0x15: {  	_ =	swait.ge [sflag:s15], $0x2800  }
0x16: {  	[sflag:s15] =	ssyncset.done $0x0  }
0x17: {  	[sflag:s15] =	ssyncadd.s32 $0xFFFFD800  }
0x18: {  	s2 =	rddreg [dreg:$0x1]  }
0x19: {  	[tilespmem:s16], [sflag:$0x7] =	stream.linear.gather [hbm4b:s2+s4], $0x4000, $0x38;
	[tilespmem:$0x18400] =	vst v63  }
0x1a: {  	_ =	swait.ge [sflag:s15], $0x4000  }
0x1b: {  	[sflag:s15] =	ssyncset.done $0x0  }
0x1c: {  	[sflag:s15] =	ssyncadd.s32 $0xFFFFC000  }
0x1d: {  	[bflag:$0x0] =	sbarrier.arrive $0xFFFF  }
0x1e: {  	[tilespmem:s4], [sflag:$0x1] =	stream.linear.gather [hbm4b:s7+s4], $0x100, $0x38;
	[tilespmem:$0x18400] =	vst v63  }
0x1f: {  	s5 =	simm.s32 $0x100  }
0x20: {  	[tilespmem:s5], [sflag:$0x2] =	stream.linear.gather [hbm4b:s8+s4], $0x100, $0x38;
	[tilespmem:$0x18400] =	vst v63  }
0x21: {  	_ =	swait.ge [sflag:s18], $0x100  }
0x22: {  	[sflag:s18] =	ssyncset.done $0x0  }
0x23: {  	[sflag:s18] =	ssyncadd.s32 $0xFFFFFF00  }
0x24: {  	[spmem:s3] =	stream.indirect.scatter.add.f32 [tilespmem:s16], [sflag:$0x5], $0x80, s19, s19, $0xb8;
	[tilespmem:$0x18400] =	vst v63  }
0x25: {  	s13 =	simm.s32 $0x200  }
0x26: {  	[tilespmem:s13], [sflag:$0x3] =	stream.linear.gather [hbm4b:s11+s4], $0x100, $0x38;
	[tilespmem:$0x18400] =	vst v63  }
0x27: {  	s20 =	simm.s32 $0x180;
	s22 =	simm.s32 $0x300;
	_ =	swait.ge [sflag:s21], $0x100  }
0x28: {  	s23 =	simm.s32 $0x2;
	s31 =	simm.s32 $0x4;
	[sflag:s21] =	ssyncset.done $0x0  }
0x29: {  	s28 =	simm.s32 $0x5;
	s1 =	sand.u32 $0x1, s23;
	[sflag:s21] =	ssyncadd.s32 $0xFFFFFF00  }
0x2a: {  	[spmem:s3] =	stream.indirect.scatter.add.f32 [tilespmem:s16], [sflag:$0x6], $0x80, s20, s19, $0xb8;
	[tilespmem:$0x18400] =	vst v63  }
0x2b: {  	s29 =	sadd.s32 $0x20, s17;
	s0 =	sand.u32 $0x3, s23;
	s30 =	sadd.s32 $0x5, s1  }
0x2c: {  	[tilespmem:s22], [sflag:$0x4] =	stream.linear.gather [hbm4b:s12+s4], $0x100, $0x38;
	[tilespmem:$0x18400] =	vst v63  }
0x2d: {  	p0 =	por $0x0, $0x0;
	s5 =	sshll.u32 s0, $0x8;
	_ =	swait.ge [sflag:s30], $0x4000  }
0x2e: {  	s2 =	simm.s32 $0x6;
	s5 =	sor.u32 $0x80, s5;
	[sflag:s30] =	ssyncset.done $0x0  }
0x2f: {  	s20 =	sadd.s32 $0x1, s0;
	s0 =	simm.s32 $0x3;
	[sflag:s30] =	ssyncadd.s32 $0xFFFFC000  }
0x30: {  	s13 =	smov.u32 s17;
	s23 =	sand.u32 $0x1, s0;
	_ =	swait.ge [sflag:s20], $0x100  }
0x31: {  	s1 =	sand.u32 $0x3, s0;
	s22 =	simm.s32 @!p0 $0x0;
	[sflag:s20] =	ssyncset.done $0x0  }
.LBB2_2:
0x32: {  	[sflag:s20] =	ssyncadd.s32 $0xFFFFFF00;
	s20 =	sand.u32 @!p0 $0x3, s31  }
0x33: {  	s31 =	smov.u32 s28;
	s28 =	smov.u32 s2;
	s2 =	sadd.s32 $0x1, s2  }
0x34: {  	[spmem:s3] =	stream.indirect.scatter.add.f32 [tilespmem:s16], [sflag:s30], $0x80, s5, s19, $0xb8;
	[tilespmem:$0x18400] =	vst v63  }
0x35: {  	s30 =	sadd.s32 $0x5, s23;
	s5 =	sshll.u32 @!p0 s20, $0x8;
	s20 =	sadd.s32 @!p0 $0x1, s20  }
0x36: {  	[tilespmem:s5], [sflag:s20] =	stream.linear.gather @!p0 [hbm4b:s13+s22], $0x100, $0x38;
	[tilespmem:$0x18400] =	vst v63  }
0x37: {  	p1 =	sne.s32 s2, $0x2A;
	s13 =	smov.u32 s29;
	_ =	swait.ge [sflag:s30], $0x4000  }
.Ltmp0:
0x38: {  	s20 =	sadd.s32 $0x1, s1;
	[sflag:s30] =	ssyncset.done $0x0;
	(pc) =	sbr.rel @p1 .LBB2_2-.Ltmp0, $4  }
0x39: {  	s29 =	sadd.s32 $0x20, s29;
	[sflag:s30] =	ssyncadd.s32 $0xFFFFC000  }
0x3a: {  	s5 =	sshll.u32 s1, $0x8;
	p0 =	sgt.u32 s0, $0x25;
	_ =	swait.ge [sflag:s20], $0x100  }
0x3b: {  	s0 =	sadd.s32 $0xFFFFFFFE, s28;
	s22 =	simm.s32 @!p0 $0x0;
	[sflag:s20] =	ssyncset.done $0x0  }
0x3c: {  	s23 =	sand.u32 $0x1, s0;
	s1 =	sand.u32 $0x3, s0;
	s5 =	sor.u32 $0x80, s5  }
0x3d: {  	[sflag:s20] =	ssyncadd.s32 $0xFFFFFF00;
	s2 =	sand.u32 @!p0 $0x3, s31  }
0x3e: {  	[spmem:s3] =	stream.indirect.scatter.add.f32 [tilespmem:s16], [sflag:s30], $0x80, s5, s19, $0xb8;
	[tilespmem:$0x18400] =	vst v63  }
0x3f: {  	s5 =	sadd.s32 $0x5, s23;
	s20 =	sshll.u32 @!p0 s2, $0x8;
	s2 =	sadd.s32 @!p0 $0x1, s2  }
0x40: {  	[tilespmem:s20], [sflag:s2] =	stream.linear.gather @!p0 [hbm4b:s13+s22], $0x100, $0x38;
	[tilespmem:$0x18400] =	vst v63  }
0x41: {  	_ =	swait.ge [sflag:s5], $0x4000  }
0x42: {  	[sflag:s5] =	ssyncset.done $0x0  }
0x43: {  	s23 =	sadd.s32 $0x1, s1;
	[sflag:s5] =	ssyncadd.s32 $0xFFFFC000  }
0x44: {  	_ =	swait.ge [sflag:s23], $0x100  }
0x45: {  	s30 =	sshll.u32 s1, $0x8;
	p0 =	sgt.u32 s0, $0x25;
	[sflag:s23] =	ssyncset.done $0x0  }
0x46: {  	s31 =	sor.u32 $0x80, s30;
	s1 =	sand.u32 @!p0 $0x3, s28;
	[sflag:s23] =	ssyncadd.s32 $0xFFFFFF00  }
0x47: {  	[spmem:s3] =	stream.indirect.scatter.add.f32 [tilespmem:s16], [sflag:s5], $0x80, s31, s19, $0xb8;
	[tilespmem:$0x18400] =	vst v63  }
0x48: {  	s0 =	simm.s32 @!p0 $0x0;
	s2 =	sshll.u32 @!p0 s1, $0x8;
	s1 =	sadd.s32 @!p0 $0x1, s1  }
0x49: {  	[tilespmem:s2], [sflag:s1] =	stream.linear.gather @!p0 [hbm4b:s29+s0], $0x100, $0x38;
	[tilespmem:$0x18400] =	vst v63  }
0x4a: {  	_ =	swait.ge [sflag:s24], $0x4000  }
0x4b: {  	[sflag:s24] =	ssyncset.done $0x0  }
0x4c: {  	[sflag:s24] =	ssyncadd.s32 $0xFFFFC000  }
0x4d: {  	_ =	swait.ge [sflag:s25], $0x4000  }
0x4e: {  	s26 =	sadd.s32 $0x1, s26;
	[sflag:s25] =	ssyncset.done $0x0  }
0x4f: {  	p0 =	sne.s32 s26, s10;
	[sflag:s25] =	ssyncadd.s32 $0xFFFFC000  }
.Ltmp1:
0x50: {  	[bflag:$0x0] =	sbarrier.arrive $0xFFFF;
	(pc) =	sbr.rel @p0 .LBB2_1-.Ltmp1, $4  }
0x51: {  	[hbm:s9], [sflag:s6] =	dma.local [spmem:s14], $0x2800  }
0x52: {  	_ =	swait.ge [sflag:s15], $0x2800  }
0x53: {  	[sflag:s15] =	ssyncset.done $0x0  }
0x54: {  	[sflag:s15] =	ssyncadd.s32 $0xFFFFD800  }
0x55: {  	_ =	sfence.sel $0x180000  }
0x56: {  	[bflag:$0x0] =	sbarrier.arrive $0xFFFF  }
0x57: {  	_ =	strace $0x90000047  }
0x58: {  	s0 =	stileid.u32;
	[bflag:$0x2] =	sbarrier.arrive $0xFFFF  }
0x59: {  	p0 =	sne.s32 s0, $0x0;
	s0 =	rddreg [dreg:$0x4]  }
0x5a: {  	s0 =	sadd.s32 @!p0 $0x100000, s0  }
0x5b: {  	[sflag:s0] =	ssyncadd.tile.s32 @!p0 $0x1;
	_ =	shalt  }
.Lfunc_end2:
_tile_overlayer_lowered:
.L_overlay_start_2:
0x5c: {  	(tag) =	ssettag $0x2  }
0x5d: {  	s0 =	rddreg [dreg:$0x0];
	s2 =	stileid.u32  }
0x5e: {  	s1 =	rddreg [dreg:$0x1];
	p0 =	sne.s32 s2, $0x0  }
0x5f: {  	s3 =	rddreg [dreg:$0x2];
	[bflag:$0x3] =	sbarrier.arrive $0xFFFF;
	s2 =	simm.s32 @!p0 $0x1C07  }
0x60: {  	[timem:s3], [sflag:s2] =	dma.local @!p0 [hbm:s0], s1  }
0x61: {  	s0 =	simm.s32 @!p0 $0x7  }
0x62: {  	_ =	swait.ge @!p0 [sflag:s0], s1  }
0x63: {  	s1 =	ssub.s32 @!p0 $0x0, s1;
	[sflag:s0] =	ssyncset.done @!p0 $0x0  }
0x64: {  	[sflag:s0] =	ssyncadd.s32 @!p0 s1  }
0x65: {  	[bflag:$0x3] =	sbarrier.arrive $0xFFFF  }
0x66: {  	_ =	shalt  }

// kernel: kernel.16.cloned.1.call-start
scs
__scs_entry_jumppad:
0x0: {  	(pc) =	sbr.rel $0x88, $3  }
0x1: {  	(tag) =	ssettag $0x0;
	lr =	simm.s32 $0x1  }
0x2: {  	[smem:$0x3F8C] =	sst lr;
	_ =	strace $0xD0000000  }
0x3: {  	_ = 	snop  }
0x4: {  	_ = 	snop  }
0x5: {  	_ = 	snop  }
0x6: {  	_ = 	snop  }
0x7: {  	_ = 	snop  }
__scs_overlays_trampoline_lowered:
0x8: {  	[smem:$0x3F9B] =	sst s0  }
0x9: {  	[smem:$0x3F9C] =	sst s1  }
0xa: {  	[smem:$0x3F9D] =	sst s2  }
0xb: {  	[smem:$0x3F9E] =	sst s3  }
0xc: {  	[smem:$0x3F9F] =	sst s4  }
0xd: {  	[smem:$0x3FA0] =	sst s5  }
0xe: {  	[smem:$0x3FA1] =	sst s6  }
0xf: {  	[smem:$0x3FA2] =	sst s7  }
0x10: {  	[smem:$0x3FA3] =	sst s8  }
0x11: {  	[smem:$0x3FA4] =	sst s9;
	s0 =	simm.s32 @!p0 $0x0  }
0x12: {  	s1 =	sld [smem:$0x3F8A];
	s0 =	simm.s32 @p0 $0x1  }
0x13: {  	[smem:$0x3FA5] =	sst s0;
	s0 =	simm.s32 @!p1 $0x0  }
0x14: {  	s2 =	sld [smem:$0x3F89];
	s0 =	simm.s32 @p1 $0x1  }
0x15: {  	[smem:$0x3FA6] =	sst s0;
	s0 =	simm.s32 @!p2 $0x0  }
0x16: {  	s3 =	sld [smem:$0x3FDB];
	s0 =	simm.s32 @p2 $0x1  }
0x17: {  	s4 =	simm.s32 $0x1BF5;
	[smem:$0x3FA8] =	sst s0  }
0x18: {  	s0 =	sld [smem:$0x3F8B];
	_ =	swait.ge [sflag:s4], $0x0  }
0x19: {  	s7 =	sld [smem:$0x3F8C]  }
0x1a: {  	s8 =	sadd.s32 $0xFFFFE003, lr  }
0x1b: {  	s9 =	sadd.s32 $0xFFFFFEF7, lr;
	s5 =	simm.s32 $0xFFFFFFFF;
	p2 =	slt.u32 s8, $0xFFFFF086  }
0x1c: {  	p1 =	slt.u32 s9, $0xF7A;
	s5 =	simm.s32 @!p2 $0x0  }
0x1d: {  	s5 =	simm.s32 @p1 $0x1;
	p0 =	seq.s32 s7, s2  }
0x1e: {  	s7 =	smul.u32 @!p0 $0xF7A, s2;
	p2 =	seq.s32 @!p0 s5, $0x0  }
0x1f: {  	s9 =	smul.u32 $0xF7A, s1;
	s8 =	simm.s32 @!p0 $0x1BF5;
	p2 =	por !p2, p0  }
0x20: {  	[sflag:s8] =	ssyncset.s32 @!p0 $0xFFFFF086;
	s6 =	sadd.s32 @!p0 s3, s7;
	s7 =	simm.s32 @!p0 $0x108  }
0x21: {  	s3 =	sadd.s32 s3, s9;
	s6 =	sadd.s32 @!p0 $0x88, s6;
	s7 =	simm.s32 @p2 $0x1082  }
0x22: {  	[simem:s7], [sflag:s8] =	dma.local @!p0 [hbm:s6], $0xF7A  }
0x23: {  	s9 =	sor.u32 $0xD0000000, s2;
	s6 =	simm.s32 $0x108;
	_ =	swait.ge @!p0 [sflag:s8], $0x0  }
0x24: {  	s3 =	sadd.s32 $0x88, s3;
	s6 =	simm.s32 @!p1 $0x1082;
	[sflag:s4] =	ssyncset.s32 $0xFFFFF086  }
0x25: {  	[simem:s6], [sflag:s4] =	dma.local [hbm:s3], $0xF7A  }
0x26: {  	[smem:$0x3F8C] =	sst s1;
	(tag) =	ssettag s2;
	_ =	strace s9  }
0x27: {  	s1 =	sld [smem:$0x3F9C]  }
0x28: {  	s2 =	sld [smem:$0x3F9D]  }
0x29: {  	s4 =	sld [smem:$0x3F9F]  }
0x2a: {  	p0 =	seq.s32 s5, $0x0;
	s5 =	sld [smem:$0x3FA0]  }
0x2b: {  	s6 =	sld [smem:$0x3FA1]  }
0x2c: {  	s7 =	sld [smem:$0x3FA2]  }
0x2d: {  	s3 =	simm.s32 $0x108;
	s8 =	sld [smem:$0x3FA3]  }
0x2e: {  	s3 =	simm.s32 @!p0 $0x1082;
	s9 =	sld [smem:$0x3FA4]  }
0x2f: {  	lr =	sadd.s32 s0, s3;
	s0 =	sld [smem:$0x3F9B]  }
0x30: {  	s3 =	sld [smem:$0x3F9E]  }
0x31: {  	[smem:$0x3FA7] =	sst s10  }
0x32: {  	s10 =	sld [smem:$0x3FA5];
	_ =	sdelay $0x3  }
0x33: {  	p0 =	seq.s32 s10, $0x1;
	s10 =	sld [smem:$0x3FA7];
	_ =	sdelay $0x3  }
0x34: {  	[smem:$0x3FA7] =	sst s10  }
0x35: {  	s10 =	sld [smem:$0x3FA6];
	_ =	sdelay $0x3  }
0x36: {  	p1 =	seq.s32 s10, $0x1;
	s10 =	sld [smem:$0x3FA7];
	_ =	sdelay $0x3  }
0x37: {  	[smem:$0x3FA7] =	sst s10  }
0x38: {  	s10 =	sld [smem:$0x3FA8]  }
0x39: {  	_ = 	snop;
	(pc) =	sbr.ind lr, $3  }
0x3a: {  	_ = 	snop  }
0x3b: {  	_ = 	snop  }
0x3c: {  	p2 =	seq.s32 s10, $0x1;
	s10 =	sld [smem:$0x3FA7]  }
0x3d: {  	_ =	shalt  }
0x3e: {  	_ =	shalt  }
0x3f: {  	_ =	shalt  }
0x40: {  	_ =	shalt  }
0x41: {  	_ =	shalt  }
0x42: {  	_ =	shalt  }
0x43: {  	_ =	shalt  }
0x44: {  	_ =	shalt  }
0x45: {  	_ =	shalt  }
0x46: {  	_ =	shalt  }
0x47: {  	_ =	shalt  }
0x48: {  	_ =	shalt  }
0x49: {  	_ =	shalt  }
0x4a: {  	_ =	shalt  }
0x4b: {  	_ =	shalt  }
0x4c: {  	_ =	shalt  }
0x4d: {  	_ =	shalt  }
0x4e: {  	_ =	shalt  }
0x4f: {  	_ =	shalt  }
0x50: {  	_ =	shalt  }
0x51: {  	_ =	shalt  }
0x52: {  	_ =	shalt  }
0x53: {  	_ =	shalt  }
0x54: {  	_ =	shalt  }
0x55: {  	_ =	shalt  }
0x56: {  	_ =	shalt  }
0x57: {  	_ =	shalt  }
0x58: {  	_ =	shalt  }
0x59: {  	_ =	shalt  }
0x5a: {  	_ =	shalt  }
0x5b: {  	_ =	shalt  }
0x5c: {  	_ =	shalt  }
0x5d: {  	_ =	shalt  }
0x5e: {  	_ =	shalt  }
0x5f: {  	_ =	shalt  }
0x60: {  	_ =	shalt  }
0x61: {  	_ =	shalt  }
0x62: {  	_ =	shalt  }
0x63: {  	_ =	shalt  }
0x64: {  	_ =	shalt  }
0x65: {  	_ =	shalt  }
0x66: {  	_ =	shalt  }
0x67: {  	_ =	shalt  }
0x68: {  	_ =	shalt  }
0x69: {  	_ =	shalt  }
0x6a: {  	_ =	shalt  }
0x6b: {  	_ =	shalt  }
0x6c: {  	_ =	shalt  }
0x6d: {  	_ =	shalt  }
0x6e: {  	_ =	shalt  }
0x6f: {  	_ =	shalt  }
0x70: {  	_ =	shalt  }
0x71: {  	_ =	shalt  }
0x72: {  	_ =	shalt  }
0x73: {  	_ =	shalt  }
0x74: {  	_ =	shalt  }
0x75: {  	_ =	shalt  }
0x76: {  	_ =	shalt  }
0x77: {  	_ =	shalt  }
0x78: {  	_ =	shalt  }
0x79: {  	_ =	shalt  }
0x7a: {  	_ =	shalt  }
0x7b: {  	_ =	shalt  }
0x7c: {  	_ =	shalt  }
0x7d: {  	_ =	shalt  }
0x7e: {  	_ =	shalt  }
0x7f: {  	_ =	shalt  }
0x80: {  	_ =	shalt  }
0x81: {  	_ =	shalt  }
0x82: {  	_ =	shalt  }
0x83: {  	_ =	shalt  }
0x84: {  	_ =	shalt  }
0x85: {  	_ =	shalt  }
0x86: {  	_ =	shalt  }
0x87: {  	_ =	shalt  }
.Lfunc_end0:
.L_simem_size_0:
called_computation.1_lowered:
.L_overlay_start_0:
0x88: {  	s2 =	sld [smem:$0x3FD9]  }
0x89: {  	s3 =	sld [smem:$0x3FFE];
	_ =	sdelay $0x1  }
0x8a: {  	s1 =	srdreg.scid  }
0x8b: {  	s0 =	sand.u32 $0x1, s1  }
0x8c: {  	s14 =	sshll.u32 s0, $0xA;
	s2 =	sadd.s32 s3, s2  }
0x8d: {  	s2 =	sadd.s32 s2, s14  }
0x8e: {  	[smem:$0x3FB3] =	sst s2  }
0x8f: {  	_ = 	snop  }
0x90: {  	s2 =	sld [smem:$0x3FD0];
	_ =	sdelay $0x2  }
0x91: {  	s15 =	simm.s32 $0xA;
	s4 =	simm.s32 $0x10  }
0x92: {  	[smem:s4], [sflag:s15] =	dma.local [hbm:s2], $0x1  }
0x93: {  	_ =	swait.eq [sflag:s15], $0x1  }
0x94: {  	[sflag:s15] =	ssyncset.done $0x0  }
0x95: {  	[sflag:s15] =	ssyncadd.s32 $0xFFFFFFFF  }
0x96: {  	s16 =	sld [smem:$0x11];
	(tm) =	ssettm $0x1  }
0x97: {  	s17 =	sld [smem:$0x3FFB];
	_ =	sdelay $0x3  }
0x98: {  	_ =	strace s17  }
0x99: {  	s3 =	sld [smem:$0x3FFC];
	_ =	sdelay $0x3  }
0x9a: {  	_ =	strace s3  }
0x9b: {  	s3 =	sld [smem:$0x3FFD];
	_ =	sdelay $0x3  }
0x9c: {  	_ =	strace s3  }
0x9d: {  	_ =	strace $0x8FFFFFFF  }
0x9e: {  	s18 =	sld [smem:$0x3FDB];
	_ =	sdelay $0x1  }
0x9f: {  	s19 =	simm.s32 $_scs_section_size  }
0xa0: {  	s5 =	simm.s32 $_size__tile_overlayer_lowered;
	s6 =	simm.s32 $_tile_overlayer_lowered  }
0xa1: {  	s22 =	simm.s32 $0x1BFF;
	s21 =	sshll.u32 s6, $0x1;
	s3 =	sadd.s32 s19, s18  }
0xa2: {  	s7 =	simm.s32 $0x0;
	s20 =	sshll.u32 s5, $0x1;
	s5 =	sadd.s32 s21, s3  }
0xa3: {  	[timem:s7], [sflag:s22] =	dma.local [hbm:s5], s20  }
0xa4: {  	_ =	swait.ge [sflag:s22], s20  }
0xa5: {  	s4 =	ssub.s32 $0x0, s20;
	[sflag:s22] =	ssyncset.done $0x0  }
0xa6: {  	[sflag:s22] =	ssyncadd.s32 s4;
	_ =	sdelay $0x1  }
0xa7: {  	s23 =	simm.s32 $0x1B8B  }
0xa8: {  	_ =	swait.ge [sflag:s23], $0x1  }
0xa9: {  	[sflag:s23] =	ssyncset.done $0x0  }
0xaa: {  	s25 =	simm.s32 $0x1B8E;
	s24 =	sld [smem:$0x3FFE];
	[sflag:s23] =	ssyncadd.s32 $0xFFFFFFFF  }
0xab: {  	s26 =	simm.s32 $execute0_lowered;
	[smem:$0x3FD2] =	sst s25  }
0xac: {  	s5 =	sshll.u32 s26, $0x1;
	_ =	strace $0x80000049;
	[dreg:$0x1] =	wrdreg $0xFFFFFFFF  }
0xad: {  	s28 =	simm.s32 $_size_execute0_lowered;
	s3 =	sadd.s32 s3, s5;
	[dreg:$0x0] =	wrdreg $0x0  }
0xae: {  	s5 =	sshll.u32 s28, $0x1;
	[dreg:$0x2] =	wrdreg s3  }
0xaf: {  	[dreg:$0x3] =	wrdreg s5  }
0xb0: {  	[dreg:$0x4] =	wrdreg $0xC0  }
0xb1: {  	_ =	task [dreg:s7], $0x5FFFF  }
0xb2: {  	[dreg:$0x1] =	wrdreg $0xFFFFFFFF  }
0xb3: {  	[dreg:$0x0] =	wrdreg $0x60  }
0xb4: {  	[dreg:$0x2] =	wrdreg s24  }
0xb5: {  	[dreg:$0x3] =	wrdreg s16  }
0xb6: {  	[dreg:$0x4] =	wrdreg $0x41000  }
0xb7: {  	[dreg:$0x5] =	wrdreg $0x9  }
0xb8: {  	_ =	task.clear_ibuf [dreg:s7], $0x6FFFF;
	_ =	strace $0x90000049  }
0xb9: {  	s29 =	simm.s32 $0x9;
	_ =	strace $0x8000004B  }
0xba: {  	_ =	swait.ge [sflag:s29], $0x1  }
0xbb: {  	[sflag:s29] =	ssyncadd.s32 $0xFFFFFFFF  }
0xbc: {  	_ =	strace $0x9000004B  }
0xbd: {  	_ =	sfence  }
0xbe: {  	s30 =	sld [smem:$0x0];
	_ =	sdelay $0x2  }
0xbf: {  	s31 =	sshll.u32 s1, $0xD;
	s1 =	sshrl.u32 s1, $0x2  }
0xc0: {  	s3 =	sand.u32 $0x4000, s31;
	s1 =	sadd.s32 s1, s30  }
0xc1: {  	s0 =	sor.u32 s3, s0;
	s1 =	sshll.u32 s1, $0x11  }
0xc2: {  	s0 =	sor.u32 s1, s0  }
0xc3: {  	s0 =	sadd.s32 $0x8F2B, s0  }
0xc4: {  	[sflag:s0] =	ssyncadd.remote.s32 $0x1  }
0xc5: {  	_ =	sfence.sel $0xFFFF  }
0xc6: {  	[dreg:$0x0] =	wrdreg $0xFFFFFFFF;
	(pc) =	sbr.abs _section_cstart, $3  }
0xc7: {  	[dreg:$0x1] =	wrdreg $0xFFFFFFFF  }
0xc8: {  	_ =	task.clear_ibuf [dreg:s7], $0x2FFFF;
	_ =	strace $0x9FFFFFFF  }
0xc9: {  	(tm) =	ssettm $0x7FFFFFFF  }
tec
execute0_lowered:
.L_overlay_start_1:
0x0: {  	(tag) =	ssettag $0x1  }
0x1: {  	s6 =	rddreg [dreg:$0x0]  }
0x2: {  	s1 =	srdreg.scid;
	s2 =	rddreg [dreg:$0x1]  }
0x3: {  	s0 =	stileid.u32;
	s3 =	rddreg [dreg:$0x2];
	s4 =	simm.s32 $0x0  }
0x4: {  	s14 =	simm.s32 $0x100;
	s15 =	simm.s32 $0x0;
	s5 =	smul.u32 $0x2800, s0  }
0x5: {  	s7 =	sand.u32 $0x1, s1;
	s1 =	rddreg [dreg:$0x3];
	s29 =	smul.u32 $0x500, s0  }
0x6: {  	[smem:$0x7FF] =	sst s4;
	s11 =	smul.u32 $0x50000, s0;
	s12 =	sshll.u32 s0, $0x6  }
0x7: {  	s8 =	smul.u32 $0x28000, s7;
	_ =	strace $0x8000004A;
	s31 =	ssub.s32 $0x2, s7  }
0x8: {  	s30 =	sadd.s32 s29, s6;
	s7 =	sshrl.u32 s31, $0x1;
	s11 =	sshrl.u32 s11, $0x2  }
0x9: {  	s8 =	sadd.s32 s5, s8;
	s5 =	sadd.s32 $0x10600, s6;
	s13 =	ssub.s32 s31, s7  }
0xa: {  	s11 =	sadd.s32 s11, s3;
	s9 =	sshrl.u32 s8, $0x3;
	s8 =	sadd.s32 s8, s6  }
0xb: {  	s11 =	sshrl.u32 s11, $0x3;
	s10 =	sadd.s32 s9, s6;
	s6 =	sor.u32 $0x1C01, s12  }
0xc: {  	s7 =	sadd.s32 $0x12E00, s8;
	s8 =	smax.u32 s13, $0x1;
	s9 =	sadd.s32 $0xB600, s30  }
0xd: {  	s12 =	simm.s32 $0x1;
	s13 =	simm.s32 $0x80;
	s10 =	sadd.s32 $0x62E00, s10  }
.LBB2_1:
0xe: {  	[spmem:s11], [sflag:s6] =	dma.local [hbm:s5], $0x2800  }
0xf: {  	_ =	swait.ge [sflag:s12], $0x2800  }
0x10: {  	[sflag:s12] =	ssyncset.done $0x0  }
0x11: {  	[sflag:s12] =	ssyncadd.s32 $0xFFFFD800  }
0x12: {  	s16 =	sadd.s32 $0x0, s10;
	[bflag:$0x0] =	sbarrier.arrive $0xFFFF  }
0x13: {  	[tilespmem:s4], [sflag:$0x1] =	stream.linear.gather [hbm4b:s16+s4], $0x80, $0x38;
	[tilespmem:$0x18100] =	vst v63  }
0x14: {  	_ =	swait.ge [sflag:s12], $0x80  }
0x15: {  	[sflag:s12] =	ssyncset.done $0x0  }
0x16: {  	s31 =	sadd.s32 $0x0, s9;
	[sflag:s12] =	ssyncadd.s32 $0xFFFFFF80  }
0x17: {  	[tilespmem:s13], [sflag:$0x1] =	stream.linear.gather [hbm4b:s31+s4], $0x80, $0x38;
	[tilespmem:$0x18100] =	vst v63  }
0x18: {  	_ =	swait.ge [sflag:s12], $0x80  }
0x19: {  	[sflag:s12] =	ssyncset.done $0x0  }
0x1a: {  	[sflag:s12] =	ssyncadd.s32 $0xFFFFFF80  }
0x1b: {  	[tilespmem:s14], [sflag:$0x1] =	stream.indirect.gather [hbm4b:s2+s13], $0x80, s4, s13, $0xb8;
	[tilespmem:$0x18100] =	vst v63  }
0x1c: {  	_ =	swait.ge [sflag:s12], $0x4000  }
0x1d: {  	[sflag:s12] =	ssyncset.done $0x0  }
0x1e: {  	[sflag:s12] =	ssyncadd.s32 $0xFFFFC000  }
0x1f: {  	[spmem:s3] =	stream.indirect.scatter.add.f32 [tilespmem:s14], [sflag:$0x1], $0x80, s13, s13, $0xb8;
	[tilespmem:$0x18100] =	vst v63  }
0x20: {  	_ =	swait.ge [sflag:s12], $0x4000  }
0x21: {  	s17 =	simm.s32 $0x20;
	s16 =	simm.s32 $0x10;
	[sflag:s12] =	ssyncset.done $0x0  }
.LBB2_2:
0x22: {  	s18 =	sadd.s32 s16, s10  }
0x23: {  	[sflag:s12] =	ssyncadd.s32 $0xFFFFC000;
	s19 =	smov.u32 s17;
	s20 =	sadd.s32 $0x10, s17  }
0x24: {  	[tilespmem:s4], [sflag:$0x1] =	stream.linear.gather [hbm4b:s18+s4], $0x80, $0x38;
	[tilespmem:$0x18100] =	vst v63  }
0x25: {  	p0 =	sne.s32 s17, $0x4F0;
	_ =	swait.ge [sflag:s12], $0x80  }
0x26: {  	[sflag:s12] =	ssyncset.done $0x0  }
0x27: {  	s17 =	sadd.s32 s16, s9;
	s16 =	smov.u32 s19;
	[sflag:s12] =	ssyncadd.s32 $0xFFFFFF80  }
0x28: {  	[tilespmem:s13], [sflag:$0x1] =	stream.linear.gather [hbm4b:s17+s4], $0x80, $0x38;
	[tilespmem:$0x18100] =	vst v63  }
0x29: {  	_ =	swait.ge [sflag:s12], $0x80  }
0x2a: {  	[sflag:s12] =	ssyncset.done $0x0  }
0x2b: {  	[sflag:s12] =	ssyncadd.s32 $0xFFFFFF80  }
0x2c: {  	[tilespmem:s14], [sflag:$0x1] =	stream.indirect.gather [hbm4b:s2+s13], $0x80, s4, s13, $0xb8;
	[tilespmem:$0x18100] =	vst v63  }
0x2d: {  	_ =	swait.ge [sflag:s12], $0x4000  }
.Ltmp0:
0x2e: {  	[sflag:s12] =	ssyncset.done $0x0;
	(pc) =	sbr.rel @p0 .LBB2_2-.Ltmp0, $4  }
0x2f: {  	[sflag:s12] =	ssyncadd.s32 $0xFFFFC000  }
0x30: {  	[spmem:s3] =	stream.indirect.scatter.add.f32 [tilespmem:s14], [sflag:$0x1], $0x80, s13, s13, $0xb8;
	[tilespmem:$0x18100] =	vst v63  }
0x31: {  	_ =	swait.ge [sflag:s12], $0x4000  }
0x32: {  	s17 =	smov.u32 s20;
	[sflag:s12] =	ssyncset.done $0x0  }
0x33: {  	s17 =	sadd.s32 s16, s10;
	[sflag:s12] =	ssyncadd.s32 $0xFFFFC000  }
0x34: {  	[tilespmem:s4], [sflag:$0x1] =	stream.linear.gather [hbm4b:s17+s4], $0x80, $0x38;
	[tilespmem:$0x18100] =	vst v63  }
0x35: {  	_ =	swait.ge [sflag:s12], $0x80  }
0x36: {  	[sflag:s12] =	ssyncset.done $0x0  }
0x37: {  	s31 =	sadd.s32 s16, s9;
	[sflag:s12] =	ssyncadd.s32 $0xFFFFFF80  }
0x38: {  	[tilespmem:s13], [sflag:$0x1] =	stream.linear.gather [hbm4b:s31+s4], $0x80, $0x38;
	[tilespmem:$0x18100] =	vst v63  }
0x39: {  	_ =	swait.ge [sflag:s12], $0x80  }
0x3a: {  	[sflag:s12] =	ssyncset.done $0x0  }
0x3b: {  	[sflag:s12] =	ssyncadd.s32 $0xFFFFFF80  }
0x3c: {  	[tilespmem:s14], [sflag:$0x1] =	stream.indirect.gather [hbm4b:s2+s13], $0x80, s4, s13, $0xb8;
	[tilespmem:$0x18100] =	vst v63  }
0x3d: {  	_ =	swait.ge [sflag:s12], $0x4000  }
0x3e: {  	[sflag:s12] =	ssyncset.done $0x0  }
0x3f: {  	[sflag:s12] =	ssyncadd.s32 $0xFFFFC000  }
0x40: {  	[spmem:s3] =	stream.indirect.scatter.add.f32 [tilespmem:s14], [sflag:$0x1], $0x80, s13, s13, $0xb8;
	[tilespmem:$0x18100] =	vst v63  }
0x41: {  	_ =	swait.ge [sflag:s12], $0x4000  }
0x42: {  	s15 =	sadd.s32 $0x1, s15;
	[sflag:s12] =	ssyncset.done $0x0  }
0x43: {  	p0 =	sne.s32 s15, s8;
	[sflag:s12] =	ssyncadd.s32 $0xFFFFC000  }
.Ltmp1:
0x44: {  	[bflag:$0x0] =	sbarrier.arrive $0xFFFF;
	(pc) =	sbr.rel @p0 .LBB2_1-.Ltmp1, $4  }
0x45: {  	[hbm:s7], [sflag:s6] =	dma.local [spmem:s11], $0x2800  }
0x46: {  	_ =	swait.ge [sflag:s12], $0x2800  }
0x47: {  	[sflag:s12] =	ssyncset.done $0x0  }
0x48: {  	[sflag:s12] =	ssyncadd.s32 $0xFFFFD800  }
0x49: {  	_ =	sfence.sel $0x180000  }
0x4a: {  	[bflag:$0x0] =	sbarrier.arrive $0xFFFF  }
0x4b: {  	p0 =	sne.s32 s0, $0x0;
	_ =	strace $0x9000004A  }
0x4c: {  	s0 =	sadd.s32 @!p0 $0x100000, s1;
	[bflag:$0x2] =	sbarrier.arrive $0xFFFF  }
0x4d: {  	[sflag:s0] =	ssyncadd.tile.s32 @!p0 $0x1;
	_ =	shalt  }
.Lfunc_end2:
_tile_overlayer_lowered:
.L_overlay_start_2:
0x4e: {  	(tag) =	ssettag $0x2  }
0x4f: {  	s0 =	rddreg [dreg:$0x0];
	s2 =	stileid.u32  }
0x50: {  	s1 =	rddreg [dreg:$0x1];
	p0 =	sne.s32 s2, $0x0  }
0x51: {  	s3 =	rddreg [dreg:$0x2];
	[bflag:$0x3] =	sbarrier.arrive $0xFFFF;
	s2 =	simm.s32 @!p0 $0x1C01  }
0x52: {  	[timem:s3], [sflag:s2] =	dma.local @!p0 [hbm:s0], s1  }
0x53: {  	s0 =	simm.s32 @!p0 $0x1  }
0x54: {  	_ =	swait.ge @!p0 [sflag:s0], s1  }
0x55: {  	s1 =	ssub.s32 @!p0 $0x0, s1;
	[sflag:s0] =	ssyncset.done @!p0 $0x0  }
0x56: {  	[sflag:s0] =	ssyncadd.s32 @!p0 s1  }
0x57: {  	[bflag:$0x3] =	sbarrier.arrive $0xFFFF  }
0x58: {  	_ =	shalt  }

// kernel: kernel.19.cloned.1.call-start
scs
__scs_entry_jumppad:
0x0: {  	(pc) =	sbr.rel $0x88, $3  }
0x1: {  	(tag) =	ssettag $0x0;
	lr =	simm.s32 $0x1  }
0x2: {  	[smem:$0x3F8C] =	sst lr;
	_ =	strace $0xD0000000  }
0x3: {  	_ = 	snop  }
0x4: {  	_ = 	snop  }
0x5: {  	_ = 	snop  }
0x6: {  	_ = 	snop  }
0x7: {  	_ = 	snop  }
__scs_overlays_trampoline_lowered:
0x8: {  	[smem:$0x3F9B] =	sst s0  }
0x9: {  	[smem:$0x3F9C] =	sst s1  }
0xa: {  	[smem:$0x3F9D] =	sst s2  }
0xb: {  	[smem:$0x3F9E] =	sst s3  }
0xc: {  	[smem:$0x3F9F] =	sst s4  }
0xd: {  	[smem:$0x3FA0] =	sst s5  }
0xe: {  	[smem:$0x3FA1] =	sst s6  }
0xf: {  	[smem:$0x3FA2] =	sst s7  }
0x10: {  	[smem:$0x3FA3] =	sst s8  }
0x11: {  	[smem:$0x3FA4] =	sst s9;
	s0 =	simm.s32 @!p0 $0x0  }
0x12: {  	s1 =	sld [smem:$0x3F8A];
	s0 =	simm.s32 @p0 $0x1  }
0x13: {  	[smem:$0x3FA5] =	sst s0;
	s0 =	simm.s32 @!p1 $0x0  }
0x14: {  	s2 =	sld [smem:$0x3F89];
	s0 =	simm.s32 @p1 $0x1  }
0x15: {  	[smem:$0x3FA6] =	sst s0;
	s0 =	simm.s32 @!p2 $0x0  }
0x16: {  	s3 =	sld [smem:$0x3FDB];
	s0 =	simm.s32 @p2 $0x1  }
0x17: {  	s4 =	simm.s32 $0x1BF5;
	[smem:$0x3FA8] =	sst s0  }
0x18: {  	s0 =	sld [smem:$0x3F8B];
	_ =	swait.ge [sflag:s4], $0x0  }
0x19: {  	s7 =	sld [smem:$0x3F8C]  }
0x1a: {  	s8 =	sadd.s32 $0xFFFFE003, lr  }
0x1b: {  	s9 =	sadd.s32 $0xFFFFFEF7, lr;
	s5 =	simm.s32 $0xFFFFFFFF;
	p2 =	slt.u32 s8, $0xFFFFF086  }
0x1c: {  	p1 =	slt.u32 s9, $0xF7A;
	s5 =	simm.s32 @!p2 $0x0  }
0x1d: {  	s5 =	simm.s32 @p1 $0x1;
	p0 =	seq.s32 s7, s2  }
0x1e: {  	s7 =	smul.u32 @!p0 $0xF7A, s2;
	p2 =	seq.s32 @!p0 s5, $0x0  }
0x1f: {  	s9 =	smul.u32 $0xF7A, s1;
	s8 =	simm.s32 @!p0 $0x1BF5;
	p2 =	por !p2, p0  }
0x20: {  	[sflag:s8] =	ssyncset.s32 @!p0 $0xFFFFF086;
	s6 =	sadd.s32 @!p0 s3, s7;
	s7 =	simm.s32 @!p0 $0x108  }
0x21: {  	s3 =	sadd.s32 s3, s9;
	s6 =	sadd.s32 @!p0 $0x88, s6;
	s7 =	simm.s32 @p2 $0x1082  }
0x22: {  	[simem:s7], [sflag:s8] =	dma.local @!p0 [hbm:s6], $0xF7A  }
0x23: {  	s9 =	sor.u32 $0xD0000000, s2;
	s6 =	simm.s32 $0x108;
	_ =	swait.ge @!p0 [sflag:s8], $0x0  }
0x24: {  	s3 =	sadd.s32 $0x88, s3;
	s6 =	simm.s32 @!p1 $0x1082;
	[sflag:s4] =	ssyncset.s32 $0xFFFFF086  }
0x25: {  	[simem:s6], [sflag:s4] =	dma.local [hbm:s3], $0xF7A  }
0x26: {  	[smem:$0x3F8C] =	sst s1;
	(tag) =	ssettag s2;
	_ =	strace s9  }
0x27: {  	s1 =	sld [smem:$0x3F9C]  }
0x28: {  	s2 =	sld [smem:$0x3F9D]  }
0x29: {  	s4 =	sld [smem:$0x3F9F]  }
0x2a: {  	p0 =	seq.s32 s5, $0x0;
	s5 =	sld [smem:$0x3FA0]  }
0x2b: {  	s6 =	sld [smem:$0x3FA1]  }
0x2c: {  	s7 =	sld [smem:$0x3FA2]  }
0x2d: {  	s3 =	simm.s32 $0x108;
	s8 =	sld [smem:$0x3FA3]  }
0x2e: {  	s3 =	simm.s32 @!p0 $0x1082;
	s9 =	sld [smem:$0x3FA4]  }
0x2f: {  	lr =	sadd.s32 s0, s3;
	s0 =	sld [smem:$0x3F9B]  }
0x30: {  	s3 =	sld [smem:$0x3F9E]  }
0x31: {  	[smem:$0x3FA7] =	sst s10  }
0x32: {  	s10 =	sld [smem:$0x3FA5];
	_ =	sdelay $0x3  }
0x33: {  	p0 =	seq.s32 s10, $0x1;
	s10 =	sld [smem:$0x3FA7];
	_ =	sdelay $0x3  }
0x34: {  	[smem:$0x3FA7] =	sst s10  }
0x35: {  	s10 =	sld [smem:$0x3FA6];
	_ =	sdelay $0x3  }
0x36: {  	p1 =	seq.s32 s10, $0x1;
	s10 =	sld [smem:$0x3FA7];
	_ =	sdelay $0x3  }
0x37: {  	[smem:$0x3FA7] =	sst s10  }
0x38: {  	s10 =	sld [smem:$0x3FA8]  }
0x39: {  	_ = 	snop;
	(pc) =	sbr.ind lr, $3  }
0x3a: {  	_ = 	snop  }
0x3b: {  	_ = 	snop  }
0x3c: {  	p2 =	seq.s32 s10, $0x1;
	s10 =	sld [smem:$0x3FA7]  }
0x3d: {  	_ =	shalt  }
0x3e: {  	_ =	shalt  }
0x3f: {  	_ =	shalt  }
0x40: {  	_ =	shalt  }
0x41: {  	_ =	shalt  }
0x42: {  	_ =	shalt  }
0x43: {  	_ =	shalt  }
0x44: {  	_ =	shalt  }
0x45: {  	_ =	shalt  }
0x46: {  	_ =	shalt  }
0x47: {  	_ =	shalt  }
0x48: {  	_ =	shalt  }
0x49: {  	_ =	shalt  }
0x4a: {  	_ =	shalt  }
0x4b: {  	_ =	shalt  }
0x4c: {  	_ =	shalt  }
0x4d: {  	_ =	shalt  }
0x4e: {  	_ =	shalt  }
0x4f: {  	_ =	shalt  }
0x50: {  	_ =	shalt  }
0x51: {  	_ =	shalt  }
0x52: {  	_ =	shalt  }
0x53: {  	_ =	shalt  }
0x54: {  	_ =	shalt  }
0x55: {  	_ =	shalt  }
0x56: {  	_ =	shalt  }
0x57: {  	_ =	shalt  }
0x58: {  	_ =	shalt  }
0x59: {  	_ =	shalt  }
0x5a: {  	_ =	shalt  }
0x5b: {  	_ =	shalt  }
0x5c: {  	_ =	shalt  }
0x5d: {  	_ =	shalt  }
0x5e: {  	_ =	shalt  }
0x5f: {  	_ =	shalt  }
0x60: {  	_ =	shalt  }
0x61: {  	_ =	shalt  }
0x62: {  	_ =	shalt  }
0x63: {  	_ =	shalt  }
0x64: {  	_ =	shalt  }
0x65: {  	_ =	shalt  }
0x66: {  	_ =	shalt  }
0x67: {  	_ =	shalt  }
0x68: {  	_ =	shalt  }
0x69: {  	_ =	shalt  }
0x6a: {  	_ =	shalt  }
0x6b: {  	_ =	shalt  }
0x6c: {  	_ =	shalt  }
0x6d: {  	_ =	shalt  }
0x6e: {  	_ =	shalt  }
0x6f: {  	_ =	shalt  }
0x70: {  	_ =	shalt  }
0x71: {  	_ =	shalt  }
0x72: {  	_ =	shalt  }
0x73: {  	_ =	shalt  }
0x74: {  	_ =	shalt  }
0x75: {  	_ =	shalt  }
0x76: {  	_ =	shalt  }
0x77: {  	_ =	shalt  }
0x78: {  	_ =	shalt  }
0x79: {  	_ =	shalt  }
0x7a: {  	_ =	shalt  }
0x7b: {  	_ =	shalt  }
0x7c: {  	_ =	shalt  }
0x7d: {  	_ =	shalt  }
0x7e: {  	_ =	shalt  }
0x7f: {  	_ =	shalt  }
0x80: {  	_ =	shalt  }
0x81: {  	_ =	shalt  }
0x82: {  	_ =	shalt  }
0x83: {  	_ =	shalt  }
0x84: {  	_ =	shalt  }
0x85: {  	_ =	shalt  }
0x86: {  	_ =	shalt  }
0x87: {  	_ =	shalt  }
.Lfunc_end0:
.L_simem_size_0:
called_computation.2_lowered:
.L_overlay_start_0:
0x88: {  	s2 =	sld [smem:$0x3FD9]  }
0x89: {  	s3 =	sld [smem:$0x3FFE];
	_ =	sdelay $0x1  }
0x8a: {  	s1 =	srdreg.scid  }
0x8b: {  	s0 =	sand.u32 $0x1, s1  }
0x8c: {  	s14 =	sshll.u32 s0, $0xA;
	s2 =	sadd.s32 s3, s2  }
0x8d: {  	s2 =	sadd.s32 s2, s14  }
0x8e: {  	[smem:$0x3FB3] =	sst s2  }
0x8f: {  	_ = 	snop  }
0x90: {  	s2 =	sld [smem:$0x3FD0];
	_ =	sdelay $0x2  }
0x91: {  	s15 =	simm.s32 $0xA;
	s4 =	simm.s32 $0x10  }
0x92: {  	[smem:s4], [sflag:s15] =	dma.local [hbm:s2], $0x1  }
0x93: {  	_ =	swait.eq [sflag:s15], $0x1  }
0x94: {  	[sflag:s15] =	ssyncset.done $0x0  }
0x95: {  	[sflag:s15] =	ssyncadd.s32 $0xFFFFFFFF  }
0x96: {  	s16 =	sld [smem:$0x10];
	(tm) =	ssettm $0x1  }
0x97: {  	s17 =	sld [smem:$0x3FFB];
	_ =	sdelay $0x3  }
0x98: {  	_ =	strace s17  }
0x99: {  	s3 =	sld [smem:$0x3FFC];
	_ =	sdelay $0x3  }
0x9a: {  	_ =	strace s3  }
0x9b: {  	s3 =	sld [smem:$0x3FFD];
	_ =	sdelay $0x3  }
0x9c: {  	_ =	strace s3  }
0x9d: {  	_ =	strace $0x8FFFFFFF  }
0x9e: {  	s18 =	sld [smem:$0x3FDB];
	_ =	sdelay $0x1  }
0x9f: {  	s19 =	simm.s32 $_scs_section_size  }
0xa0: {  	s5 =	simm.s32 $_size__tile_overlayer_lowered;
	s6 =	simm.s32 $_tile_overlayer_lowered  }
0xa1: {  	s22 =	simm.s32 $0x1BFF;
	s21 =	sshll.u32 s6, $0x1;
	s3 =	sadd.s32 s19, s18  }
0xa2: {  	s7 =	simm.s32 $0x0;
	s20 =	sshll.u32 s5, $0x1;
	s5 =	sadd.s32 s21, s3  }
0xa3: {  	[timem:s7], [sflag:s22] =	dma.local [hbm:s5], s20  }
0xa4: {  	_ =	swait.ge [sflag:s22], s20  }
0xa5: {  	s4 =	ssub.s32 $0x0, s20;
	[sflag:s22] =	ssyncset.done $0x0  }
0xa6: {  	[sflag:s22] =	ssyncadd.s32 s4;
	_ =	sdelay $0x1  }
0xa7: {  	s23 =	simm.s32 $0x1B8B  }
0xa8: {  	_ =	swait.ge [sflag:s23], $0x1  }
0xa9: {  	[sflag:s23] =	ssyncset.done $0x0  }
0xaa: {  	s25 =	simm.s32 $0x1B8E;
	s24 =	sld [smem:$0x3FFE];
	[sflag:s23] =	ssyncadd.s32 $0xFFFFFFFF  }
0xab: {  	s26 =	simm.s32 $execute0_lowered;
	[smem:$0x3FD2] =	sst s25  }
0xac: {  	s5 =	sshll.u32 s26, $0x1;
	_ =	strace $0x8000004C;
	[dreg:$0x1] =	wrdreg $0xFFFFFFFF  }
0xad: {  	s28 =	simm.s32 $_size_execute0_lowered;
	s3 =	sadd.s32 s3, s5;
	[dreg:$0x0] =	wrdreg $0x0  }
0xae: {  	s5 =	sshll.u32 s28, $0x1;
	[dreg:$0x2] =	wrdreg s3  }
0xaf: {  	[dreg:$0x3] =	wrdreg s5  }
0xb0: {  	[dreg:$0x4] =	wrdreg $0xC0  }
0xb1: {  	_ =	task [dreg:s7], $0x5FFFF  }
0xb2: {  	[dreg:$0x1] =	wrdreg $0xFFFFFFFF  }
0xb3: {  	[dreg:$0x0] =	wrdreg $0x60  }
0xb4: {  	[dreg:$0x2] =	wrdreg s24  }
0xb5: {  	[dreg:$0x3] =	wrdreg s16  }
0xb6: {  	[dreg:$0x4] =	wrdreg $0x41000  }
0xb7: {  	[dreg:$0x5] =	wrdreg $0x9  }
0xb8: {  	_ =	task.clear_ibuf [dreg:s7], $0x6FFFF;
	_ =	strace $0x9000004C  }
0xb9: {  	s29 =	simm.s32 $0x9;
	_ =	strace $0x8000004E  }
0xba: {  	_ =	swait.ge [sflag:s29], $0x1  }
0xbb: {  	[sflag:s29] =	ssyncadd.s32 $0xFFFFFFFF  }
0xbc: {  	_ =	strace $0x9000004E  }
0xbd: {  	_ =	sfence  }
0xbe: {  	s30 =	sld [smem:$0x0];
	_ =	sdelay $0x2  }
0xbf: {  	s31 =	sshll.u32 s1, $0xD;
	s1 =	sshrl.u32 s1, $0x2  }
0xc0: {  	s3 =	sand.u32 $0x4000, s31;
	s1 =	sadd.s32 s1, s30  }
0xc1: {  	s0 =	sor.u32 s3, s0;
	s1 =	sshll.u32 s1, $0x11  }
0xc2: {  	s0 =	sor.u32 s1, s0  }
0xc3: {  	s0 =	sadd.s32 $0x8F2B, s0  }
0xc4: {  	[sflag:s0] =	ssyncadd.remote.s32 $0x1  }
0xc5: {  	_ =	sfence.sel $0xFFFF  }
0xc6: {  	[dreg:$0x0] =	wrdreg $0xFFFFFFFF;
	(pc) =	sbr.abs _section_cstart, $3  }
0xc7: {  	[dreg:$0x1] =	wrdreg $0xFFFFFFFF  }
0xc8: {  	_ =	task.clear_ibuf [dreg:s7], $0x2FFFF;
	_ =	strace $0x9FFFFFFF  }
0xc9: {  	(tm) =	ssettm $0x7FFFFFFF  }
tec
execute0_lowered:
.L_overlay_start_1:
0x0: {  	(tag) =	ssettag $0x1  }
0x1: {  	s6 =	rddreg [dreg:$0x0]  }
0x2: {  	s2 =	rddreg [dreg:$0x1]  }
0x3: {  	s3 =	rddreg [dreg:$0x2]  }
0x4: {  	s0 =	rddreg [dreg:$0x3]  }
0x5: {  	s1 =	stileid.u32;
	s7 =	srdreg.scid  }
0x6: {  	s4 =	simm.s32 $0x0;
	s13 =	simm.s32 $0x80;
	s5 =	smul.u32 $0x500, s1  }
0x7: {  	s14 =	simm.s32 $0x100;
	s15 =	simm.s32 $0x0;
	s8 =	smul.u32 $0x2800, s1  }
0x8: {  	s7 =	sand.u32 $0x1, s7;
	[smem:$0x7FF] =	sst s4;
	s11 =	smul.u32 $0x50000, s1  }
0x9: {  	s31 =	sshll.u32 s1, $0x6;
	s9 =	smul.u32 $0x28000, s7;
	_ =	strace $0x8000004D  }
0xa: {  	s28 =	ssub.s32 $0x2, s7;
	s7 =	smul.u32 $0x280, s7;
	s10 =	sadd.s32 s5, s6  }
0xb: {  	s5 =	sadd.s32 $0x10600, s6;
	s29 =	sshrl.u32 s28, $0x1;
	s30 =	sshrl.u32 s11, $0x2  }
0xc: {  	s8 =	sadd.s32 s8, s9;
	s9 =	ssub.s32 s28, s29;
	s12 =	sadd.s32 s30, s3  }
0xd: {  	s10 =	sadd.s32 s7, s10;
	s8 =	sadd.s32 s8, s6;
	s6 =	sor.u32 $0x1C01, s31  }
0xe: {  	s11 =	sshrl.u32 s12, $0x3;
	s12 =	simm.s32 $0x1;
	s7 =	sadd.s32 $0x12E00, s8  }
0xf: {  	s8 =	smax.u32 s9, $0x1;
	s9 =	sadd.s32 $0xB600, s10;
	s10 =	sadd.s32 $0x6600, s10  }
.LBB2_1:
0x10: {  	[spmem:s11], [sflag:s6] =	dma.local [hbm:s5], $0x2800  }
0x11: {  	_ =	swait.ge [sflag:s12], $0x2800  }
0x12: {  	[sflag:s12] =	ssyncset.done $0x0  }
0x13: {  	[sflag:s12] =	ssyncadd.s32 $0xFFFFD800  }
0x14: {  	s16 =	sadd.s32 $0x0, s10;
	[bflag:$0x0] =	sbarrier.arrive $0xFFFF  }
0x15: {  	[tilespmem:s4], [sflag:$0x1] =	stream.linear.gather [hbm4b:s16+s4], $0x80, $0x38;
	[tilespmem:$0x18100] =	vst v63  }
0x16: {  	_ =	swait.ge [sflag:s12], $0x80  }
0x17: {  	[sflag:s12] =	ssyncset.done $0x0  }
0x18: {  	s31 =	sadd.s32 $0x0, s9;
	[sflag:s12] =	ssyncadd.s32 $0xFFFFFF80  }
0x19: {  	[tilespmem:s13], [sflag:$0x1] =	stream.linear.gather [hbm4b:s31+s4], $0x80, $0x38;
	[tilespmem:$0x18100] =	vst v63  }
0x1a: {  	_ =	swait.ge [sflag:s12], $0x80  }
0x1b: {  	[sflag:s12] =	ssyncset.done $0x0  }
0x1c: {  	[sflag:s12] =	ssyncadd.s32 $0xFFFFFF80  }
0x1d: {  	[tilespmem:s14], [sflag:$0x1] =	stream.indirect.gather [hbm4b:s2+s13], $0x80, s4, s13, $0xb8;
	[tilespmem:$0x18100] =	vst v63  }
0x1e: {  	_ =	swait.ge [sflag:s12], $0x4000  }
0x1f: {  	[sflag:s12] =	ssyncset.done $0x0  }
0x20: {  	[sflag:s12] =	ssyncadd.s32 $0xFFFFC000  }
0x21: {  	[spmem:s3] =	stream.indirect.scatter.add.f32 [tilespmem:s14], [sflag:$0x1], $0x80, s13, s13, $0xb8;
	[tilespmem:$0x18100] =	vst v63  }
0x22: {  	_ =	swait.ge [sflag:s12], $0x4000  }
0x23: {  	s17 =	simm.s32 $0x20;
	s16 =	simm.s32 $0x10;
	[sflag:s12] =	ssyncset.done $0x0  }
.LBB2_2:
0x24: {  	s18 =	sadd.s32 s16, s10  }
0x25: {  	[sflag:s12] =	ssyncadd.s32 $0xFFFFC000;
	s19 =	smov.u32 s17;
	s20 =	sadd.s32 $0x10, s17  }
0x26: {  	[tilespmem:s4], [sflag:$0x1] =	stream.linear.gather [hbm4b:s18+s4], $0x80, $0x38;
	[tilespmem:$0x18100] =	vst v63  }
0x27: {  	p0 =	sne.s32 s17, $0x270;
	_ =	swait.ge [sflag:s12], $0x80  }
0x28: {  	[sflag:s12] =	ssyncset.done $0x0  }
0x29: {  	s17 =	sadd.s32 s16, s9;
	s16 =	smov.u32 s19;
	[sflag:s12] =	ssyncadd.s32 $0xFFFFFF80  }
0x2a: {  	[tilespmem:s13], [sflag:$0x1] =	stream.linear.gather [hbm4b:s17+s4], $0x80, $0x38;
	[tilespmem:$0x18100] =	vst v63  }
0x2b: {  	_ =	swait.ge [sflag:s12], $0x80  }
0x2c: {  	[sflag:s12] =	ssyncset.done $0x0  }
0x2d: {  	[sflag:s12] =	ssyncadd.s32 $0xFFFFFF80  }
0x2e: {  	[tilespmem:s14], [sflag:$0x1] =	stream.indirect.gather [hbm4b:s2+s13], $0x80, s4, s13, $0xb8;
	[tilespmem:$0x18100] =	vst v63  }
0x2f: {  	_ =	swait.ge [sflag:s12], $0x4000  }
.Ltmp0:
0x30: {  	[sflag:s12] =	ssyncset.done $0x0;
	(pc) =	sbr.rel @p0 .LBB2_2-.Ltmp0, $4  }
0x31: {  	[sflag:s12] =	ssyncadd.s32 $0xFFFFC000  }
0x32: {  	[spmem:s3] =	stream.indirect.scatter.add.f32 [tilespmem:s14], [sflag:$0x1], $0x80, s13, s13, $0xb8;
	[tilespmem:$0x18100] =	vst v63  }
0x33: {  	_ =	swait.ge [sflag:s12], $0x4000  }
0x34: {  	s17 =	smov.u32 s20;
	[sflag:s12] =	ssyncset.done $0x0  }
0x35: {  	s17 =	sadd.s32 s16, s10;
	[sflag:s12] =	ssyncadd.s32 $0xFFFFC000  }
0x36: {  	[tilespmem:s4], [sflag:$0x1] =	stream.linear.gather [hbm4b:s17+s4], $0x80, $0x38;
	[tilespmem:$0x18100] =	vst v63  }
0x37: {  	_ =	swait.ge [sflag:s12], $0x80  }
0x38: {  	[sflag:s12] =	ssyncset.done $0x0  }
0x39: {  	s31 =	sadd.s32 s16, s9;
	[sflag:s12] =	ssyncadd.s32 $0xFFFFFF80  }
0x3a: {  	[tilespmem:s13], [sflag:$0x1] =	stream.linear.gather [hbm4b:s31+s4], $0x80, $0x38;
	[tilespmem:$0x18100] =	vst v63  }
0x3b: {  	_ =	swait.ge [sflag:s12], $0x80  }
0x3c: {  	[sflag:s12] =	ssyncset.done $0x0  }
0x3d: {  	[sflag:s12] =	ssyncadd.s32 $0xFFFFFF80  }
0x3e: {  	[tilespmem:s14], [sflag:$0x1] =	stream.indirect.gather [hbm4b:s2+s13], $0x80, s4, s13, $0xb8;
	[tilespmem:$0x18100] =	vst v63  }
0x3f: {  	_ =	swait.ge [sflag:s12], $0x4000  }
0x40: {  	[sflag:s12] =	ssyncset.done $0x0  }
0x41: {  	[sflag:s12] =	ssyncadd.s32 $0xFFFFC000  }
0x42: {  	[spmem:s3] =	stream.indirect.scatter.add.f32 [tilespmem:s14], [sflag:$0x1], $0x80, s13, s13, $0xb8;
	[tilespmem:$0x18100] =	vst v63  }
0x43: {  	_ =	swait.ge [sflag:s12], $0x4000  }
0x44: {  	s15 =	sadd.s32 $0x1, s15;
	[sflag:s12] =	ssyncset.done $0x0  }
0x45: {  	p0 =	sne.s32 s15, s8;
	[sflag:s12] =	ssyncadd.s32 $0xFFFFC000  }
.Ltmp1:
0x46: {  	[bflag:$0x0] =	sbarrier.arrive $0xFFFF;
	(pc) =	sbr.rel @p0 .LBB2_1-.Ltmp1, $4  }
0x47: {  	[hbm:s7], [sflag:s6] =	dma.local [spmem:s11], $0x2800  }
0x48: {  	_ =	swait.ge [sflag:s12], $0x2800  }
0x49: {  	[sflag:s12] =	ssyncset.done $0x0  }
0x4a: {  	[sflag:s12] =	ssyncadd.s32 $0xFFFFD800  }
0x4b: {  	_ =	sfence.sel $0x180000  }
0x4c: {  	[bflag:$0x0] =	sbarrier.arrive $0xFFFF  }
0x4d: {  	p0 =	sne.s32 s1, $0x0;
	_ =	strace $0x9000004D  }
0x4e: {  	s0 =	sadd.s32 @!p0 $0x100000, s0;
	[bflag:$0x2] =	sbarrier.arrive $0xFFFF  }
0x4f: {  	[sflag:s0] =	ssyncadd.tile.s32 @!p0 $0x1;
	_ =	shalt  }
.Lfunc_end2:
_tile_overlayer_lowered:
.L_overlay_start_2:
0x50: {  	(tag) =	ssettag $0x2  }
0x51: {  	s0 =	rddreg [dreg:$0x0];
	s2 =	stileid.u32  }
0x52: {  	s1 =	rddreg [dreg:$0x1];
	p0 =	sne.s32 s2, $0x0  }
0x53: {  	s3 =	rddreg [dreg:$0x2];
	[bflag:$0x3] =	sbarrier.arrive $0xFFFF;
	s2 =	simm.s32 @!p0 $0x1C01  }
0x54: {  	[timem:s3], [sflag:s2] =	dma.local @!p0 [hbm:s0], s1  }
0x55: {  	s0 =	simm.s32 @!p0 $0x1  }
0x56: {  	_ =	swait.ge @!p0 [sflag:s0], s1  }
0x57: {  	s1 =	ssub.s32 @!p0 $0x0, s1;
	[sflag:s0] =	ssyncset.done @!p0 $0x0  }
0x58: {  	[sflag:s0] =	ssyncadd.s32 @!p0 s1  }
0x59: {  	[bflag:$0x3] =	sbarrier.arrive $0xFFFF  }
0x5a: {  	_ =	shalt  }

// kernel: kernel.22.cloned.1.call-start
scs
__scs_entry_jumppad:
0x0: {  	(pc) =	sbr.rel $0x88, $3  }
0x1: {  	(tag) =	ssettag $0x0;
	lr =	simm.s32 $0x1  }
0x2: {  	[smem:$0x3F8C] =	sst lr;
	_ =	strace $0xD0000000  }
0x3: {  	_ = 	snop  }
0x4: {  	_ = 	snop  }
0x5: {  	_ = 	snop  }
0x6: {  	_ = 	snop  }
0x7: {  	_ = 	snop  }
__scs_overlays_trampoline_lowered:
0x8: {  	[smem:$0x3F9B] =	sst s0  }
0x9: {  	[smem:$0x3F9C] =	sst s1  }
0xa: {  	[smem:$0x3F9D] =	sst s2  }
0xb: {  	[smem:$0x3F9E] =	sst s3  }
0xc: {  	[smem:$0x3F9F] =	sst s4  }
0xd: {  	[smem:$0x3FA0] =	sst s5  }
0xe: {  	[smem:$0x3FA1] =	sst s6  }
0xf: {  	[smem:$0x3FA2] =	sst s7  }
0x10: {  	[smem:$0x3FA3] =	sst s8  }
0x11: {  	[smem:$0x3FA4] =	sst s9;
	s0 =	simm.s32 @!p0 $0x0  }
0x12: {  	s1 =	sld [smem:$0x3F8A];
	s0 =	simm.s32 @p0 $0x1  }
0x13: {  	[smem:$0x3FA5] =	sst s0;
	s0 =	simm.s32 @!p1 $0x0  }
0x14: {  	s2 =	sld [smem:$0x3F89];
	s0 =	simm.s32 @p1 $0x1  }
0x15: {  	[smem:$0x3FA6] =	sst s0;
	s0 =	simm.s32 @!p2 $0x0  }
0x16: {  	s3 =	sld [smem:$0x3FDB];
	s0 =	simm.s32 @p2 $0x1  }
0x17: {  	s4 =	simm.s32 $0x1BF5;
	[smem:$0x3FA8] =	sst s0  }
0x18: {  	s0 =	sld [smem:$0x3F8B];
	_ =	swait.ge [sflag:s4], $0x0  }
0x19: {  	s7 =	sld [smem:$0x3F8C]  }
0x1a: {  	s8 =	sadd.s32 $0xFFFFE003, lr  }
0x1b: {  	s9 =	sadd.s32 $0xFFFFFEF7, lr;
	s5 =	simm.s32 $0xFFFFFFFF;
	p2 =	slt.u32 s8, $0xFFFFF086  }
0x1c: {  	p1 =	slt.u32 s9, $0xF7A;
	s5 =	simm.s32 @!p2 $0x0  }
0x1d: {  	s5 =	simm.s32 @p1 $0x1;
	p0 =	seq.s32 s7, s2  }
0x1e: {  	s7 =	smul.u32 @!p0 $0xF7A, s2;
	p2 =	seq.s32 @!p0 s5, $0x0  }
0x1f: {  	s9 =	smul.u32 $0xF7A, s1;
	s8 =	simm.s32 @!p0 $0x1BF5;
	p2 =	por !p2, p0  }
0x20: {  	[sflag:s8] =	ssyncset.s32 @!p0 $0xFFFFF086;
	s6 =	sadd.s32 @!p0 s3, s7;
	s7 =	simm.s32 @!p0 $0x108  }
0x21: {  	s3 =	sadd.s32 s3, s9;
	s6 =	sadd.s32 @!p0 $0x88, s6;
	s7 =	simm.s32 @p2 $0x1082  }
0x22: {  	[simem:s7], [sflag:s8] =	dma.local @!p0 [hbm:s6], $0xF7A  }
0x23: {  	s9 =	sor.u32 $0xD0000000, s2;
	s6 =	simm.s32 $0x108;
	_ =	swait.ge @!p0 [sflag:s8], $0x0  }
0x24: {  	s3 =	sadd.s32 $0x88, s3;
	s6 =	simm.s32 @!p1 $0x1082;
	[sflag:s4] =	ssyncset.s32 $0xFFFFF086  }
0x25: {  	[simem:s6], [sflag:s4] =	dma.local [hbm:s3], $0xF7A  }
0x26: {  	[smem:$0x3F8C] =	sst s1;
	(tag) =	ssettag s2;
	_ =	strace s9  }
0x27: {  	s1 =	sld [smem:$0x3F9C]  }
0x28: {  	s2 =	sld [smem:$0x3F9D]  }
0x29: {  	s4 =	sld [smem:$0x3F9F]  }
0x2a: {  	p0 =	seq.s32 s5, $0x0;
	s5 =	sld [smem:$0x3FA0]  }
0x2b: {  	s6 =	sld [smem:$0x3FA1]  }
0x2c: {  	s7 =	sld [smem:$0x3FA2]  }
0x2d: {  	s3 =	simm.s32 $0x108;
	s8 =	sld [smem:$0x3FA3]  }
0x2e: {  	s3 =	simm.s32 @!p0 $0x1082;
	s9 =	sld [smem:$0x3FA4]  }
0x2f: {  	lr =	sadd.s32 s0, s3;
	s0 =	sld [smem:$0x3F9B]  }
0x30: {  	s3 =	sld [smem:$0x3F9E]  }
0x31: {  	[smem:$0x3FA7] =	sst s10  }
0x32: {  	s10 =	sld [smem:$0x3FA5];
	_ =	sdelay $0x3  }
0x33: {  	p0 =	seq.s32 s10, $0x1;
	s10 =	sld [smem:$0x3FA7];
	_ =	sdelay $0x3  }
0x34: {  	[smem:$0x3FA7] =	sst s10  }
0x35: {  	s10 =	sld [smem:$0x3FA6];
	_ =	sdelay $0x3  }
0x36: {  	p1 =	seq.s32 s10, $0x1;
	s10 =	sld [smem:$0x3FA7];
	_ =	sdelay $0x3  }
0x37: {  	[smem:$0x3FA7] =	sst s10  }
0x38: {  	s10 =	sld [smem:$0x3FA8]  }
0x39: {  	_ = 	snop;
	(pc) =	sbr.ind lr, $3  }
0x3a: {  	_ = 	snop  }
0x3b: {  	_ = 	snop  }
0x3c: {  	p2 =	seq.s32 s10, $0x1;
	s10 =	sld [smem:$0x3FA7]  }
0x3d: {  	_ =	shalt  }
0x3e: {  	_ =	shalt  }
0x3f: {  	_ =	shalt  }
0x40: {  	_ =	shalt  }
0x41: {  	_ =	shalt  }
0x42: {  	_ =	shalt  }
0x43: {  	_ =	shalt  }
0x44: {  	_ =	shalt  }
0x45: {  	_ =	shalt  }
0x46: {  	_ =	shalt  }
0x47: {  	_ =	shalt  }
0x48: {  	_ =	shalt  }
0x49: {  	_ =	shalt  }
0x4a: {  	_ =	shalt  }
0x4b: {  	_ =	shalt  }
0x4c: {  	_ =	shalt  }
0x4d: {  	_ =	shalt  }
0x4e: {  	_ =	shalt  }
0x4f: {  	_ =	shalt  }
0x50: {  	_ =	shalt  }
0x51: {  	_ =	shalt  }
0x52: {  	_ =	shalt  }
0x53: {  	_ =	shalt  }
0x54: {  	_ =	shalt  }
0x55: {  	_ =	shalt  }
0x56: {  	_ =	shalt  }
0x57: {  	_ =	shalt  }
0x58: {  	_ =	shalt  }
0x59: {  	_ =	shalt  }
0x5a: {  	_ =	shalt  }
0x5b: {  	_ =	shalt  }
0x5c: {  	_ =	shalt  }
0x5d: {  	_ =	shalt  }
0x5e: {  	_ =	shalt  }
0x5f: {  	_ =	shalt  }
0x60: {  	_ =	shalt  }
0x61: {  	_ =	shalt  }
0x62: {  	_ =	shalt  }
0x63: {  	_ =	shalt  }
0x64: {  	_ =	shalt  }
0x65: {  	_ =	shalt  }
0x66: {  	_ =	shalt  }
0x67: {  	_ =	shalt  }
0x68: {  	_ =	shalt  }
0x69: {  	_ =	shalt  }
0x6a: {  	_ =	shalt  }
0x6b: {  	_ =	shalt  }
0x6c: {  	_ =	shalt  }
0x6d: {  	_ =	shalt  }
0x6e: {  	_ =	shalt  }
0x6f: {  	_ =	shalt  }
0x70: {  	_ =	shalt  }
0x71: {  	_ =	shalt  }
0x72: {  	_ =	shalt  }
0x73: {  	_ =	shalt  }
0x74: {  	_ =	shalt  }
0x75: {  	_ =	shalt  }
0x76: {  	_ =	shalt  }
0x77: {  	_ =	shalt  }
0x78: {  	_ =	shalt  }
0x79: {  	_ =	shalt  }
0x7a: {  	_ =	shalt  }
0x7b: {  	_ =	shalt  }
0x7c: {  	_ =	shalt  }
0x7d: {  	_ =	shalt  }
0x7e: {  	_ =	shalt  }
0x7f: {  	_ =	shalt  }
0x80: {  	_ =	shalt  }
0x81: {  	_ =	shalt  }
0x82: {  	_ =	shalt  }
0x83: {  	_ =	shalt  }
0x84: {  	_ =	shalt  }
0x85: {  	_ =	shalt  }
0x86: {  	_ =	shalt  }
0x87: {  	_ =	shalt  }
.Lfunc_end0:
.L_simem_size_0:
called_computation.3_lowered:
.L_overlay_start_0:
0x88: {  	s2 =	sld [smem:$0x3FD9]  }
0x89: {  	s3 =	sld [smem:$0x3FFE];
	_ =	sdelay $0x1  }
0x8a: {  	s1 =	srdreg.scid  }
0x8b: {  	s0 =	sand.u32 $0x1, s1  }
0x8c: {  	s14 =	sshll.u32 s0, $0xA;
	s2 =	sadd.s32 s3, s2  }
0x8d: {  	s2 =	sadd.s32 s2, s14  }
0x8e: {  	[smem:$0x3FB3] =	sst s2  }
0x8f: {  	_ = 	snop  }
0x90: {  	s2 =	sld [smem:$0x3FD0];
	_ =	sdelay $0x2  }
0x91: {  	s15 =	simm.s32 $0xA;
	s4 =	simm.s32 $0x10  }
0x92: {  	[smem:s4], [sflag:s15] =	dma.local [hbm:s2], $0x1  }
0x93: {  	_ =	swait.eq [sflag:s15], $0x1  }
0x94: {  	s16 =	sld [smem:$0x10];
	[sflag:s15] =	ssyncset.done $0x0  }
0x95: {  	s17 =	sld [smem:$0x11];
	[sflag:s15] =	ssyncadd.s32 $0xFFFFFFFF  }
0x96: {  	s18 =	sld [smem:$0x12];
	(tm) =	ssettm $0x1  }
0x97: {  	s5 =	sld [smem:$0x3FFB];
	_ =	sdelay $0x3  }
0x98: {  	_ =	strace s5  }
0x99: {  	s5 =	sld [smem:$0x3FFC];
	_ =	sdelay $0x3  }
0x9a: {  	_ =	strace s5  }
0x9b: {  	s5 =	sld [smem:$0x3FFD];
	_ =	sdelay $0x3  }
0x9c: {  	_ =	strace s5  }
0x9d: {  	_ =	strace $0x8FFFFFFF  }
0x9e: {  	s19 =	sld [smem:$0x3FDB];
	_ =	sdelay $0x1  }
0x9f: {  	s6 =	simm.s32 $_scs_section_size  }
0xa0: {  	s7 =	simm.s32 $_size__tile_overlayer_lowered;
	s8 =	simm.s32 $_tile_overlayer_lowered  }
0xa1: {  	s22 =	simm.s32 $0x1BFF;
	s21 =	sshll.u32 s8, $0x1;
	s5 =	sadd.s32 s6, s19  }
0xa2: {  	s9 =	simm.s32 $0x0;
	s20 =	sshll.u32 s7, $0x1;
	s7 =	sadd.s32 s21, s5  }
0xa3: {  	[timem:s9], [sflag:s22] =	dma.local [hbm:s7], s20  }
0xa4: {  	_ =	swait.ge [sflag:s22], s20  }
0xa5: {  	s6 =	ssub.s32 $0x0, s20;
	[sflag:s22] =	ssyncset.done $0x0  }
0xa6: {  	[sflag:s22] =	ssyncadd.s32 s6;
	_ =	sdelay $0x1  }
0xa7: {  	s23 =	simm.s32 $0x1B8B  }
0xa8: {  	_ =	swait.ge [sflag:s23], $0x1  }
0xa9: {  	[sflag:s23] =	ssyncset.done $0x0  }
0xaa: {  	s25 =	simm.s32 $0x1B8E;
	s24 =	sld [smem:$0x3FFE];
	[sflag:s23] =	ssyncadd.s32 $0xFFFFFFFF  }
0xab: {  	s26 =	simm.s32 $execute0_lowered;
	[smem:$0x3FD2] =	sst s25  }
0xac: {  	s7 =	sshll.u32 s26, $0x1;
	_ =	strace $0x8000004F;
	[dreg:$0x1] =	wrdreg $0xFFFFFFFF  }
0xad: {  	s28 =	simm.s32 $_size_execute0_lowered;
	s5 =	sadd.s32 s5, s7;
	[dreg:$0x0] =	wrdreg $0x0  }
0xae: {  	s7 =	sshll.u32 s28, $0x1;
	[dreg:$0x2] =	wrdreg s5  }
0xaf: {  	[dreg:$0x3] =	wrdreg s7  }
0xb0: {  	[dreg:$0x4] =	wrdreg $0xC0  }
0xb1: {  	_ =	task [dreg:s9], $0x5FFFF  }
0xb2: {  	[dreg:$0x1] =	wrdreg $0xFFFFFFFF  }
0xb3: {  	[dreg:$0x0] =	wrdreg $0x60  }
0xb4: {  	[dreg:$0x2] =	wrdreg s24  }
0xb5: {  	[dreg:$0x3] =	wrdreg s17  }
0xb6: {  	[dreg:$0x4] =	wrdreg s18  }
0xb7: {  	[dreg:$0x5] =	wrdreg s16  }
0xb8: {  	[dreg:$0x6] =	wrdreg $0x41000  }
0xb9: {  	[dreg:$0x7] =	wrdreg $0x9  }
0xba: {  	_ =	task.clear_ibuf [dreg:s9], $0x8FFFF;
	_ =	strace $0x9000004F  }
0xbb: {  	s29 =	simm.s32 $0x9;
	_ =	strace $0x80000051  }
0xbc: {  	_ =	swait.ge [sflag:s29], $0x1  }
0xbd: {  	[sflag:s29] =	ssyncadd.s32 $0xFFFFFFFF  }
0xbe: {  	_ =	strace $0x90000051  }
0xbf: {  	_ =	sfence  }
0xc0: {  	s30 =	sld [smem:$0x0];
	_ =	sdelay $0x2  }
0xc1: {  	s31 =	sshll.u32 s1, $0xD;
	s1 =	sshrl.u32 s1, $0x2  }
0xc2: {  	s3 =	sand.u32 $0x4000, s31;
	s1 =	sadd.s32 s1, s30  }
0xc3: {  	s0 =	sor.u32 s3, s0;
	s1 =	sshll.u32 s1, $0x11  }
0xc4: {  	s0 =	sor.u32 s1, s0  }
0xc5: {  	s0 =	sadd.s32 $0x8F2B, s0  }
0xc6: {  	[sflag:s0] =	ssyncadd.remote.s32 $0x1  }
0xc7: {  	_ =	sfence.sel $0xFFFF  }
0xc8: {  	[dreg:$0x0] =	wrdreg $0xFFFFFFFF;
	(pc) =	sbr.abs _section_cstart, $3  }
0xc9: {  	[dreg:$0x1] =	wrdreg $0xFFFFFFFF  }
0xca: {  	_ =	task.clear_ibuf [dreg:s9], $0x2FFFF;
	_ =	strace $0x9FFFFFFF  }
0xcb: {  	(tm) =	ssettm $0x7FFFFFFF  }
tec
execute0_lowered:
.L_overlay_start_1:
0x0: {  	(tag) =	ssettag $0x1  }
0x1: {  	s7 =	rddreg [dreg:$0x0]  }
0x2: {  	s1 =	rddreg [dreg:$0x1]  }
0x3: {  	s8 =	rddreg [dreg:$0x2]  }
0x4: {  	s3 =	rddreg [dreg:$0x3]  }
0x5: {  	s4 =	rddreg [dreg:$0x4]  }
0x6: {  	s0 =	rddreg [dreg:$0x5]  }
0x7: {  	s2 =	stileid.u32;
	s5 =	simm.s32 $0x0;
	s9 =	srdreg.scid  }
0x8: {  	s18 =	simm.s32 $0x18100;
	s19 =	simm.s32 $0x20;
	s20 =	simm.s32 $0x18180  }
0x9: {  	s21 =	simm.s32 $0x0;
	s6 =	smul.u32 $0x500, s2;
	[smem:$0x7FF] =	sst s5  }
0xa: {  	s9 =	sand.u32 $0x1, s9;
	s10 =	smul.u32 $0x2800, s2;
	s13 =	sshll.u32 s2, $0x1  }
0xb: {  	s16 =	smul.u32 $0x50000, s2;
	s28 =	sshll.u32 s2, $0x6;
	_ =	strace $0x80000050  }
0xc: {  	s11 =	smul.u32 $0x28000, s9;
	s24 =	sor.u32 s9, s13;
	s25 =	ssub.s32 $0x2, s9  }
0xd: {  	s29 =	smul.u32 $0x280, s9;
	s12 =	sadd.s32 s6, s7;
	s6 =	sadd.s32 $0x10600, s7  }
0xe: {  	s14 =	sshll.u32 s24, $0x9;
	s15 =	sshrl.u32 s25, $0x1;
	s26 =	sshrl.u32 s16, $0x2  }
0xf: {  	s30 =	sshll.u32 s24, $0x2;
	s16 =	simm.s32 $0x80;
	s10 =	sadd.s32 s10, s11  }
0x10: {  	s14 =	sadd.s32 s14, s7;
	s13 =	ssub.s32 s25, s15;
	s17 =	sadd.s32 s26, s4  }
0x11: {  	s8 =	sadd.s32 s8, s30;
	s31 =	sadd.s32 s29, s12;
	s15 =	simm.s32 $0x1  }
0x12: {  	s10 =	sadd.s32 s10, s7;
	s7 =	sor.u32 $0x1C01, s28;
	s9 =	sadd.s32 $0x6CE00, s14  }
0x13: {  	s11 =	smax.u32 s13, $0x1;
	s12 =	sadd.s32 $0xB600, s31;
	s13 =	sadd.s32 $0x6600, s31  }
0x14: {  	s14 =	sshrl.u32 s17, $0x3;
	s17 =	simm.s32 $0x100;
	s10 =	sadd.s32 $0x12E00, s10  }
.LBB2_1:
0x15: {  	[spmem:s14], [sflag:s7] =	dma.local [hbm:s6], $0x2800  }
0x16: {  	_ =	swait.ge [sflag:s15], $0x2800  }
0x17: {  	[sflag:s15] =	ssyncset.done $0x0  }
0x18: {  	[sflag:s15] =	ssyncadd.s32 $0xFFFFD800  }
0x19: {  	s22 =	sadd.s32 $0x0, s13;
	[bflag:$0x0] =	sbarrier.arrive $0xFFFF  }
0x1a: {  	[tilespmem:s5], [sflag:$0x1] =	stream.linear.gather [hbm4b:s22+s5], $0x80, $0x38;
	[tilespmem:$0x19180] =	vst v63  }
0x1b: {  	_ =	swait.ge [sflag:s15], $0x80  }
0x1c: {  	[sflag:s15] =	ssyncset.done $0x0  }
0x1d: {  	s31 =	sadd.s32 $0x0, s12;
	[sflag:s15] =	ssyncadd.s32 $0xFFFFFF80  }
0x1e: {  	[tilespmem:s16], [sflag:$0x1] =	stream.linear.gather [hbm4b:s31+s5], $0x80, $0x38;
	[tilespmem:$0x19180] =	vst v63  }
0x1f: {  	_ =	swait.ge [sflag:s15], $0x80  }
0x20: {  	[sflag:s15] =	ssyncset.done $0x0  }
0x21: {  	[sflag:s15] =	ssyncadd.s32 $0xFFFFFF80  }
0x22: {  	[tilespmem:s17], [sflag:$0x1] =	stream.indirect.gather [hbm4b:s1+s16], $0x80, s5, s16, $0xb8;
	[tilespmem:$0x19180] =	vst v63  }
0x23: {  	_ =	swait.ge [sflag:s15], $0x4000  }
0x24: {  	[sflag:s15] =	ssyncset.done $0x0  }
0x25: {  	[sflag:s15] =	ssyncadd.s32 $0xFFFFC000  }
0x26: {  	[spmem:s4] =	stream.indirect.scatter.add.f32 [tilespmem:s17], [sflag:$0x1], $0x80, s16, s16, $0xb8;
	[tilespmem:$0x19180] =	vst v63  }
0x27: {  	_ =	swait.ge [sflag:s15], $0x4000  }
0x28: {  	s23 =	simm.s32 $0x20;
	s22 =	simm.s32 $0x10;
	[sflag:s15] =	ssyncset.done $0x0  }
.LBB2_2:
0x29: {  	s24 =	sadd.s32 s22, s13  }
0x2a: {  	[sflag:s15] =	ssyncadd.s32 $0xFFFFC000;
	s25 =	smov.u32 s23;
	s26 =	sadd.s32 $0x10, s23  }
0x2b: {  	[tilespmem:s5], [sflag:$0x1] =	stream.linear.gather [hbm4b:s24+s5], $0x80, $0x38;
	[tilespmem:$0x19180] =	vst v63  }
0x2c: {  	p0 =	sne.s32 s23, $0x270;
	_ =	swait.ge [sflag:s15], $0x80  }
0x2d: {  	[sflag:s15] =	ssyncset.done $0x0  }
0x2e: {  	s23 =	sadd.s32 s22, s12;
	s22 =	smov.u32 s25;
	[sflag:s15] =	ssyncadd.s32 $0xFFFFFF80  }
0x2f: {  	[tilespmem:s16], [sflag:$0x1] =	stream.linear.gather [hbm4b:s23+s5], $0x80, $0x38;
	[tilespmem:$0x19180] =	vst v63  }
0x30: {  	_ =	swait.ge [sflag:s15], $0x80  }
0x31: {  	[sflag:s15] =	ssyncset.done $0x0  }
0x32: {  	[sflag:s15] =	ssyncadd.s32 $0xFFFFFF80  }
0x33: {  	[tilespmem:s17], [sflag:$0x1] =	stream.indirect.gather [hbm4b:s1+s16], $0x80, s5, s16, $0xb8;
	[tilespmem:$0x19180] =	vst v63  }
0x34: {  	_ =	swait.ge [sflag:s15], $0x4000  }
.Ltmp0:
0x35: {  	[sflag:s15] =	ssyncset.done $0x0;
	(pc) =	sbr.rel @p0 .LBB2_2-.Ltmp0, $4  }
0x36: {  	[sflag:s15] =	ssyncadd.s32 $0xFFFFC000  }
0x37: {  	[spmem:s4] =	stream.indirect.scatter.add.f32 [tilespmem:s17], [sflag:$0x1], $0x80, s16, s16, $0xb8;
	[tilespmem:$0x19180] =	vst v63  }
0x38: {  	_ =	swait.ge [sflag:s15], $0x4000  }
0x39: {  	s23 =	smov.u32 s26;
	[sflag:s15] =	ssyncset.done $0x0  }
0x3a: {  	s23 =	sadd.s32 s22, s13;
	[sflag:s15] =	ssyncadd.s32 $0xFFFFC000  }
0x3b: {  	[tilespmem:s5], [sflag:$0x1] =	stream.linear.gather [hbm4b:s23+s5], $0x80, $0x38;
	[tilespmem:$0x19180] =	vst v63  }
0x3c: {  	_ =	swait.ge [sflag:s15], $0x80  }
0x3d: {  	[sflag:s15] =	ssyncset.done $0x0  }
0x3e: {  	s31 =	sadd.s32 s22, s12;
	[sflag:s15] =	ssyncadd.s32 $0xFFFFFF80  }
0x3f: {  	[tilespmem:s16], [sflag:$0x1] =	stream.linear.gather [hbm4b:s31+s5], $0x80, $0x38;
	[tilespmem:$0x19180] =	vst v63  }
0x40: {  	_ =	swait.ge [sflag:s15], $0x80  }
0x41: {  	[sflag:s15] =	ssyncset.done $0x0  }
0x42: {  	[sflag:s15] =	ssyncadd.s32 $0xFFFFFF80  }
0x43: {  	[tilespmem:s17], [sflag:$0x1] =	stream.indirect.gather [hbm4b:s1+s16], $0x80, s5, s16, $0xb8;
	[tilespmem:$0x19180] =	vst v63  }
0x44: {  	_ =	swait.ge [sflag:s15], $0x4000  }
0x45: {  	[sflag:s15] =	ssyncset.done $0x0  }
0x46: {  	[sflag:s15] =	ssyncadd.s32 $0xFFFFC000  }
0x47: {  	[spmem:s4] =	stream.indirect.scatter.add.f32 [tilespmem:s17], [sflag:$0x1], $0x80, s16, s16, $0xb8;
	[tilespmem:$0x19180] =	vst v63  }
0x48: {  	_ =	swait.ge [sflag:s15], $0x4000  }
0x49: {  	[sflag:s15] =	ssyncset.done $0x0  }
0x4a: {  	[sflag:s15] =	ssyncadd.s32 $0xFFFFC000  }
0x4b: {  	[tilespmem:s18], [sflag:$0x1] =	stream.linear.gather [hbm4b:s8+s5], $0x20, $0x38;
	[tilespmem:$0x19180] =	vst v63  }
0x4c: {  	_ =	swait.ge [sflag:s15], $0x20  }
0x4d: {  	[sflag:s15] =	ssyncset.done $0x0  }
0x4e: {  	[sflag:s15] =	ssyncadd.s32 $0xFFFFFFE0  }
0x4f: {  	[tilespmem:s20], [sflag:$0x1] =	stream.indirect.gather [hbm4b:s3+s19], $0x80, s18, s19, $0xb8;
	[tilespmem:$0x19180] =	vst v63  }
0x50: {  	_ =	swait.ge [sflag:s15], $0x1000  }
0x51: {  	[sflag:s15] =	ssyncset.done $0x0  }
0x52: {  	[sflag:s15] =	ssyncadd.s32 $0xFFFFF000  }
0x53: {  	[hbm4b:s9+s5] =	stream.linear.scatter [tilespmem:s20], [sflag:$0x1], $0x1000, $0x38;
	[tilespmem:$0x19180] =	vst v63  }
0x54: {  	_ =	swait.ge [sflag:s15], $0x1000  }
0x55: {  	s21 =	sadd.s32 $0x1, s21;
	[sflag:s15] =	ssyncset.done $0x0  }
0x56: {  	p0 =	sne.s32 s21, s11;
	[sflag:s15] =	ssyncadd.s32 $0xFFFFF000  }
.Ltmp1:
0x57: {  	[bflag:$0x0] =	sbarrier.arrive $0xFFFF;
	(pc) =	sbr.rel @p0 .LBB2_1-.Ltmp1, $4  }
0x58: {  	[hbm:s10], [sflag:s7] =	dma.local [spmem:s14], $0x2800  }
0x59: {  	_ =	swait.ge [sflag:s15], $0x2800  }
0x5a: {  	[sflag:s15] =	ssyncset.done $0x0  }
0x5b: {  	[sflag:s15] =	ssyncadd.s32 $0xFFFFD800  }
0x5c: {  	_ =	sfence.sel $0x180000  }
0x5d: {  	[bflag:$0x0] =	sbarrier.arrive $0xFFFF  }
0x5e: {  	p0 =	sne.s32 s2, $0x0;
	_ =	strace $0x90000050  }
0x5f: {  	s0 =	sadd.s32 @!p0 $0x100000, s0;
	[bflag:$0x2] =	sbarrier.arrive $0xFFFF  }
0x60: {  	[sflag:s0] =	ssyncadd.tile.s32 @!p0 $0x1;
	_ =	shalt  }
.Lfunc_end2:
_tile_overlayer_lowered:
.L_overlay_start_2:
0x61: {  	(tag) =	ssettag $0x2  }
0x62: {  	s0 =	rddreg [dreg:$0x0];
	s2 =	stileid.u32  }
0x63: {  	s1 =	rddreg [dreg:$0x1];
	p0 =	sne.s32 s2, $0x0  }
0x64: {  	s3 =	rddreg [dreg:$0x2];
	[bflag:$0x3] =	sbarrier.arrive $0xFFFF;
	s2 =	simm.s32 @!p0 $0x1C01  }
0x65: {  	[timem:s3], [sflag:s2] =	dma.local @!p0 [hbm:s0], s1  }
0x66: {  	s0 =	simm.s32 @!p0 $0x1  }
0x67: {  	_ =	swait.ge @!p0 [sflag:s0], s1  }
0x68: {  	s1 =	ssub.s32 @!p0 $0x0, s1;
	[sflag:s0] =	ssyncset.done @!p0 $0x0  }
0x69: {  	[sflag:s0] =	ssyncadd.s32 @!p0 s1  }
0x6a: {  	[bflag:$0x3] =	sbarrier.arrive $0xFFFF  }
0x6b: {  	_ =	shalt  }

// kernel: kernel.25.cloned.1.call-start
scs
__scs_entry_jumppad:
0x0: {  	(pc) =	sbr.rel $0x88, $3  }
0x1: {  	(tag) =	ssettag $0x0;
	lr =	simm.s32 $0x1  }
0x2: {  	[smem:$0x3F8C] =	sst lr;
	_ =	strace $0xD0000000  }
0x3: {  	_ = 	snop  }
0x4: {  	_ = 	snop  }
0x5: {  	_ = 	snop  }
0x6: {  	_ = 	snop  }
0x7: {  	_ = 	snop  }
__scs_overlays_trampoline_lowered:
0x8: {  	[smem:$0x3F9B] =	sst s0  }
0x9: {  	[smem:$0x3F9C] =	sst s1  }
0xa: {  	[smem:$0x3F9D] =	sst s2  }
0xb: {  	[smem:$0x3F9E] =	sst s3  }
0xc: {  	[smem:$0x3F9F] =	sst s4  }
0xd: {  	[smem:$0x3FA0] =	sst s5  }
0xe: {  	[smem:$0x3FA1] =	sst s6  }
0xf: {  	[smem:$0x3FA2] =	sst s7  }
0x10: {  	[smem:$0x3FA3] =	sst s8  }
0x11: {  	[smem:$0x3FA4] =	sst s9;
	s0 =	simm.s32 @!p0 $0x0  }
0x12: {  	s1 =	sld [smem:$0x3F8A];
	s0 =	simm.s32 @p0 $0x1  }
0x13: {  	[smem:$0x3FA5] =	sst s0;
	s0 =	simm.s32 @!p1 $0x0  }
0x14: {  	s2 =	sld [smem:$0x3F89];
	s0 =	simm.s32 @p1 $0x1  }
0x15: {  	[smem:$0x3FA6] =	sst s0;
	s0 =	simm.s32 @!p2 $0x0  }
0x16: {  	s3 =	sld [smem:$0x3FDB];
	s0 =	simm.s32 @p2 $0x1  }
0x17: {  	s4 =	simm.s32 $0x1BF5;
	[smem:$0x3FA8] =	sst s0  }
0x18: {  	s0 =	sld [smem:$0x3F8B];
	_ =	swait.ge [sflag:s4], $0x0  }
0x19: {  	s7 =	sld [smem:$0x3F8C]  }
0x1a: {  	s8 =	sadd.s32 $0xFFFFE003, lr  }
0x1b: {  	s9 =	sadd.s32 $0xFFFFFEF7, lr;
	s5 =	simm.s32 $0xFFFFFFFF;
	p2 =	slt.u32 s8, $0xFFFFF086  }
0x1c: {  	p1 =	slt.u32 s9, $0xF7A;
	s5 =	simm.s32 @!p2 $0x0  }
0x1d: {  	s5 =	simm.s32 @p1 $0x1;
	p0 =	seq.s32 s7, s2  }
0x1e: {  	s7 =	smul.u32 @!p0 $0xF7A, s2;
	p2 =	seq.s32 @!p0 s5, $0x0  }
0x1f: {  	s9 =	smul.u32 $0xF7A, s1;
	s8 =	simm.s32 @!p0 $0x1BF5;
	p2 =	por !p2, p0  }
0x20: {  	[sflag:s8] =	ssyncset.s32 @!p0 $0xFFFFF086;
	s6 =	sadd.s32 @!p0 s3, s7;
	s7 =	simm.s32 @!p0 $0x108  }
0x21: {  	s3 =	sadd.s32 s3, s9;
	s6 =	sadd.s32 @!p0 $0x88, s6;
	s7 =	simm.s32 @p2 $0x1082  }
0x22: {  	[simem:s7], [sflag:s8] =	dma.local @!p0 [hbm:s6], $0xF7A  }
0x23: {  	s9 =	sor.u32 $0xD0000000, s2;
	s6 =	simm.s32 $0x108;
	_ =	swait.ge @!p0 [sflag:s8], $0x0  }
0x24: {  	s3 =	sadd.s32 $0x88, s3;
	s6 =	simm.s32 @!p1 $0x1082;
	[sflag:s4] =	ssyncset.s32 $0xFFFFF086  }
0x25: {  	[simem:s6], [sflag:s4] =	dma.local [hbm:s3], $0xF7A  }
0x26: {  	[smem:$0x3F8C] =	sst s1;
	(tag) =	ssettag s2;
	_ =	strace s9  }
0x27: {  	s1 =	sld [smem:$0x3F9C]  }
0x28: {  	s2 =	sld [smem:$0x3F9D]  }
0x29: {  	s4 =	sld [smem:$0x3F9F]  }
0x2a: {  	p0 =	seq.s32 s5, $0x0;
	s5 =	sld [smem:$0x3FA0]  }
0x2b: {  	s6 =	sld [smem:$0x3FA1]  }
0x2c: {  	s7 =	sld [smem:$0x3FA2]  }
0x2d: {  	s3 =	simm.s32 $0x108;
	s8 =	sld [smem:$0x3FA3]  }
0x2e: {  	s3 =	simm.s32 @!p0 $0x1082;
	s9 =	sld [smem:$0x3FA4]  }
0x2f: {  	lr =	sadd.s32 s0, s3;
	s0 =	sld [smem:$0x3F9B]  }
0x30: {  	s3 =	sld [smem:$0x3F9E]  }
0x31: {  	[smem:$0x3FA7] =	sst s10  }
0x32: {  	s10 =	sld [smem:$0x3FA5];
	_ =	sdelay $0x3  }
0x33: {  	p0 =	seq.s32 s10, $0x1;
	s10 =	sld [smem:$0x3FA7];
	_ =	sdelay $0x3  }
0x34: {  	[smem:$0x3FA7] =	sst s10  }
0x35: {  	s10 =	sld [smem:$0x3FA6];
	_ =	sdelay $0x3  }
0x36: {  	p1 =	seq.s32 s10, $0x1;
	s10 =	sld [smem:$0x3FA7];
	_ =	sdelay $0x3  }
0x37: {  	[smem:$0x3FA7] =	sst s10  }
0x38: {  	s10 =	sld [smem:$0x3FA8]  }
0x39: {  	_ = 	snop;
	(pc) =	sbr.ind lr, $3  }
0x3a: {  	_ = 	snop  }
0x3b: {  	_ = 	snop  }
0x3c: {  	p2 =	seq.s32 s10, $0x1;
	s10 =	sld [smem:$0x3FA7]  }
0x3d: {  	_ =	shalt  }
0x3e: {  	_ =	shalt  }
0x3f: {  	_ =	shalt  }
0x40: {  	_ =	shalt  }
0x41: {  	_ =	shalt  }
0x42: {  	_ =	shalt  }
0x43: {  	_ =	shalt  }
0x44: {  	_ =	shalt  }
0x45: {  	_ =	shalt  }
0x46: {  	_ =	shalt  }
0x47: {  	_ =	shalt  }
0x48: {  	_ =	shalt  }
0x49: {  	_ =	shalt  }
0x4a: {  	_ =	shalt  }
0x4b: {  	_ =	shalt  }
0x4c: {  	_ =	shalt  }
0x4d: {  	_ =	shalt  }
0x4e: {  	_ =	shalt  }
0x4f: {  	_ =	shalt  }
0x50: {  	_ =	shalt  }
0x51: {  	_ =	shalt  }
0x52: {  	_ =	shalt  }
0x53: {  	_ =	shalt  }
0x54: {  	_ =	shalt  }
0x55: {  	_ =	shalt  }
0x56: {  	_ =	shalt  }
0x57: {  	_ =	shalt  }
0x58: {  	_ =	shalt  }
0x59: {  	_ =	shalt  }
0x5a: {  	_ =	shalt  }
0x5b: {  	_ =	shalt  }
0x5c: {  	_ =	shalt  }
0x5d: {  	_ =	shalt  }
0x5e: {  	_ =	shalt  }
0x5f: {  	_ =	shalt  }
0x60: {  	_ =	shalt  }
0x61: {  	_ =	shalt  }
0x62: {  	_ =	shalt  }
0x63: {  	_ =	shalt  }
0x64: {  	_ =	shalt  }
0x65: {  	_ =	shalt  }
0x66: {  	_ =	shalt  }
0x67: {  	_ =	shalt  }
0x68: {  	_ =	shalt  }
0x69: {  	_ =	shalt  }
0x6a: {  	_ =	shalt  }
0x6b: {  	_ =	shalt  }
0x6c: {  	_ =	shalt  }
0x6d: {  	_ =	shalt  }
0x6e: {  	_ =	shalt  }
0x6f: {  	_ =	shalt  }
0x70: {  	_ =	shalt  }
0x71: {  	_ =	shalt  }
0x72: {  	_ =	shalt  }
0x73: {  	_ =	shalt  }
0x74: {  	_ =	shalt  }
0x75: {  	_ =	shalt  }
0x76: {  	_ =	shalt  }
0x77: {  	_ =	shalt  }
0x78: {  	_ =	shalt  }
0x79: {  	_ =	shalt  }
0x7a: {  	_ =	shalt  }
0x7b: {  	_ =	shalt  }
0x7c: {  	_ =	shalt  }
0x7d: {  	_ =	shalt  }
0x7e: {  	_ =	shalt  }
0x7f: {  	_ =	shalt  }
0x80: {  	_ =	shalt  }
0x81: {  	_ =	shalt  }
0x82: {  	_ =	shalt  }
0x83: {  	_ =	shalt  }
0x84: {  	_ =	shalt  }
0x85: {  	_ =	shalt  }
0x86: {  	_ =	shalt  }
0x87: {  	_ =	shalt  }
.Lfunc_end0:
.L_simem_size_0:
called_computation.4_lowered:
.L_overlay_start_0:
0x88: {  	s2 =	sld [smem:$0x3FD9]  }
0x89: {  	s3 =	sld [smem:$0x3FFE];
	_ =	sdelay $0x1  }
0x8a: {  	s1 =	srdreg.scid  }
0x8b: {  	s0 =	sand.u32 $0x1, s1  }
0x8c: {  	s14 =	sshll.u32 s0, $0xA;
	s2 =	sadd.s32 s3, s2  }
0x8d: {  	s2 =	sadd.s32 s2, s14  }
0x8e: {  	[smem:$0x3FB3] =	sst s2  }
0x8f: {  	_ = 	snop  }
0x90: {  	s2 =	sld [smem:$0x3FD0];
	_ =	sdelay $0x2  }
0x91: {  	s15 =	simm.s32 $0xA;
	s4 =	simm.s32 $0x10  }
0x92: {  	[smem:s4], [sflag:s15] =	dma.local [hbm:s2], $0x1  }
0x93: {  	_ =	swait.eq [sflag:s15], $0x1  }
0x94: {  	[sflag:s15] =	ssyncset.done $0x0  }
0x95: {  	[sflag:s15] =	ssyncadd.s32 $0xFFFFFFFF  }
0x96: {  	s16 =	sld [smem:$0x11];
	(tm) =	ssettm $0x1  }
0x97: {  	s17 =	sld [smem:$0x3FFB];
	_ =	sdelay $0x3  }
0x98: {  	_ =	strace s17  }
0x99: {  	s3 =	sld [smem:$0x3FFC];
	_ =	sdelay $0x3  }
0x9a: {  	_ =	strace s3  }
0x9b: {  	s3 =	sld [smem:$0x3FFD];
	_ =	sdelay $0x3  }
0x9c: {  	_ =	strace s3  }
0x9d: {  	_ =	strace $0x8FFFFFFF  }
0x9e: {  	s18 =	sld [smem:$0x3FDB];
	_ =	sdelay $0x1  }
0x9f: {  	s19 =	simm.s32 $_scs_section_size  }
0xa0: {  	s5 =	simm.s32 $_size__tile_overlayer_lowered;
	s6 =	simm.s32 $_tile_overlayer_lowered  }
0xa1: {  	s22 =	simm.s32 $0x1BFF;
	s21 =	sshll.u32 s6, $0x1;
	s3 =	sadd.s32 s19, s18  }
0xa2: {  	s7 =	simm.s32 $0x0;
	s20 =	sshll.u32 s5, $0x1;
	s5 =	sadd.s32 s21, s3  }
0xa3: {  	[timem:s7], [sflag:s22] =	dma.local [hbm:s5], s20  }
0xa4: {  	_ =	swait.ge [sflag:s22], s20  }
0xa5: {  	s4 =	ssub.s32 $0x0, s20;
	[sflag:s22] =	ssyncset.done $0x0  }
0xa6: {  	[sflag:s22] =	ssyncadd.s32 s4;
	_ =	sdelay $0x1  }
0xa7: {  	s23 =	simm.s32 $0x1B8B  }
0xa8: {  	_ =	swait.ge [sflag:s23], $0x1  }
0xa9: {  	[sflag:s23] =	ssyncset.done $0x0  }
0xaa: {  	s25 =	simm.s32 $0x1B8E;
	s24 =	sld [smem:$0x3FFE];
	[sflag:s23] =	ssyncadd.s32 $0xFFFFFFFF  }
0xab: {  	s26 =	simm.s32 $execute0_lowered;
	[smem:$0x3FD2] =	sst s25  }
0xac: {  	s5 =	sshll.u32 s26, $0x1;
	_ =	strace $0x80000052;
	[dreg:$0x1] =	wrdreg $0xFFFFFFFF  }
0xad: {  	s28 =	simm.s32 $_size_execute0_lowered;
	s3 =	sadd.s32 s3, s5;
	[dreg:$0x0] =	wrdreg $0x0  }
0xae: {  	s5 =	sshll.u32 s28, $0x1;
	[dreg:$0x2] =	wrdreg s3  }
0xaf: {  	[dreg:$0x3] =	wrdreg s5  }
0xb0: {  	[dreg:$0x4] =	wrdreg $0xC0  }
0xb1: {  	_ =	task [dreg:s7], $0x5FFFF  }
0xb2: {  	[dreg:$0x1] =	wrdreg $0xFFFFFFFF  }
0xb3: {  	[dreg:$0x0] =	wrdreg $0x60  }
0xb4: {  	[dreg:$0x2] =	wrdreg s24  }
0xb5: {  	[dreg:$0x3] =	wrdreg s16  }
0xb6: {  	[dreg:$0x4] =	wrdreg $0x41000  }
0xb7: {  	[dreg:$0x5] =	wrdreg $0x9  }
0xb8: {  	_ =	task.clear_ibuf [dreg:s7], $0x6FFFF;
	_ =	strace $0x90000052  }
0xb9: {  	s29 =	simm.s32 $0x9;
	_ =	strace $0x80000054  }
0xba: {  	_ =	swait.ge [sflag:s29], $0x1  }
0xbb: {  	[sflag:s29] =	ssyncadd.s32 $0xFFFFFFFF  }
0xbc: {  	_ =	strace $0x90000054  }
0xbd: {  	_ =	sfence  }
0xbe: {  	s30 =	sld [smem:$0x0];
	_ =	sdelay $0x2  }
0xbf: {  	s31 =	sshll.u32 s1, $0xD;
	s1 =	sshrl.u32 s1, $0x2  }
0xc0: {  	s3 =	sand.u32 $0x4000, s31;
	s1 =	sadd.s32 s1, s30  }
0xc1: {  	s0 =	sor.u32 s3, s0;
	s1 =	sshll.u32 s1, $0x11  }
0xc2: {  	s0 =	sor.u32 s1, s0  }
0xc3: {  	s0 =	sadd.s32 $0x8F2B, s0  }
0xc4: {  	[sflag:s0] =	ssyncadd.remote.s32 $0x1  }
0xc5: {  	_ =	sfence.sel $0xFFFF  }
0xc6: {  	[dreg:$0x0] =	wrdreg $0xFFFFFFFF;
	(pc) =	sbr.abs _section_cstart, $3  }
0xc7: {  	[dreg:$0x1] =	wrdreg $0xFFFFFFFF  }
0xc8: {  	_ =	task.clear_ibuf [dreg:s7], $0x2FFFF;
	_ =	strace $0x9FFFFFFF  }
0xc9: {  	(tm) =	ssettm $0x7FFFFFFF  }
tec
execute0_lowered:
.L_overlay_start_1:
0x0: {  	(tag) =	ssettag $0x1  }
0x1: {  	s6 =	rddreg [dreg:$0x0]  }
0x2: {  	s1 =	srdreg.scid;
	s2 =	rddreg [dreg:$0x1]  }
0x3: {  	s0 =	stileid.u32;
	s3 =	rddreg [dreg:$0x2];
	s4 =	simm.s32 $0x0  }
0x4: {  	s14 =	simm.s32 $0x100;
	s15 =	simm.s32 $0x0;
	s5 =	smul.u32 $0x2800, s0  }
0x5: {  	s7 =	sand.u32 $0x1, s1;
	s1 =	rddreg [dreg:$0x3];
	s29 =	smul.u32 $0x500, s0  }
0x6: {  	[smem:$0x7FF] =	sst s4;
	s11 =	smul.u32 $0x50000, s0;
	s12 =	sshll.u32 s0, $0x6  }
0x7: {  	s8 =	smul.u32 $0x28000, s7;
	_ =	strace $0x80000053;
	s31 =	ssub.s32 $0x2, s7  }
0x8: {  	s30 =	sadd.s32 s29, s6;
	s7 =	sshrl.u32 s31, $0x1;
	s11 =	sshrl.u32 s11, $0x2  }
0x9: {  	s8 =	sadd.s32 s5, s8;
	s5 =	sadd.s32 $0x10600, s6;
	s13 =	ssub.s32 s31, s7  }
0xa: {  	s11 =	sadd.s32 s11, s3;
	s9 =	sshrl.u32 s8, $0x3;
	s8 =	sadd.s32 s8, s6  }
0xb: {  	s11 =	sshrl.u32 s11, $0x3;
	s10 =	sadd.s32 s9, s6;
	s6 =	sor.u32 $0x1C01, s12  }
0xc: {  	s7 =	sadd.s32 $0x12E00, s8;
	s8 =	smax.u32 s13, $0x1;
	s9 =	sadd.s32 $0xB600, s30  }
0xd: {  	s12 =	simm.s32 $0x1;
	s13 =	simm.s32 $0x80;
	s10 =	sadd.s32 $0x62E00, s10  }
.LBB2_1:
0xe: {  	[spmem:s11], [sflag:s6] =	dma.local [hbm:s5], $0x2800  }
0xf: {  	_ =	swait.ge [sflag:s12], $0x2800  }
0x10: {  	[sflag:s12] =	ssyncset.done $0x0  }
0x11: {  	[sflag:s12] =	ssyncadd.s32 $0xFFFFD800  }
0x12: {  	s16 =	sadd.s32 $0x0, s10;
	[bflag:$0x0] =	sbarrier.arrive $0xFFFF  }
0x13: {  	[tilespmem:s4], [sflag:$0x1] =	stream.linear.gather [hbm4b:s16+s4], $0x80, $0x38;
	[tilespmem:$0x18100] =	vst v63  }
0x14: {  	_ =	swait.ge [sflag:s12], $0x80  }
0x15: {  	[sflag:s12] =	ssyncset.done $0x0  }
0x16: {  	s31 =	sadd.s32 $0x0, s9;
	[sflag:s12] =	ssyncadd.s32 $0xFFFFFF80  }
0x17: {  	[tilespmem:s13], [sflag:$0x1] =	stream.linear.gather [hbm4b:s31+s4], $0x80, $0x38;
	[tilespmem:$0x18100] =	vst v63  }
0x18: {  	_ =	swait.ge [sflag:s12], $0x80  }
0x19: {  	[sflag:s12] =	ssyncset.done $0x0  }
0x1a: {  	[sflag:s12] =	ssyncadd.s32 $0xFFFFFF80  }
0x1b: {  	[tilespmem:s14], [sflag:$0x1] =	stream.indirect.gather [hbm4b:s2+s13], $0x80, s4, s13, $0xb8;
	[tilespmem:$0x18100] =	vst v63  }
0x1c: {  	_ =	swait.ge [sflag:s12], $0x4000  }
0x1d: {  	[sflag:s12] =	ssyncset.done $0x0  }
0x1e: {  	[sflag:s12] =	ssyncadd.s32 $0xFFFFC000  }
0x1f: {  	[spmem:s3] =	stream.indirect.scatter.add.f32 [tilespmem:s14], [sflag:$0x1], $0x80, s13, s13, $0xb8;
	[tilespmem:$0x18100] =	vst v63  }
0x20: {  	_ =	swait.ge [sflag:s12], $0x4000  }
0x21: {  	s17 =	simm.s32 $0x20;
	s16 =	simm.s32 $0x10;
	[sflag:s12] =	ssyncset.done $0x0  }
.LBB2_2:
0x22: {  	s18 =	sadd.s32 s16, s10  }
0x23: {  	[sflag:s12] =	ssyncadd.s32 $0xFFFFC000;
	s19 =	smov.u32 s17;
	s20 =	sadd.s32 $0x10, s17  }
0x24: {  	[tilespmem:s4], [sflag:$0x1] =	stream.linear.gather [hbm4b:s18+s4], $0x80, $0x38;
	[tilespmem:$0x18100] =	vst v63  }
0x25: {  	p0 =	sne.s32 s17, $0x4F0;
	_ =	swait.ge [sflag:s12], $0x80  }
0x26: {  	[sflag:s12] =	ssyncset.done $0x0  }
0x27: {  	s17 =	sadd.s32 s16, s9;
	s16 =	smov.u32 s19;
	[sflag:s12] =	ssyncadd.s32 $0xFFFFFF80  }
0x28: {  	[tilespmem:s13], [sflag:$0x1] =	stream.linear.gather [hbm4b:s17+s4], $0x80, $0x38;
	[tilespmem:$0x18100] =	vst v63  }
0x29: {  	_ =	swait.ge [sflag:s12], $0x80  }
0x2a: {  	[sflag:s12] =	ssyncset.done $0x0  }
0x2b: {  	[sflag:s12] =	ssyncadd.s32 $0xFFFFFF80  }
0x2c: {  	[tilespmem:s14], [sflag:$0x1] =	stream.indirect.gather [hbm4b:s2+s13], $0x80, s4, s13, $0xb8;
	[tilespmem:$0x18100] =	vst v63  }
0x2d: {  	_ =	swait.ge [sflag:s12], $0x4000  }
.Ltmp0:
0x2e: {  	[sflag:s12] =	ssyncset.done $0x0;
	(pc) =	sbr.rel @p0 .LBB2_2-.Ltmp0, $4  }
0x2f: {  	[sflag:s12] =	ssyncadd.s32 $0xFFFFC000  }
0x30: {  	[spmem:s3] =	stream.indirect.scatter.add.f32 [tilespmem:s14], [sflag:$0x1], $0x80, s13, s13, $0xb8;
	[tilespmem:$0x18100] =	vst v63  }
0x31: {  	_ =	swait.ge [sflag:s12], $0x4000  }
0x32: {  	s17 =	smov.u32 s20;
	[sflag:s12] =	ssyncset.done $0x0  }
0x33: {  	s17 =	sadd.s32 s16, s10;
	[sflag:s12] =	ssyncadd.s32 $0xFFFFC000  }
0x34: {  	[tilespmem:s4], [sflag:$0x1] =	stream.linear.gather [hbm4b:s17+s4], $0x80, $0x38;
	[tilespmem:$0x18100] =	vst v63  }
0x35: {  	_ =	swait.ge [sflag:s12], $0x80  }
0x36: {  	[sflag:s12] =	ssyncset.done $0x0  }
0x37: {  	s31 =	sadd.s32 s16, s9;
	[sflag:s12] =	ssyncadd.s32 $0xFFFFFF80  }
0x38: {  	[tilespmem:s13], [sflag:$0x1] =	stream.linear.gather [hbm4b:s31+s4], $0x80, $0x38;
	[tilespmem:$0x18100] =	vst v63  }
0x39: {  	_ =	swait.ge [sflag:s12], $0x80  }
0x3a: {  	[sflag:s12] =	ssyncset.done $0x0  }
0x3b: {  	[sflag:s12] =	ssyncadd.s32 $0xFFFFFF80  }
0x3c: {  	[tilespmem:s14], [sflag:$0x1] =	stream.indirect.gather [hbm4b:s2+s13], $0x80, s4, s13, $0xb8;
	[tilespmem:$0x18100] =	vst v63  }
0x3d: {  	_ =	swait.ge [sflag:s12], $0x4000  }
0x3e: {  	[sflag:s12] =	ssyncset.done $0x0  }
0x3f: {  	[sflag:s12] =	ssyncadd.s32 $0xFFFFC000  }
0x40: {  	[spmem:s3] =	stream.indirect.scatter.add.f32 [tilespmem:s14], [sflag:$0x1], $0x80, s13, s13, $0xb8;
	[tilespmem:$0x18100] =	vst v63  }
0x41: {  	_ =	swait.ge [sflag:s12], $0x4000  }
0x42: {  	s15 =	sadd.s32 $0x1, s15;
	[sflag:s12] =	ssyncset.done $0x0  }
0x43: {  	p0 =	sne.s32 s15, s8;
	[sflag:s12] =	ssyncadd.s32 $0xFFFFC000  }
.Ltmp1:
0x44: {  	[bflag:$0x0] =	sbarrier.arrive $0xFFFF;
	(pc) =	sbr.rel @p0 .LBB2_1-.Ltmp1, $4  }
0x45: {  	[hbm:s7], [sflag:s6] =	dma.local [spmem:s11], $0x2800  }
0x46: {  	_ =	swait.ge [sflag:s12], $0x2800  }
0x47: {  	[sflag:s12] =	ssyncset.done $0x0  }
0x48: {  	[sflag:s12] =	ssyncadd.s32 $0xFFFFD800  }
0x49: {  	_ =	sfence.sel $0x180000  }
0x4a: {  	[bflag:$0x0] =	sbarrier.arrive $0xFFFF  }
0x4b: {  	p0 =	sne.s32 s0, $0x0;
	_ =	strace $0x90000053  }
0x4c: {  	s0 =	sadd.s32 @!p0 $0x100000, s1;
	[bflag:$0x2] =	sbarrier.arrive $0xFFFF  }
0x4d: {  	[sflag:s0] =	ssyncadd.tile.s32 @!p0 $0x1;
	_ =	shalt  }
.Lfunc_end2:
_tile_overlayer_lowered:
.L_overlay_start_2:
0x4e: {  	(tag) =	ssettag $0x2  }
0x4f: {  	s0 =	rddreg [dreg:$0x0];
	s2 =	stileid.u32  }
0x50: {  	s1 =	rddreg [dreg:$0x1];
	p0 =	sne.s32 s2, $0x0  }
0x51: {  	s3 =	rddreg [dreg:$0x2];
	[bflag:$0x3] =	sbarrier.arrive $0xFFFF;
	s2 =	simm.s32 @!p0 $0x1C01  }
0x52: {  	[timem:s3], [sflag:s2] =	dma.local @!p0 [hbm:s0], s1  }
0x53: {  	s0 =	simm.s32 @!p0 $0x1  }
0x54: {  	_ =	swait.ge @!p0 [sflag:s0], s1  }
0x55: {  	s1 =	ssub.s32 @!p0 $0x0, s1;
	[sflag:s0] =	ssyncset.done @!p0 $0x0  }
0x56: {  	[sflag:s0] =	ssyncadd.s32 @!p0 s1  }
0x57: {  	[bflag:$0x3] =	sbarrier.arrive $0xFFFF  }
0x58: {  	_ =	shalt  }

</sc_bundles>
